<compile_context>
chip_gen: v7x
topology: tpu7x:2x2x1
jax: 0.10.2.dev20260603
libtpu: 0.0.44.dev20260713+nightly
codegen_flags: <defaults>
</compile_context>

<pallas_src>
import functools

import jax
import jax.numpy as jnp
from jax import lax
from jax.experimental import pallas as pl
from jax.experimental.pallas import tpu as pltpu
from jax.experimental.pallas import tpu_sc as plsc

_NC = 2
_NS = 16
_NW = _NC * _NS
_DEGW = 128
_K = 40


def _pad_rows(N):
    return (N // 128 + 1) * 128


_NBUF = 2
_NIDX = 4


def _build_deg(N, CH):
    NP = _pad_rows(N)
    ROWS = NP // _NS
    mesh = plsc.VectorSubcoreMesh(core_axis_name="c", subcore_axis_name="s")
    assert CH % _NIDX == 0

    @functools.partial(
        pl.kernel,
        out_type=jax.ShapeDtypeStruct((_NC * NP, _DEGW), jnp.float32),
        mesh=mesh,
        scratch_types=[
            [pltpu.VMEM((_K,), jnp.int32) for _ in range(_NIDX)],
            pltpu.VMEM((_K, _DEGW), jnp.float32),
            pltpu.SemaphoreType.DMA((_NIDX,)),
            pltpu.VMEM_SHARED((NP, _DEGW), jnp.float32),
        ],
    )
    def deg_k(dst_hbm, ones_hbm, zeros_hbm, out_hbm, idx_v, ones_v, dsem,
              acc_sh):
        c = lax.axis_index("c")
        s = lax.axis_index("s")
        w = c * _NS + s
        pltpu.sync_copy(ones_hbm, ones_v)
        pltpu.sync_copy(zeros_hbm, acc_sh.at[pl.ds(s * ROWS, ROWS)])
        for q in range(_NIDX):
            pltpu.async_copy(dst_hbm.at[w, q], idx_v[q], dsem.at[q])
        plsc.subcore_barrier()

        def body(j, carry):
            for r in range(_NIDX):
                i = j * _NIDX + r
                pltpu.make_async_copy(dst_hbm.at[0, 0], idx_v[r],
                                      dsem.at[r]).wait()
                pltpu.sync_copy(ones_v, acc_sh.at[idx_v[r]], add=True)

                @pl.when(i + _NIDX < CH)
                def _():
                    pltpu.async_copy(dst_hbm.at[w, i + _NIDX], idx_v[r],
                                     dsem.at[r])
            return carry

        lax.fori_loop(0, CH // _NIDX, body, 0)
        plsc.subcore_barrier()
        pltpu.sync_copy(acc_sh.at[pl.ds(s * ROWS, ROWS)],
                        out_hbm.at[pl.ds(c * NP + s * ROWS, ROWS)])

    return deg_k


def _build_agg(N, H, CH):
    NP = _pad_rows(N)
    ROWS = NP // _NS
    mesh = plsc.VectorSubcoreMesh(core_axis_name="c", subcore_axis_name="s")
    assert CH % _NIDX == 0

    @functools.partial(
        pl.kernel,
        out_type=jax.ShapeDtypeStruct((_NC * NP, H), jnp.float32),
        mesh=mesh,
        scratch_types=[
            [pltpu.VMEM((_K,), jnp.int32) for _ in range(_NIDX)],
            [pltpu.VMEM((_K,), jnp.int32) for _ in range(_NIDX)],
            [pltpu.VMEM((_K, H), jnp.float32) for _ in range(_NBUF)],
            pltpu.SemaphoreType.DMA((_NIDX,)),
            pltpu.SemaphoreType.DMA((_NIDX,)),
            pltpu.SemaphoreType.DMA((_NBUF,)),
            pltpu.VMEM_SHARED((NP, H), jnp.float32),
        ],
    )
    def agg_k(g_hbm, src_hbm, dst_hbm, zeros_hbm, out_hbm,
              isrc_v, idst_v, rows_v, isem, dsem, gsem, acc_sh):
        c = lax.axis_index("c")
        s = lax.axis_index("s")
        w = c * _NS + s
        pltpu.sync_copy(zeros_hbm, acc_sh.at[pl.ds(s * ROWS, ROWS)])

        for q in range(_NIDX):
            pltpu.async_copy(src_hbm.at[w, q], isrc_v[q], isem.at[q])
            pltpu.async_copy(dst_hbm.at[w, q], idst_v[q], dsem.at[q])
        plsc.subcore_barrier()
        for b in range(_NBUF):
            pltpu.make_async_copy(src_hbm.at[0, 0], isrc_v[b],
                                  isem.at[b]).wait()
            pltpu.async_copy(g_hbm.at[isrc_v[b]], rows_v[b], gsem.at[b])

        def outer(j, carry):
            for r in range(_NIDX):
                i = j * _NIDX + r
                b = r % _NBUF
                pltpu.make_async_copy(g_hbm.at[pl.ds(0, _K)], rows_v[b],
                                      gsem.at[b]).wait()
                pltpu.make_async_copy(src_hbm.at[0, 0], idst_v[r],
                                      dsem.at[r]).wait()
                pltpu.sync_copy(rows_v[b], acc_sh.at[idst_v[r]], add=True)

                @pl.when(i + _NBUF < CH)
                def _():
                    nxt = i + _NBUF
                    pltpu.make_async_copy(src_hbm.at[0, 0],
                                          isrc_v[(r + _NBUF) % _NIDX],
                                          isem.at[(r + _NBUF) % _NIDX]).wait()
                    pltpu.async_copy(g_hbm.at[isrc_v[(r + _NBUF) % _NIDX]],
                                     rows_v[b], gsem.at[b])

                @pl.when(i + _NIDX < CH)
                def _():
                    nn = i + _NIDX
                    pltpu.async_copy(src_hbm.at[w, nn], isrc_v[r],
                                     isem.at[r])
                    pltpu.async_copy(dst_hbm.at[w, nn], idst_v[r],
                                     dsem.at[r])
            return carry

        lax.fori_loop(0, CH // _NIDX, outer, 0)
        plsc.subcore_barrier()
        pltpu.sync_copy(acc_sh.at[pl.ds(s * ROWS, ROWS)],
                        out_hbm.at[pl.ds(c * NP + s * ROWS, ROWS)])

    return agg_k


def _mm_body(x_ref, w_ref, o_ref):
    o_ref[...] = jnp.dot(x_ref[...], w_ref[...],
                         preferred_element_type=jnp.float32)


def _matmul(x, w, rb=1000):
    n, f = x.shape
    h = w.shape[1]
    return pl.pallas_call(
        _mm_body,
        grid=(n // rb,),
        in_specs=[pl.BlockSpec((rb, f), lambda i: (i, 0)),
                  pl.BlockSpec((f, h), lambda i: (0, 0))],
        out_specs=pl.BlockSpec((rb, h), lambda i: (i, 0)),
        out_shape=jax.ShapeDtypeStruct((n, h), jnp.float32),
    )(x, w)


def _dinv_scale_body(deg_ref, hw_ref, dinv_ref, g_ref):
    deg = deg_ref[0, :, 0] + deg_ref[1, :, 0] + 1.0
    dinv = lax.rsqrt(deg)
    dinv_ref[...] = dinv[:, None]
    g_ref[...] = hw_ref[...] * dinv[:, None]


def _dinv_scale(deg2, hw, rb=1000):
    n, h = hw.shape
    return pl.pallas_call(
        _dinv_scale_body,
        grid=(n // rb,),
        in_specs=[pl.BlockSpec((2, rb, _DEGW), lambda i: (0, i, 0)),
                  pl.BlockSpec((rb, h), lambda i: (i, 0))],
        out_specs=[pl.BlockSpec((rb, 1), lambda i: (i, 0)),
                   pl.BlockSpec((rb, h), lambda i: (i, 0))],
        out_shape=[jax.ShapeDtypeStruct((n, 1), jnp.float32),
                   jax.ShapeDtypeStruct((n, h), jnp.float32)],
    )(deg2, hw)


def _layer2_body(agg_ref, g1_ref, dinv_ref, b1_ref, w2_ref, g2_ref):
    ssum = agg_ref[0] + agg_ref[1] + g1_ref[...]
    h1 = jnp.maximum(ssum * dinv_ref[...] + b1_ref[...], 0.0)
    g2_ref[...] = jnp.dot(h1, w2_ref[...],
                          preferred_element_type=jnp.float32) * dinv_ref[...]


def _layer2(agg1, g1, dinv, b1, w2, rb=1000):
    n, h = g1.shape
    return pl.pallas_call(
        _layer2_body,
        grid=(n // rb,),
        in_specs=[pl.BlockSpec((2, rb, h), lambda i: (0, i, 0)),
                  pl.BlockSpec((rb, h), lambda i: (i, 0)),
                  pl.BlockSpec((rb, 1), lambda i: (i, 0)),
                  pl.BlockSpec((1, h), lambda i: (0, 0)),
                  pl.BlockSpec((h, h), lambda i: (0, 0))],
        out_specs=pl.BlockSpec((rb, h), lambda i: (i, 0)),
        out_shape=jax.ShapeDtypeStruct((n, h), jnp.float32),
    )(agg1, g1, dinv, b1, w2)


def _lstm_stage_body(agg_ref, g2_ref, dinv_ref, b2_ref, wih_t_ref, bsum_ref,
                     whh_t_ref, wl_t_ref, bl_ref, out_ref,
                     h_s, c_s, xw_buf, hs_buf):
    rb = g2_ref.shape[0]
    H = g2_ref.shape[1]

    @pl.when(pl.program_id(0) == 0)
    def _():
        h_s[...] = jnp.zeros_like(h_s)
        c_s[...] = jnp.zeros_like(c_s)

    ssum = agg_ref[0] + agg_ref[1] + g2_ref[...]
    h2 = jnp.maximum(ssum * dinv_ref[...] + b2_ref[...], 0.0)
    xw_buf[...] = jnp.dot(h2, wih_t_ref[...],
                          preferred_element_type=jnp.float32) + bsum_ref[...]

    whh_bf = whh_t_ref[...].astype(jnp.bfloat16)

    def step(t, carry):
        h, c = carry
        gates = xw_buf[pl.ds(t, 1), :] + jnp.dot(
            h.astype(jnp.bfloat16), whh_bf,
            preferred_element_type=jnp.float32)
        i = 0.5 + 0.5 * jnp.tanh(0.5 * gates[:, 0:H])
        f = 0.5 + 0.5 * jnp.tanh(0.5 * gates[:, H:2 * H])
        g = jnp.tanh(gates[:, 2 * H:3 * H])
        o = 0.5 + 0.5 * jnp.tanh(0.5 * gates[:, 3 * H:4 * H])
        c2 = f * c + i * g
        h2v = o * jnp.tanh(c2)
        hs_buf[pl.ds(t, 1), :] = h2v
        return (h2v, c2)

    def step8(t8, carry):
        for u in range(8):
            carry = step(t8 * 8 + u, carry)
        return carry

    hN, cN = lax.fori_loop(0, rb // 8, step8, (h_s[...], c_s[...]))
    h_s[...] = hN
    c_s[...] = cN
    out_ref[...] = jnp.dot(hs_buf[...], wl_t_ref[...],
                           preferred_element_type=jnp.float32) + bl_ref[...]


def _lstm_stage(agg2, g2, dinv, b2, wih_t, bsum, whh_t, wl_t, bl, rb=1000):
    n, h = g2.shape
    o = wl_t.shape[1]
    return pl.pallas_call(
        _lstm_stage_body,
        grid=(n // rb,),
        in_specs=[pl.BlockSpec((2, rb, h), lambda i: (0, i, 0)),
                  pl.BlockSpec((rb, h), lambda i: (i, 0)),
                  pl.BlockSpec((rb, 1), lambda i: (i, 0)),
                  pl.BlockSpec((1, h), lambda i: (0, 0)),
                  pl.BlockSpec((h, 4 * h), lambda i: (0, 0)),
                  pl.BlockSpec((1, 4 * h), lambda i: (0, 0)),
                  pl.BlockSpec((h, 4 * h), lambda i: (0, 0)),
                  pl.BlockSpec((h, o), lambda i: (0, 0)),
                  pl.BlockSpec((1, o), lambda i: (0, 0))],
        out_specs=pl.BlockSpec((rb, o), lambda i: (i, 0)),
        out_shape=jax.ShapeDtypeStruct((n, o), jnp.float32),
        scratch_shapes=[pltpu.VMEM((1, h), jnp.float32),
                        pltpu.VMEM((1, h), jnp.float32),
                        pltpu.VMEM((rb, 4 * h), jnp.float32),
                        pltpu.VMEM((rb, h), jnp.float32)],
    )(agg2, g2, dinv, b2, wih_t, bsum, whh_t, wl_t, bl)


def kernel(x, edge_index, W1, b1, W2, b2, W_ih, W_hh, b_ih, b_hh, Wl, bl):
    N, F = x.shape
    E = edge_index.shape[1]
    H = W1.shape[1]
    O = Wl.shape[0]
    NP0 = _pad_rows(N)
    EPW = E // _NW
    GRAN = _K * _NIDX
    EPW_P = ((EPW + GRAN - 1) // GRAN) * GRAN
    CH = EPW_P // _K
    src = jnp.pad(edge_index[0].astype(jnp.int32).reshape(_NW, EPW),
                  ((0, 0), (0, EPW_P - EPW))).reshape(_NW, CH, _K)
    dst = jnp.pad(edge_index[1].astype(jnp.int32).reshape(_NW, EPW),
                  ((0, 0), (0, EPW_P - EPW)),
                  constant_values=NP0 - 1).reshape(_NW, CH, _K)

    NP = _pad_rows(N)
    ones_k = jnp.ones((_K, _DEGW), jnp.float32)
    zeros_deg = jnp.zeros((NP // _NS, _DEGW), jnp.float32)
    zeros_h = jnp.zeros((NP // _NS, H), jnp.float32)

    deg2 = _build_deg(N, CH)(dst, ones_k, zeros_deg).reshape(_NC, NP, _DEGW)[:, :N]
    hw1 = _matmul(x, W1)
    dinv, g1 = _dinv_scale(deg2, hw1)
    agg1 = _build_agg(N, H, CH)(g1, src, dst, zeros_h).reshape(_NC, NP, H)[:, :N]
    g2 = _layer2(agg1, g1, dinv, b1.reshape(1, H), W2)
    agg2 = _build_agg(N, H, CH)(g2, src, dst, zeros_h).reshape(_NC, NP, H)[:, :N]
    out = _lstm_stage(agg2, g2, dinv, b2.reshape(1, H),
                      W_ih.T, (b_ih + b_hh).reshape(1, 4 * H),
                      W_hh.T, Wl.T, bl.reshape(1, O))
    return out

# --- scband reference (transcript-rebuilt; emitter-appended) ---
"""Pipeline reference for scband-temporal-gnn-87995289960683 (READ-ONLY COPY).

The authoritative reference and input builder live on the scoring server;
editing this copy changes nothing except your own understanding.
"""

import jax, jax.numpy as jnp
import numpy as np


def gcn_conv(x, edge_index, W, b):
    # PyG GCNConv semantics: add self-loops, symmetric deg^{-1/2} normalization,
    # linear transform, scatter-add aggregation.
    N = x.shape[0]
    loop = jnp.arange(N, dtype=edge_index.dtype)
    src = jnp.concatenate([edge_index[0], loop])
    dst = jnp.concatenate([edge_index[1], loop])
    h = x @ W
    ones = jnp.ones(src.shape[0], dtype=x.dtype)
    deg = jax.ops.segment_sum(ones, dst, num_segments=N)
    dinv = jnp.where(deg > 0, deg ** -0.5, 0.0)
    norm = dinv[src] * dinv[dst]
    msgs = h[src] * norm[:, None]
    out = jax.ops.segment_sum(msgs, dst, num_segments=N)
    return out + b


def lstm_forward(xs, W_ih, W_hh, b_ih, b_hh):
    # PyTorch LSTM, single layer, batch=1, gate order i,f,g,o
    H = W_hh.shape[1]
    def step(carry, x_t):
        h, c = carry
        gates = x_t @ W_ih.T + h @ W_hh.T + b_ih + b_hh
        i, f, g, o = jnp.split(gates, 4)
        i = jax.nn.sigmoid(i)
        f = jax.nn.sigmoid(f)
        g = jnp.tanh(g)
        o = jax.nn.sigmoid(o)
        c2 = f * c + i * g
        h2 = o * jnp.tanh(c2)
        return (h2, c2), h2
    init = (jnp.zeros((H,), xs.dtype), jnp.zeros((H,), xs.dtype))
    _, hs = jax.lax.scan(step, init, xs)
    return hs


def setup_inputs(seed: int = 0):
    key = jax.random.key(seed)
    ks = jax.random.split(key, 12)
    N, E, F, H, O = 10000, 320000, 128, 128, 128
    x = jax.random.normal(ks[0], (N, F), dtype=jnp.float32)
    edge_index = jax.random.randint(ks[1], (2, E), 0, N)
    W1 = jax.random.normal(ks[2], (F, H), dtype=jnp.float32) / np.sqrt(F)
    b1 = jnp.zeros((H,), dtype=jnp.float32)
    W2 = jax.random.normal(ks[3], (H, H), dtype=jnp.float32) / np.sqrt(H)
    b2 = jnp.zeros((H,), dtype=jnp.float32)
    W_ih = jax.random.normal(ks[4], (4 * H, H), dtype=jnp.float32) / np.sqrt(H)
    W_hh = jax.random.normal(ks[5], (4 * H, H), dtype=jnp.float32) / np.sqrt(H)
    b_ih = jnp.zeros((4 * H,), dtype=jnp.float32)
    b_hh = jnp.zeros((4 * H,), dtype=jnp.float32)
    Wl = jax.random.normal(ks[6], (O, H), dtype=jnp.float32) / np.sqrt(H)
    bl = jnp.zeros((O,), dtype=jnp.float32)
    return {"x": x, "edge_index": edge_index, "W1": W1, "b1": b1, "W2": W2, "b2": b2,
            "W_ih": W_ih, "W_hh": W_hh, "b_ih": b_ih, "b_hh": b_hh, "Wl": Wl, "bl": bl}


def reference(x, edge_index, W1, b1, W2, b2, W_ih, W_hh, b_ih, b_hh, Wl, bl):
    h = jax.nn.relu(gcn_conv(x, edge_index, W1, b1))
    # dropout p=0.2 with train=self.training -> identity in eval mode
    h = jax.nn.relu(gcn_conv(h, edge_index, W2, b2))
    # x.unsqueeze(0) -> [1, N, H]; batch_first LSTM over seq_len=N
    hs = lstm_forward(h, W_ih, W_hh, b_ih, b_hh)
    return hs @ Wl.T + bl

if __name__ == "__main__":
    import jax
    _d = setup_inputs()
    print(jax.jit(kernel)(*tuple(_d.values())))

</pallas_src>

<mosaic_0001>
#map = affine_map<(d0, d1) -> (0, 0, 0)>
#map1 = affine_map<(d0, d1) -> (0, 0)>
module attributes {stable_mosaic.version = 14 : i64} {
  func.func @deg_k(%arg0: i32, %arg1: i32, %arg2: memref<32x252x40xi32, #tpu.memory_space<hbm>>, %arg3: memref<40x128xf32, #tpu.memory_space<hbm>>, %arg4: memref<632x128xf32, #tpu.memory_space<hbm>>, %arg5: memref<20224x128xf32, #tpu.memory_space<hbm>>, %arg6: memref<40xi32, #tpu.memory_space<vmem>>, %arg7: memref<40xi32, #tpu.memory_space<vmem>>, %arg8: memref<40xi32, #tpu.memory_space<vmem>>, %arg9: memref<40xi32, #tpu.memory_space<vmem>>, %arg10: memref<40x128xf32, #tpu.memory_space<vmem>>, %arg11: memref<4x!tpu.dma_semaphore, #tpu.memory_space<semaphore_mem>>, %arg12: memref<10112x128xf32, #tpu.memory_space<vmem_shared>>) attributes {dimension_semantics = [#tpu.dimension_semantics<core_parallel>, #tpu.dimension_semantics<subcore_parallel>], iteration_bounds = array<i64: 2, 16>, scalar_prefetch = 0 : i64, scratch_operands = 7 : i64, tpu.core_type = #tpu.core_type<sc_vector_subcore>, window_params = [{transform_indices = #map}, {transform_indices = #map1}, {transform_indices = #map1}, {transform_indices = #map1}]} {
    %mul3A = arith.constant 16 : i32
    %mul3A_0 = arith.muli %arg0, %mul3A : i32
    %add3A = arith.addi %mul3A_0, %arg1 : i32
    "tpu.region"() ({
      %run_scoped3A = tpu.sem_alloc : memref<!tpu.dma_semaphore, #tpu.memory_space<semaphore_mem>>
      tpu.enqueue_dma source(%arg3 : memref<40x128xf32, #tpu.memory_space<hbm>>) target(%arg10 : memref<40x128xf32, #tpu.memory_space<vmem>>) target_semaphore(%run_scoped3A : memref<!tpu.dma_semaphore, #tpu.memory_space<semaphore_mem>>)
      tpu.wait_dma2 semaphore(%run_scoped3A : memref<!tpu.dma_semaphore, #tpu.memory_space<semaphore_mem>>) src(%arg3 : memref<40x128xf32, #tpu.memory_space<hbm>>) dst(%arg10 : memref<40x128xf32, #tpu.memory_space<vmem>>)
      tpu.yield
    }) : () -> ()
    %mul3A_1 = arith.constant 632 : i32
    %mul3A_2 = arith.muli %arg1, %mul3A_1 : i32
    "tpu.region"() ({
      %run_scoped3A = tpu.sem_alloc : memref<!tpu.dma_semaphore, #tpu.memory_space<semaphore_mem>>
      %dma_start3A_55 = arith.constant 0 : i32
      %dma_start3A_56 = tpu.memref_slice %arg12[%mul3A_2, %dma_start3A_55] : memref<10112x128xf32, #tpu.memory_space<vmem_shared>> -> memref<632x128xf32, #tpu.memory_space<vmem_shared>>
      tpu.enqueue_dma source(%arg4 : memref<632x128xf32, #tpu.memory_space<hbm>>) target(%dma_start3A_56 : memref<632x128xf32, #tpu.memory_space<vmem_shared>>) target_semaphore(%run_scoped3A : memref<!tpu.dma_semaphore, #tpu.memory_space<semaphore_mem>>)
      %dma_wait3A = arith.constant 0 : i32
      %dma_wait3A_57 = tpu.memref_slice %arg12[%mul3A_2, %dma_wait3A] : memref<10112x128xf32, #tpu.memory_space<vmem_shared>> -> memref<632x128xf32, #tpu.memory_space<vmem_shared>>
      tpu.wait_dma2 semaphore(%run_scoped3A : memref<!tpu.dma_semaphore, #tpu.memory_space<semaphore_mem>>) src(%arg4 : memref<632x128xf32, #tpu.memory_space<hbm>>) dst(%dma_wait3A_57 : memref<632x128xf32, #tpu.memory_space<vmem_shared>>)
      tpu.yield
    }) : () -> ()
    %dma_start3A = arith.constant 0 : i32
    %dma_start3A_3 = arith.constant 0 : i32
    %dma_start3A_4 = arith.constant 0 : i32
    %dma_start3A_5 = tpu.memref_slice %arg2[%add3A, %dma_start3A, %dma_start3A_4] : memref<32x252x40xi32, #tpu.memory_space<hbm>> -> memref<1x1x40xi32, #tpu.memory_space<hbm>>
    %dma_start3A_6 = tpu.memref_squeeze %dma_start3A_5 : memref<1x1x40xi32, #tpu.memory_space<hbm>> -> memref<40xi32, #tpu.memory_space<hbm>>
    %dma_start3A_7 = tpu.memref_slice %arg11[%dma_start3A_3] : memref<4x!tpu.dma_semaphore, #tpu.memory_space<semaphore_mem>> -> memref<1x!tpu.dma_semaphore, #tpu.memory_space<semaphore_mem>>
    %dma_start3A_8 = tpu.memref_squeeze %dma_start3A_7 : memref<1x!tpu.dma_semaphore, #tpu.memory_space<semaphore_mem>> -> memref<!tpu.dma_semaphore, #tpu.memory_space<semaphore_mem>>
    %dma_start3A_9 = arith.constant 0 : i32
    %dma_start3A_10 = tpu.memref_slice %arg2[%add3A, %dma_start3A, %dma_start3A_9] : memref<32x252x40xi32, #tpu.memory_space<hbm>> -> memref<1x1x40xi32, #tpu.memory_space<hbm>>
    %dma_start3A_11 = tpu.memref_squeeze %dma_start3A_10 : memref<1x1x40xi32, #tpu.memory_space<hbm>> -> memref<40xi32, #tpu.memory_space<hbm>>
    tpu.enqueue_dma source(%dma_start3A_11 : memref<40xi32, #tpu.memory_space<hbm>>) target(%arg6 : memref<40xi32, #tpu.memory_space<vmem>>) target_semaphore(%dma_start3A_8 : memref<!tpu.dma_semaphore, #tpu.memory_space<semaphore_mem>>)
    %dma_start3A_12 = arith.constant 1 : i32
    %dma_start3A_13 = arith.constant 1 : i32
    %dma_start3A_14 = arith.constant 0 : i32
    %dma_start3A_15 = tpu.memref_slice %arg2[%add3A, %dma_start3A_12, %dma_start3A_14] : memref<32x252x40xi32, #tpu.memory_space<hbm>> -> memref<1x1x40xi32, #tpu.memory_space<hbm>>
    %dma_start3A_16 = tpu.memref_squeeze %dma_start3A_15 : memref<1x1x40xi32, #tpu.memory_space<hbm>> -> memref<40xi32, #tpu.memory_space<hbm>>
    %dma_start3A_17 = tpu.memref_slice %arg11[%dma_start3A_13] : memref<4x!tpu.dma_semaphore, #tpu.memory_space<semaphore_mem>> -> memref<1x!tpu.dma_semaphore, #tpu.memory_space<semaphore_mem>>
    %dma_start3A_18 = tpu.memref_squeeze %dma_start3A_17 : memref<1x!tpu.dma_semaphore, #tpu.memory_space<semaphore_mem>> -> memref<!tpu.dma_semaphore, #tpu.memory_space<semaphore_mem>>
    %dma_start3A_19 = arith.constant 0 : i32
    %dma_start3A_20 = tpu.memref_slice %arg2[%add3A, %dma_start3A_12, %dma_start3A_19] : memref<32x252x40xi32, #tpu.memory_space<hbm>> -> memref<1x1x40xi32, #tpu.memory_space<hbm>>
    %dma_start3A_21 = tpu.memref_squeeze %dma_start3A_20 : memref<1x1x40xi32, #tpu.memory_space<hbm>> -> memref<40xi32, #tpu.memory_space<hbm>>
    tpu.enqueue_dma source(%dma_start3A_21 : memref<40xi32, #tpu.memory_space<hbm>>) target(%arg7 : memref<40xi32, #tpu.memory_space<vmem>>) target_semaphore(%dma_start3A_18 : memref<!tpu.dma_semaphore, #tpu.memory_space<semaphore_mem>>)
    %dma_start3A_22 = arith.constant 2 : i32
    %dma_start3A_23 = arith.constant 2 : i32
    %dma_start3A_24 = arith.constant 0 : i32
    %dma_start3A_25 = tpu.memref_slice %arg2[%add3A, %dma_start3A_22, %dma_start3A_24] : memref<32x252x40xi32, #tpu.memory_space<hbm>> -> memref<1x1x40xi32, #tpu.memory_space<hbm>>
    %dma_start3A_26 = tpu.memref_squeeze %dma_start3A_25 : memref<1x1x40xi32, #tpu.memory_space<hbm>> -> memref<40xi32, #tpu.memory_space<hbm>>
    %dma_start3A_27 = tpu.memref_slice %arg11[%dma_start3A_23] : memref<4x!tpu.dma_semaphore, #tpu.memory_space<semaphore_mem>> -> memref<1x!tpu.dma_semaphore, #tpu.memory_space<semaphore_mem>>
    %dma_start3A_28 = tpu.memref_squeeze %dma_start3A_27 : memref<1x!tpu.dma_semaphore, #tpu.memory_space<semaphore_mem>> -> memref<!tpu.dma_semaphore, #tpu.memory_space<semaphore_mem>>
    %dma_start3A_29 = arith.constant 0 : i32
    %dma_start3A_30 = tpu.memref_slice %arg2[%add3A, %dma_start3A_22, %dma_start3A_29] : memref<32x252x40xi32, #tpu.memory_space<hbm>> -> memref<1x1x40xi32, #tpu.memory_space<hbm>>
    %dma_start3A_31 = tpu.memref_squeeze %dma_start3A_30 : memref<1x1x40xi32, #tpu.memory_space<hbm>> -> memref<40xi32, #tpu.memory_space<hbm>>
    tpu.enqueue_dma source(%dma_start3A_31 : memref<40xi32, #tpu.memory_space<hbm>>) target(%arg8 : memref<40xi32, #tpu.memory_space<vmem>>) target_semaphore(%dma_start3A_28 : memref<!tpu.dma_semaphore, #tpu.memory_space<semaphore_mem>>)
    %dma_start3A_32 = arith.constant 3 : i32
    %dma_start3A_33 = arith.constant 3 : i32
    %dma_start3A_34 = arith.constant 0 : i32
    %dma_start3A_35 = tpu.memref_slice %arg2[%add3A, %dma_start3A_32, %dma_start3A_34] : memref<32x252x40xi32, #tpu.memory_space<hbm>> -> memref<1x1x40xi32, #tpu.memory_space<hbm>>
    %dma_start3A_36 = tpu.memref_squeeze %dma_start3A_35 : memref<1x1x40xi32, #tpu.memory_space<hbm>> -> memref<40xi32, #tpu.memory_space<hbm>>
    %dma_start3A_37 = tpu.memref_slice %arg11[%dma_start3A_33] : memref<4x!tpu.dma_semaphore, #tpu.memory_space<semaphore_mem>> -> memref<1x!tpu.dma_semaphore, #tpu.memory_space<semaphore_mem>>
    %dma_start3A_38 = tpu.memref_squeeze %dma_start3A_37 : memref<1x!tpu.dma_semaphore, #tpu.memory_space<semaphore_mem>> -> memref<!tpu.dma_semaphore, #tpu.memory_space<semaphore_mem>>
    %dma_start3A_39 = arith.constant 0 : i32
    %dma_start3A_40 = tpu.memref_slice %arg2[%add3A, %dma_start3A_32, %dma_start3A_39] : memref<32x252x40xi32, #tpu.memory_space<hbm>> -> memref<1x1x40xi32, #tpu.memory_space<hbm>>
    %dma_start3A_41 = tpu.memref_squeeze %dma_start3A_40 : memref<1x1x40xi32, #tpu.memory_space<hbm>> -> memref<40xi32, #tpu.memory_space<hbm>>
    tpu.enqueue_dma source(%dma_start3A_41 : memref<40xi32, #tpu.memory_space<hbm>>) target(%arg9 : memref<40xi32, #tpu.memory_space<vmem>>) target_semaphore(%dma_start3A_38 : memref<!tpu.dma_semaphore, #tpu.memory_space<semaphore_mem>>)
    %barrier3A = arith.constant 0 : index
    tpu.barrier barrier_id(%barrier3A)
    %scan3A = arith.constant 0 : i32
    %scan3A_42 = arith.constant 0 : i32
    %scan3A_43 = arith.constant 63 : i32
    %scan3A_44 = arith.addi %scan3A_42, %scan3A_43 : i32
    %scan3A_45 = arith.constant 1 : i32
    scf.for %scan3A_55 = %scan3A_42 to %scan3A_44 step %scan3A_45  : i32 {
      %mul3A_56 = arith.constant 4 : i32
      %mul3A_57 = arith.muli %scan3A_55, %mul3A_56 : i32
      %add3A_58 = arith.constant 0 : i32
      %add3A_59 = arith.addi %mul3A_57, %add3A_58 : i32
      %dma_wait3A = arith.constant 0 : i32
      %dma_wait3A_60 = arith.constant 0 : i32
      %dma_wait3A_61 = arith.constant 0 : i32
      %dma_wait3A_62 = arith.constant 0 : i32
      %dma_wait3A_63 = tpu.memref_slice %arg2[%dma_wait3A, %dma_wait3A_60, %dma_wait3A_62] : memref<32x252x40xi32, #tpu.memory_space<hbm>> -> memref<1x1x40xi32, #tpu.memory_space<hbm>>
      %dma_wait3A_64 = tpu.memref_squeeze %dma_wait3A_63 : memref<1x1x40xi32, #tpu.memory_space<hbm>> -> memref<40xi32, #tpu.memory_space<hbm>>
      %dma_wait3A_65 = tpu.memref_slice %arg11[%dma_wait3A_61] : memref<4x!tpu.dma_semaphore, #tpu.memory_space<semaphore_mem>> -> memref<1x!tpu.dma_semaphore, #tpu.memory_space<semaphore_mem>>
      %dma_wait3A_66 = tpu.memref_squeeze %dma_wait3A_65 : memref<1x!tpu.dma_semaphore, #tpu.memory_space<semaphore_mem>> -> memref<!tpu.dma_semaphore, #tpu.memory_space<semaphore_mem>>
      %dma_wait3A_67 = arith.constant 0 : i32
      %dma_wait3A_68 = tpu.memref_slice %arg2[%dma_wait3A, %dma_wait3A_60, %dma_wait3A_67] : memref<32x252x40xi32, #tpu.memory_space<hbm>> -> memref<1x1x40xi32, #tpu.memory_space<hbm>>
      %dma_wait3A_69 = tpu.memref_squeeze %dma_wait3A_68 : memref<1x1x40xi32, #tpu.memory_space<hbm>> -> memref<40xi32, #tpu.memory_space<hbm>>
      tpu.wait_dma2 semaphore(%dma_wait3A_66 : memref<!tpu.dma_semaphore, #tpu.memory_space<semaphore_mem>>) src(%dma_wait3A_69 : memref<40xi32, #tpu.memory_space<hbm>>) dst(%arg6 : memref<40xi32, #tpu.memory_space<vmem>>)
      "tpu.region"() ({
        %run_scoped3A = tpu.sem_alloc : memref<!tpu.dma_semaphore, #tpu.memory_space<semaphore_mem>>
        %dma_start3A_140 = arith.constant 0 : i32
        %dma_start3A_141 = arith.constant 0 : i32
        %dma_start3A_142 = tpu.memref_slice %arg12[%dma_start3A_140, %dma_start3A_141] : memref<10112x128xf32, #tpu.memory_space<vmem_shared>> -> memref<10112x128xf32, #tpu.memory_space<vmem_shared>>
        tpu.enqueue_indirect_dma source(%arg10 : memref<40x128xf32, #tpu.memory_space<vmem>>) target(%dma_start3A_142 : memref<10112x128xf32, #tpu.memory_space<vmem_shared>>) offsets(%arg6 : memref<40xi32, #tpu.memory_space<vmem>>) semaphore(%run_scoped3A : memref<!tpu.dma_semaphore, #tpu.memory_space<semaphore_mem>>) {add = true}
        %dma_wait3A_143 = arith.constant 0 : i32
        %dma_wait3A_144 = arith.constant 0 : i32
        %dma_wait3A_145 = tpu.memref_slice %arg12[%dma_wait3A_143, %dma_wait3A_144] : memref<10112x128xf32, #tpu.memory_space<vmem_shared>> -> memref<10112x128xf32, #tpu.memory_space<vmem_shared>>
        tpu.wait_indirect_dma semaphore(%run_scoped3A : memref<!tpu.dma_semaphore, #tpu.memory_space<semaphore_mem>>) src(%arg10 : memref<40x128xf32, #tpu.memory_space<vmem>>) dst(%dma_wait3A_145 : memref<10112x128xf32, #tpu.memory_space<vmem_shared>>)
        tpu.yield
      }) : () -> ()
      %add3A_70 = arith.constant 4 : i32
      %add3A_71 = arith.addi %add3A_59, %add3A_70 : i32
      %lt3A = arith.constant 252 : i32
      %lt3A_72 = arith.cmpi slt, %add3A_71, %lt3A : i32
      %convert_element_type3A = arith.extui %lt3A_72 : i1 to i32
      %cond3A = arith.constant 0 : i32
      %cond3A_73 = arith.cmpi ne, %convert_element_type3A, %cond3A : i32
      scf.if %cond3A_73 {
        %add3A_140 = arith.constant 4 : i32
        %add3A_141 = arith.addi %add3A_59, %add3A_140 : i32
        %dma_start3A_142 = arith.constant 0 : i32
        %dma_start3A_143 = arith.constant 0 : i32
        %dma_start3A_144 = tpu.memref_slice %arg2[%add3A, %add3A_141, %dma_start3A_143] : memref<32x252x40xi32, #tpu.memory_space<hbm>> -> memref<1x1x40xi32, #tpu.memory_space<hbm>>
        %dma_start3A_145 = tpu.memref_squeeze %dma_start3A_144 : memref<1x1x40xi32, #tpu.memory_space<hbm>> -> memref<40xi32, #tpu.memory_space<hbm>>
        %dma_start3A_146 = tpu.memref_slice %arg11[%dma_start3A_142] : memref<4x!tpu.dma_semaphore, #tpu.memory_space<semaphore_mem>> -> memref<1x!tpu.dma_semaphore, #tpu.memory_space<semaphore_mem>>
        %dma_start3A_147 = tpu.memref_squeeze %dma_start3A_146 : memref<1x!tpu.dma_semaphore, #tpu.memory_space<semaphore_mem>> -> memref<!tpu.dma_semaphore, #tpu.memory_space<semaphore_mem>>
        %dma_start3A_148 = arith.constant 0 : i32
        %dma_start3A_149 = tpu.memref_slice %arg2[%add3A, %add3A_141, %dma_start3A_148] : memref<32x252x40xi32, #tpu.memory_space<hbm>> -> memref<1x1x40xi32, #tpu.memory_space<hbm>>
        %dma_start3A_150 = tpu.memref_squeeze %dma_start3A_149 : memref<1x1x40xi32, #tpu.memory_space<hbm>> -> memref<40xi32, #tpu.memory_space<hbm>>
        tpu.enqueue_dma source(%dma_start3A_150 : memref<40xi32, #tpu.memory_space<hbm>>) target(%arg6 : memref<40xi32, #tpu.memory_space<vmem>>) target_semaphore(%dma_start3A_147 : memref<!tpu.dma_semaphore, #tpu.memory_space<semaphore_mem>>)
      } else {
      }
      %mul3A_74 = arith.constant 4 : i32
      %mul3A_75 = arith.muli %scan3A_55, %mul3A_74 : i32
      %add3A_76 = arith.constant 1 : i32
      %add3A_77 = arith.addi %mul3A_75, %add3A_76 : i32
      %dma_wait3A_78 = arith.constant 0 : i32
      %dma_wait3A_79 = arith.constant 0 : i32
      %dma_wait3A_80 = arith.constant 1 : i32
      %dma_wait3A_81 = arith.constant 0 : i32
      %dma_wait3A_82 = tpu.memref_slice %arg2[%dma_wait3A_78, %dma_wait3A_79, %dma_wait3A_81] : memref<32x252x40xi32, #tpu.memory_space<hbm>> -> memref<1x1x40xi32, #tpu.memory_space<hbm>>
      %dma_wait3A_83 = tpu.memref_squeeze %dma_wait3A_82 : memref<1x1x40xi32, #tpu.memory_space<hbm>> -> memref<40xi32, #tpu.memory_space<hbm>>
      %dma_wait3A_84 = tpu.memref_slice %arg11[%dma_wait3A_80] : memref<4x!tpu.dma_semaphore, #tpu.memory_space<semaphore_mem>> -> memref<1x!tpu.dma_semaphore, #tpu.memory_space<semaphore_mem>>
      %dma_wait3A_85 = tpu.memref_squeeze %dma_wait3A_84 : memref<1x!tpu.dma_semaphore, #tpu.memory_space<semaphore_mem>> -> memref<!tpu.dma_semaphore, #tpu.memory_space<semaphore_mem>>
      %dma_wait3A_86 = arith.constant 0 : i32
      %dma_wait3A_87 = tpu.memref_slice %arg2[%dma_wait3A_78, %dma_wait3A_79, %dma_wait3A_86] : memref<32x252x40xi32, #tpu.memory_space<hbm>> -> memref<1x1x40xi32, #tpu.memory_space<hbm>>
      %dma_wait3A_88 = tpu.memref_squeeze %dma_wait3A_87 : memref<1x1x40xi32, #tpu.memory_space<hbm>> -> memref<40xi32, #tpu.memory_space<hbm>>
      tpu.wait_dma2 semaphore(%dma_wait3A_85 : memref<!tpu.dma_semaphore, #tpu.memory_space<semaphore_mem>>) src(%dma_wait3A_88 : memref<40xi32, #tpu.memory_space<hbm>>) dst(%arg7 : memref<40xi32, #tpu.memory_space<vmem>>)
      "tpu.region"() ({
        %run_scoped3A = tpu.sem_alloc : memref<!tpu.dma_semaphore, #tpu.memory_space<semaphore_mem>>
        %dma_start3A_140 = arith.constant 0 : i32
        %dma_start3A_141 = arith.constant 0 : i32
        %dma_start3A_142 = tpu.memref_slice %arg12[%dma_start3A_140, %dma_start3A_141] : memref<10112x128xf32, #tpu.memory_space<vmem_shared>> -> memref<10112x128xf32, #tpu.memory_space<vmem_shared>>
        tpu.enqueue_indirect_dma source(%arg10 : memref<40x128xf32, #tpu.memory_space<vmem>>) target(%dma_start3A_142 : memref<10112x128xf32, #tpu.memory_space<vmem_shared>>) offsets(%arg7 : memref<40xi32, #tpu.memory_space<vmem>>) semaphore(%run_scoped3A : memref<!tpu.dma_semaphore, #tpu.memory_space<semaphore_mem>>) {add = true}
        %dma_wait3A_143 = arith.constant 0 : i32
        %dma_wait3A_144 = arith.constant 0 : i32
        %dma_wait3A_145 = tpu.memref_slice %arg12[%dma_wait3A_143, %dma_wait3A_144] : memref<10112x128xf32, #tpu.memory_space<vmem_shared>> -> memref<10112x128xf32, #tpu.memory_space<vmem_shared>>
        tpu.wait_indirect_dma semaphore(%run_scoped3A : memref<!tpu.dma_semaphore, #tpu.memory_space<semaphore_mem>>) src(%arg10 : memref<40x128xf32, #tpu.memory_space<vmem>>) dst(%dma_wait3A_145 : memref<10112x128xf32, #tpu.memory_space<vmem_shared>>)
        tpu.yield
      }) : () -> ()
      %add3A_89 = arith.constant 4 : i32
      %add3A_90 = arith.addi %add3A_77, %add3A_89 : i32
      %lt3A_91 = arith.constant 252 : i32
      %lt3A_92 = arith.cmpi slt, %add3A_90, %lt3A_91 : i32
      %convert_element_type3A_93 = arith.extui %lt3A_92 : i1 to i32
      %cond3A_94 = arith.constant 0 : i32
      %cond3A_95 = arith.cmpi ne, %convert_element_type3A_93, %cond3A_94 : i32
      scf.if %cond3A_95 {
        %add3A_140 = arith.constant 4 : i32
        %add3A_141 = arith.addi %add3A_77, %add3A_140 : i32
        %dma_start3A_142 = arith.constant 1 : i32
        %dma_start3A_143 = arith.constant 0 : i32
        %dma_start3A_144 = tpu.memref_slice %arg2[%add3A, %add3A_141, %dma_start3A_143] : memref<32x252x40xi32, #tpu.memory_space<hbm>> -> memref<1x1x40xi32, #tpu.memory_space<hbm>>
        %dma_start3A_145 = tpu.memref_squeeze %dma_start3A_144 : memref<1x1x40xi32, #tpu.memory_space<hbm>> -> memref<40xi32, #tpu.memory_space<hbm>>
        %dma_start3A_146 = tpu.memref_slice %arg11[%dma_start3A_142] : memref<4x!tpu.dma_semaphore, #tpu.memory_space<semaphore_mem>> -> memref<1x!tpu.dma_semaphore, #tpu.memory_space<semaphore_mem>>
        %dma_start3A_147 = tpu.memref_squeeze %dma_start3A_146 : memref<1x!tpu.dma_semaphore, #tpu.memory_space<semaphore_mem>> -> memref<!tpu.dma_semaphore, #tpu.memory_space<semaphore_mem>>
        %dma_start3A_148 = arith.constant 0 : i32
        %dma_start3A_149 = tpu.memref_slice %arg2[%add3A, %add3A_141, %dma_start3A_148] : memref<32x252x40xi32, #tpu.memory_space<hbm>> -> memref<1x1x40xi32, #tpu.memory_space<hbm>>
        %dma_start3A_150 = tpu.memref_squeeze %dma_start3A_149 : memref<1x1x40xi32, #tpu.memory_space<hbm>> -> memref<40xi32, #tpu.memory_space<hbm>>
        tpu.enqueue_dma source(%dma_start3A_150 : memref<40xi32, #tpu.memory_space<hbm>>) target(%arg7 : memref<40xi32, #tpu.memory_space<vmem>>) target_semaphore(%dma_start3A_147 : memref<!tpu.dma_semaphore, #tpu.memory_space<semaphore_mem>>)
      } else {
      }
      %mul3A_96 = arith.constant 4 : i32
      %mul3A_97 = arith.muli %scan3A_55, %mul3A_96 : i32
      %add3A_98 = arith.constant 2 : i32
      %add3A_99 = arith.addi %mul3A_97, %add3A_98 : i32
      %dma_wait3A_100 = arith.constant 0 : i32
      %dma_wait3A_101 = arith.constant 0 : i32
      %dma_wait3A_102 = arith.constant 2 : i32
      %dma_wait3A_103 = arith.constant 0 : i32
      %dma_wait3A_104 = tpu.memref_slice %arg2[%dma_wait3A_100, %dma_wait3A_101, %dma_wait3A_103] : memref<32x252x40xi32, #tpu.memory_space<hbm>> -> memref<1x1x40xi32, #tpu.memory_space<hbm>>
      %dma_wait3A_105 = tpu.memref_squeeze %dma_wait3A_104 : memref<1x1x40xi32, #tpu.memory_space<hbm>> -> memref<40xi32, #tpu.memory_space<hbm>>
      %dma_wait3A_106 = tpu.memref_slice %arg11[%dma_wait3A_102] : memref<4x!tpu.dma_semaphore, #tpu.memory_space<semaphore_mem>> -> memref<1x!tpu.dma_semaphore, #tpu.memory_space<semaphore_mem>>
      %dma_wait3A_107 = tpu.memref_squeeze %dma_wait3A_106 : memref<1x!tpu.dma_semaphore, #tpu.memory_space<semaphore_mem>> -> memref<!tpu.dma_semaphore, #tpu.memory_space<semaphore_mem>>
      %dma_wait3A_108 = arith.constant 0 : i32
      %dma_wait3A_109 = tpu.memref_slice %arg2[%dma_wait3A_100, %dma_wait3A_101, %dma_wait3A_108] : memref<32x252x40xi32, #tpu.memory_space<hbm>> -> memref<1x1x40xi32, #tpu.memory_space<hbm>>
      %dma_wait3A_110 = tpu.memref_squeeze %dma_wait3A_109 : memref<1x1x40xi32, #tpu.memory_space<hbm>> -> memref<40xi32, #tpu.memory_space<hbm>>
      tpu.wait_dma2 semaphore(%dma_wait3A_107 : memref<!tpu.dma_semaphore, #tpu.memory_space<semaphore_mem>>) src(%dma_wait3A_110 : memref<40xi32, #tpu.memory_space<hbm>>) dst(%arg8 : memref<40xi32, #tpu.memory_space<vmem>>)
      "tpu.region"() ({
        %run_scoped3A = tpu.sem_alloc : memref<!tpu.dma_semaphore, #tpu.memory_space<semaphore_mem>>
        %dma_start3A_140 = arith.constant 0 : i32
        %dma_start3A_141 = arith.constant 0 : i32
        %dma_start3A_142 = tpu.memref_slice %arg12[%dma_start3A_140, %dma_start3A_141] : memref<10112x128xf32, #tpu.memory_space<vmem_shared>> -> memref<10112x128xf32, #tpu.memory_space<vmem_shared>>
        tpu.enqueue_indirect_dma source(%arg10 : memref<40x128xf32, #tpu.memory_space<vmem>>) target(%dma_start3A_142 : memref<10112x128xf32, #tpu.memory_space<vmem_shared>>) offsets(%arg8 : memref<40xi32, #tpu.memory_space<vmem>>) semaphore(%run_scoped3A : memref<!tpu.dma_semaphore, #tpu.memory_space<semaphore_mem>>) {add = true}
        %dma_wait3A_143 = arith.constant 0 : i32
        %dma_wait3A_144 = arith.constant 0 : i32
        %dma_wait3A_145 = tpu.memref_slice %arg12[%dma_wait3A_143, %dma_wait3A_144] : memref<10112x128xf32, #tpu.memory_space<vmem_shared>> -> memref<10112x128xf32, #tpu.memory_space<vmem_shared>>
        tpu.wait_indirect_dma semaphore(%run_scoped3A : memref<!tpu.dma_semaphore, #tpu.memory_space<semaphore_mem>>) src(%arg10 : memref<40x128xf32, #tpu.memory_space<vmem>>) dst(%dma_wait3A_145 : memref<10112x128xf32, #tpu.memory_space<vmem_shared>>)
        tpu.yield
      }) : () -> ()
      %add3A_111 = arith.constant 4 : i32
      %add3A_112 = arith.addi %add3A_99, %add3A_111 : i32
      %lt3A_113 = arith.constant 252 : i32
      %lt3A_114 = arith.cmpi slt, %add3A_112, %lt3A_113 : i32
      %convert_element_type3A_115 = arith.extui %lt3A_114 : i1 to i32
      %cond3A_116 = arith.constant 0 : i32
      %cond3A_117 = arith.cmpi ne, %convert_element_type3A_115, %cond3A_116 : i32
      scf.if %cond3A_117 {
        %add3A_140 = arith.constant 4 : i32
        %add3A_141 = arith.addi %add3A_99, %add3A_140 : i32
        %dma_start3A_142 = arith.constant 2 : i32
        %dma_start3A_143 = arith.constant 0 : i32
        %dma_start3A_144 = tpu.memref_slice %arg2[%add3A, %add3A_141, %dma_start3A_143] : memref<32x252x40xi32, #tpu.memory_space<hbm>> -> memref<1x1x40xi32, #tpu.memory_space<hbm>>
        %dma_start3A_145 = tpu.memref_squeeze %dma_start3A_144 : memref<1x1x40xi32, #tpu.memory_space<hbm>> -> memref<40xi32, #tpu.memory_space<hbm>>
        %dma_start3A_146 = tpu.memref_slice %arg11[%dma_start3A_142] : memref<4x!tpu.dma_semaphore, #tpu.memory_space<semaphore_mem>> -> memref<1x!tpu.dma_semaphore, #tpu.memory_space<semaphore_mem>>
        %dma_start3A_147 = tpu.memref_squeeze %dma_start3A_146 : memref<1x!tpu.dma_semaphore, #tpu.memory_space<semaphore_mem>> -> memref<!tpu.dma_semaphore, #tpu.memory_space<semaphore_mem>>
        %dma_start3A_148 = arith.constant 0 : i32
        %dma_start3A_149 = tpu.memref_slice %arg2[%add3A, %add3A_141, %dma_start3A_148] : memref<32x252x40xi32, #tpu.memory_space<hbm>> -> memref<1x1x40xi32, #tpu.memory_space<hbm>>
        %dma_start3A_150 = tpu.memref_squeeze %dma_start3A_149 : memref<1x1x40xi32, #tpu.memory_space<hbm>> -> memref<40xi32, #tpu.memory_space<hbm>>
        tpu.enqueue_dma source(%dma_start3A_150 : memref<40xi32, #tpu.memory_space<hbm>>) target(%arg8 : memref<40xi32, #tpu.memory_space<vmem>>) target_semaphore(%dma_start3A_147 : memref<!tpu.dma_semaphore, #tpu.memory_space<semaphore_mem>>)
      } else {
      }
      %mul3A_118 = arith.constant 4 : i32
      %mul3A_119 = arith.muli %scan3A_55, %mul3A_118 : i32
      %add3A_120 = arith.constant 3 : i32
      %add3A_121 = arith.addi %mul3A_119, %add3A_120 : i32
      %dma_wait3A_122 = arith.constant 0 : i32
      %dma_wait3A_123 = arith.constant 0 : i32
      %dma_wait3A_124 = arith.constant 3 : i32
      %dma_wait3A_125 = arith.constant 0 : i32
      %dma_wait3A_126 = tpu.memref_slice %arg2[%dma_wait3A_122, %dma_wait3A_123, %dma_wait3A_125] : memref<32x252x40xi32, #tpu.memory_space<hbm>> -> memref<1x1x40xi32, #tpu.memory_space<hbm>>
      %dma_wait3A_127 = tpu.memref_squeeze %dma_wait3A_126 : memref<1x1x40xi32, #tpu.memory_space<hbm>> -> memref<40xi32, #tpu.memory_space<hbm>>
      %dma_wait3A_128 = tpu.memref_slice %arg11[%dma_wait3A_124] : memref<4x!tpu.dma_semaphore, #tpu.memory_space<semaphore_mem>> -> memref<1x!tpu.dma_semaphore, #tpu.memory_space<semaphore_mem>>
      %dma_wait3A_129 = tpu.memref_squeeze %dma_wait3A_128 : memref<1x!tpu.dma_semaphore, #tpu.memory_space<semaphore_mem>> -> memref<!tpu.dma_semaphore, #tpu.memory_space<semaphore_mem>>
      %dma_wait3A_130 = arith.constant 0 : i32
      %dma_wait3A_131 = tpu.memref_slice %arg2[%dma_wait3A_122, %dma_wait3A_123, %dma_wait3A_130] : memref<32x252x40xi32, #tpu.memory_space<hbm>> -> memref<1x1x40xi32, #tpu.memory_space<hbm>>
      %dma_wait3A_132 = tpu.memref_squeeze %dma_wait3A_131 : memref<1x1x40xi32, #tpu.memory_space<hbm>> -> memref<40xi32, #tpu.memory_space<hbm>>
      tpu.wait_dma2 semaphore(%dma_wait3A_129 : memref<!tpu.dma_semaphore, #tpu.memory_space<semaphore_mem>>) src(%dma_wait3A_132 : memref<40xi32, #tpu.memory_space<hbm>>) dst(%arg9 : memref<40xi32, #tpu.memory_space<vmem>>)
      "tpu.region"() ({
        %run_scoped3A = tpu.sem_alloc : memref<!tpu.dma_semaphore, #tpu.memory_space<semaphore_mem>>
        %dma_start3A_140 = arith.constant 0 : i32
        %dma_start3A_141 = arith.constant 0 : i32
        %dma_start3A_142 = tpu.memref_slice %arg12[%dma_start3A_140, %dma_start3A_141] : memref<10112x128xf32, #tpu.memory_space<vmem_shared>> -> memref<10112x128xf32, #tpu.memory_space<vmem_shared>>
        tpu.enqueue_indirect_dma source(%arg10 : memref<40x128xf32, #tpu.memory_space<vmem>>) target(%dma_start3A_142 : memref<10112x128xf32, #tpu.memory_space<vmem_shared>>) offsets(%arg9 : memref<40xi32, #tpu.memory_space<vmem>>) semaphore(%run_scoped3A : memref<!tpu.dma_semaphore, #tpu.memory_space<semaphore_mem>>) {add = true}
        %dma_wait3A_143 = arith.constant 0 : i32
        %dma_wait3A_144 = arith.constant 0 : i32
        %dma_wait3A_145 = tpu.memref_slice %arg12[%dma_wait3A_143, %dma_wait3A_144] : memref<10112x128xf32, #tpu.memory_space<vmem_shared>> -> memref<10112x128xf32, #tpu.memory_space<vmem_shared>>
        tpu.wait_indirect_dma semaphore(%run_scoped3A : memref<!tpu.dma_semaphore, #tpu.memory_space<semaphore_mem>>) src(%arg10 : memref<40x128xf32, #tpu.memory_space<vmem>>) dst(%dma_wait3A_145 : memref<10112x128xf32, #tpu.memory_space<vmem_shared>>)
        tpu.yield
      }) : () -> ()
      %add3A_133 = arith.constant 4 : i32
      %add3A_134 = arith.addi %add3A_121, %add3A_133 : i32
      %lt3A_135 = arith.constant 252 : i32
      %lt3A_136 = arith.cmpi slt, %add3A_134, %lt3A_135 : i32
      %convert_element_type3A_137 = arith.extui %lt3A_136 : i1 to i32
      %cond3A_138 = arith.constant 0 : i32
      %cond3A_139 = arith.cmpi ne, %convert_element_type3A_137, %cond3A_138 : i32
      scf.if %cond3A_139 {
        %add3A_140 = arith.constant 4 : i32
        %add3A_141 = arith.addi %add3A_121, %add3A_140 : i32
        %dma_start3A_142 = arith.constant 3 : i32
        %dma_start3A_143 = arith.constant 0 : i32
        %dma_start3A_144 = tpu.memref_slice %arg2[%add3A, %add3A_141, %dma_start3A_143] : memref<32x252x40xi32, #tpu.memory_space<hbm>> -> memref<1x1x40xi32, #tpu.memory_space<hbm>>
        %dma_start3A_145 = tpu.memref_squeeze %dma_start3A_144 : memref<1x1x40xi32, #tpu.memory_space<hbm>> -> memref<40xi32, #tpu.memory_space<hbm>>
        %dma_start3A_146 = tpu.memref_slice %arg11[%dma_start3A_142] : memref<4x!tpu.dma_semaphore, #tpu.memory_space<semaphore_mem>> -> memref<1x!tpu.dma_semaphore, #tpu.memory_space<semaphore_mem>>
        %dma_start3A_147 = tpu.memref_squeeze %dma_start3A_146 : memref<1x!tpu.dma_semaphore, #tpu.memory_space<semaphore_mem>> -> memref<!tpu.dma_semaphore, #tpu.memory_space<semaphore_mem>>
        %dma_start3A_148 = arith.constant 0 : i32
        %dma_start3A_149 = tpu.memref_slice %arg2[%add3A, %add3A_141, %dma_start3A_148] : memref<32x252x40xi32, #tpu.memory_space<hbm>> -> memref<1x1x40xi32, #tpu.memory_space<hbm>>
        %dma_start3A_150 = tpu.memref_squeeze %dma_start3A_149 : memref<1x1x40xi32, #tpu.memory_space<hbm>> -> memref<40xi32, #tpu.memory_space<hbm>>
        tpu.enqueue_dma source(%dma_start3A_150 : memref<40xi32, #tpu.memory_space<hbm>>) target(%arg9 : memref<40xi32, #tpu.memory_space<vmem>>) target_semaphore(%dma_start3A_147 : memref<!tpu.dma_semaphore, #tpu.memory_space<semaphore_mem>>)
      } else {
      }
    }
    %scan3A_46 = arith.constant 63 : i32
    %barrier3A_47 = arith.constant 0 : index
    tpu.barrier barrier_id(%barrier3A_47)
    %mul3A_48 = arith.constant 632 : i32
    %mul3A_49 = arith.muli %arg1, %mul3A_48 : i32
    %mul3A_50 = arith.constant 10112 : i32
    %mul3A_51 = arith.muli %arg0, %mul3A_50 : i32
    %mul3A_52 = arith.constant 632 : i32
    %mul3A_53 = arith.muli %arg1, %mul3A_52 : i32
    %add3A_54 = arith.addi %mul3A_51, %mul3A_53 : i32
    "tpu.region"() ({
      %run_scoped3A = tpu.sem_alloc : memref<!tpu.dma_semaphore, #tpu.memory_space<semaphore_mem>>
      %dma_start3A_55 = arith.constant 0 : i32
      %dma_start3A_56 = tpu.memref_slice %arg5[%add3A_54, %dma_start3A_55] : memref<20224x128xf32, #tpu.memory_space<hbm>> -> memref<632x128xf32, #tpu.memory_space<hbm>>
      %dma_start3A_57 = arith.constant 0 : i32
      %dma_start3A_58 = tpu.memref_slice %arg12[%mul3A_49, %dma_start3A_57] : memref<10112x128xf32, #tpu.memory_space<vmem_shared>> -> memref<632x128xf32, #tpu.memory_space<vmem_shared>>
      tpu.enqueue_dma source(%dma_start3A_58 : memref<632x128xf32, #tpu.memory_space<vmem_shared>>) target(%dma_start3A_56 : memref<632x128xf32, #tpu.memory_space<hbm>>) target_semaphore(%run_scoped3A : memref<!tpu.dma_semaphore, #tpu.memory_space<semaphore_mem>>)
      %dma_wait3A = arith.constant 0 : i32
      %dma_wait3A_59 = tpu.memref_slice %arg5[%add3A_54, %dma_wait3A] : memref<20224x128xf32, #tpu.memory_space<hbm>> -> memref<632x128xf32, #tpu.memory_space<hbm>>
      %dma_wait3A_60 = arith.constant 0 : i32
      %dma_wait3A_61 = tpu.memref_slice %arg12[%mul3A_49, %dma_wait3A_60] : memref<10112x128xf32, #tpu.memory_space<vmem_shared>> -> memref<632x128xf32, #tpu.memory_space<vmem_shared>>
      tpu.wait_dma2 semaphore(%run_scoped3A : memref<!tpu.dma_semaphore, #tpu.memory_space<semaphore_mem>>) src(%dma_wait3A_61 : memref<632x128xf32, #tpu.memory_space<vmem_shared>>) dst(%dma_wait3A_59 : memref<632x128xf32, #tpu.memory_space<hbm>>)
      tpu.yield
    }) : () -> ()
    return
  }
}

#map = affine_map<(d0, d1) -> (0, 0)>
#map1 = affine_map<(d0, d1) -> (0, 0, 0)>
module attributes {stable_mosaic.version = 14 : i64} {
  func.func @agg_k(%arg0: i32, %arg1: i32, %arg2: memref<10000x128xf32, #tpu.memory_space<hbm>>, %arg3: memref<32x252x40xi32, #tpu.memory_space<hbm>>, %arg4: memref<32x252x40xi32, #tpu.memory_space<hbm>>, %arg5: memref<632x128xf32, #tpu.memory_space<hbm>>, %arg6: memref<20224x128xf32, #tpu.memory_space<hbm>>, %arg7: memref<40xi32, #tpu.memory_space<vmem>>, %arg8: memref<40xi32, #tpu.memory_space<vmem>>, %arg9: memref<40xi32, #tpu.memory_space<vmem>>, %arg10: memref<40xi32, #tpu.memory_space<vmem>>, %arg11: memref<40xi32, #tpu.memory_space<vmem>>, %arg12: memref<40xi32, #tpu.memory_space<vmem>>, %arg13: memref<40xi32, #tpu.memory_space<vmem>>, %arg14: memref<40xi32, #tpu.memory_space<vmem>>, %arg15: memref<40x128xf32, #tpu.memory_space<vmem>>, %arg16: memref<40x128xf32, #tpu.memory_space<vmem>>, %arg17: memref<4x!tpu.dma_semaphore, #tpu.memory_space<semaphore_mem>>, %arg18: memref<4x!tpu.dma_semaphore, #tpu.memory_space<semaphore_mem>>, %arg19: memref<2x!tpu.dma_semaphore, #tpu.memory_space<semaphore_mem>>, %arg20: memref<10112x128xf32, #tpu.memory_space<vmem_shared>>) attributes {dimension_semantics = [#tpu.dimension_semantics<core_parallel>, #tpu.dimension_semantics<subcore_parallel>], iteration_bounds = array<i64: 2, 16>, scalar_prefetch = 0 : i64, scratch_operands = 14 : i64, tpu.core_type = #tpu.core_type<sc_vector_subcore>, window_params = [{transform_indices = #map}, {transform_indices = #map1}, {transform_indices = #map1}, {transform_indices = #map}, {transform_indices = #map}]} {
    %mul3A = arith.constant 16 : i32
    %mul3A_0 = arith.muli %arg0, %mul3A : i32
    %add3A = arith.addi %mul3A_0, %arg1 : i32
    %mul3A_1 = arith.constant 632 : i32
    %mul3A_2 = arith.muli %arg1, %mul3A_1 : i32
    "tpu.region"() ({
      %run_scoped3A = tpu.sem_alloc : memref<!tpu.dma_semaphore, #tpu.memory_space<semaphore_mem>>
      %dma_start3A_128 = arith.constant 0 : i32
      %dma_start3A_129 = tpu.memref_slice %arg20[%mul3A_2, %dma_start3A_128] : memref<10112x128xf32, #tpu.memory_space<vmem_shared>> -> memref<632x128xf32, #tpu.memory_space<vmem_shared>>
      tpu.enqueue_dma source(%arg5 : memref<632x128xf32, #tpu.memory_space<hbm>>) target(%dma_start3A_129 : memref<632x128xf32, #tpu.memory_space<vmem_shared>>) target_semaphore(%run_scoped3A : memref<!tpu.dma_semaphore, #tpu.memory_space<semaphore_mem>>)
      %dma_wait3A_130 = arith.constant 0 : i32
      %dma_wait3A_131 = tpu.memref_slice %arg20[%mul3A_2, %dma_wait3A_130] : memref<10112x128xf32, #tpu.memory_space<vmem_shared>> -> memref<632x128xf32, #tpu.memory_space<vmem_shared>>
      tpu.wait_dma2 semaphore(%run_scoped3A : memref<!tpu.dma_semaphore, #tpu.memory_space<semaphore_mem>>) src(%arg5 : memref<632x128xf32, #tpu.memory_space<hbm>>) dst(%dma_wait3A_131 : memref<632x128xf32, #tpu.memory_space<vmem_shared>>)
      tpu.yield
    }) : () -> ()
    %dma_start3A = arith.constant 0 : i32
    %dma_start3A_3 = arith.constant 0 : i32
    %dma_start3A_4 = arith.constant 0 : i32
    %dma_start3A_5 = tpu.memref_slice %arg3[%add3A, %dma_start3A, %dma_start3A_4] : memref<32x252x40xi32, #tpu.memory_space<hbm>> -> memref<1x1x40xi32, #tpu.memory_space<hbm>>
    %dma_start3A_6 = tpu.memref_squeeze %dma_start3A_5 : memref<1x1x40xi32, #tpu.memory_space<hbm>> -> memref<40xi32, #tpu.memory_space<hbm>>
    %dma_start3A_7 = tpu.memref_slice %arg17[%dma_start3A_3] : memref<4x!tpu.dma_semaphore, #tpu.memory_space<semaphore_mem>> -> memref<1x!tpu.dma_semaphore, #tpu.memory_space<semaphore_mem>>
    %dma_start3A_8 = tpu.memref_squeeze %dma_start3A_7 : memref<1x!tpu.dma_semaphore, #tpu.memory_space<semaphore_mem>> -> memref<!tpu.dma_semaphore, #tpu.memory_space<semaphore_mem>>
    %dma_start3A_9 = arith.constant 0 : i32
    %dma_start3A_10 = tpu.memref_slice %arg3[%add3A, %dma_start3A, %dma_start3A_9] : memref<32x252x40xi32, #tpu.memory_space<hbm>> -> memref<1x1x40xi32, #tpu.memory_space<hbm>>
    %dma_start3A_11 = tpu.memref_squeeze %dma_start3A_10 : memref<1x1x40xi32, #tpu.memory_space<hbm>> -> memref<40xi32, #tpu.memory_space<hbm>>
    tpu.enqueue_dma source(%dma_start3A_11 : memref<40xi32, #tpu.memory_space<hbm>>) target(%arg7 : memref<40xi32, #tpu.memory_space<vmem>>) target_semaphore(%dma_start3A_8 : memref<!tpu.dma_semaphore, #tpu.memory_space<semaphore_mem>>)
    %dma_start3A_12 = arith.constant 0 : i32
    %dma_start3A_13 = arith.constant 0 : i32
    %dma_start3A_14 = arith.constant 0 : i32
    %dma_start3A_15 = tpu.memref_slice %arg4[%add3A, %dma_start3A_12, %dma_start3A_14] : memref<32x252x40xi32, #tpu.memory_space<hbm>> -> memref<1x1x40xi32, #tpu.memory_space<hbm>>
    %dma_start3A_16 = tpu.memref_squeeze %dma_start3A_15 : memref<1x1x40xi32, #tpu.memory_space<hbm>> -> memref<40xi32, #tpu.memory_space<hbm>>
    %dma_start3A_17 = tpu.memref_slice %arg18[%dma_start3A_13] : memref<4x!tpu.dma_semaphore, #tpu.memory_space<semaphore_mem>> -> memref<1x!tpu.dma_semaphore, #tpu.memory_space<semaphore_mem>>
    %dma_start3A_18 = tpu.memref_squeeze %dma_start3A_17 : memref<1x!tpu.dma_semaphore, #tpu.memory_space<semaphore_mem>> -> memref<!tpu.dma_semaphore, #tpu.memory_space<semaphore_mem>>
    %dma_start3A_19 = arith.constant 0 : i32
    %dma_start3A_20 = tpu.memref_slice %arg4[%add3A, %dma_start3A_12, %dma_start3A_19] : memref<32x252x40xi32, #tpu.memory_space<hbm>> -> memref<1x1x40xi32, #tpu.memory_space<hbm>>
    %dma_start3A_21 = tpu.memref_squeeze %dma_start3A_20 : memref<1x1x40xi32, #tpu.memory_space<hbm>> -> memref<40xi32, #tpu.memory_space<hbm>>
    tpu.enqueue_dma source(%dma_start3A_21 : memref<40xi32, #tpu.memory_space<hbm>>) target(%arg11 : memref<40xi32, #tpu.memory_space<vmem>>) target_semaphore(%dma_start3A_18 : memref<!tpu.dma_semaphore, #tpu.memory_space<semaphore_mem>>)
    %dma_start3A_22 = arith.constant 1 : i32
    %dma_start3A_23 = arith.constant 1 : i32
    %dma_start3A_24 = arith.constant 0 : i32
    %dma_start3A_25 = tpu.memref_slice %arg3[%add3A, %dma_start3A_22, %dma_start3A_24] : memref<32x252x40xi32, #tpu.memory_space<hbm>> -> memref<1x1x40xi32, #tpu.memory_space<hbm>>
    %dma_start3A_26 = tpu.memref_squeeze %dma_start3A_25 : memref<1x1x40xi32, #tpu.memory_space<hbm>> -> memref<40xi32, #tpu.memory_space<hbm>>
    %dma_start3A_27 = tpu.memref_slice %arg17[%dma_start3A_23] : memref<4x!tpu.dma_semaphore, #tpu.memory_space<semaphore_mem>> -> memref<1x!tpu.dma_semaphore, #tpu.memory_space<semaphore_mem>>
    %dma_start3A_28 = tpu.memref_squeeze %dma_start3A_27 : memref<1x!tpu.dma_semaphore, #tpu.memory_space<semaphore_mem>> -> memref<!tpu.dma_semaphore, #tpu.memory_space<semaphore_mem>>
    %dma_start3A_29 = arith.constant 0 : i32
    %dma_start3A_30 = tpu.memref_slice %arg3[%add3A, %dma_start3A_22, %dma_start3A_29] : memref<32x252x40xi32, #tpu.memory_space<hbm>> -> memref<1x1x40xi32, #tpu.memory_space<hbm>>
    %dma_start3A_31 = tpu.memref_squeeze %dma_start3A_30 : memref<1x1x40xi32, #tpu.memory_space<hbm>> -> memref<40xi32, #tpu.memory_space<hbm>>
    tpu.enqueue_dma source(%dma_start3A_31 : memref<40xi32, #tpu.memory_space<hbm>>) target(%arg8 : memref<40xi32, #tpu.memory_space<vmem>>) target_semaphore(%dma_start3A_28 : memref<!tpu.dma_semaphore, #tpu.memory_space<semaphore_mem>>)
    %dma_start3A_32 = arith.constant 1 : i32
    %dma_start3A_33 = arith.constant 1 : i32
    %dma_start3A_34 = arith.constant 0 : i32
    %dma_start3A_35 = tpu.memref_slice %arg4[%add3A, %dma_start3A_32, %dma_start3A_34] : memref<32x252x40xi32, #tpu.memory_space<hbm>> -> memref<1x1x40xi32, #tpu.memory_space<hbm>>
    %dma_start3A_36 = tpu.memref_squeeze %dma_start3A_35 : memref<1x1x40xi32, #tpu.memory_space<hbm>> -> memref<40xi32, #tpu.memory_space<hbm>>
    %dma_start3A_37 = tpu.memref_slice %arg18[%dma_start3A_33] : memref<4x!tpu.dma_semaphore, #tpu.memory_space<semaphore_mem>> -> memref<1x!tpu.dma_semaphore, #tpu.memory_space<semaphore_mem>>
    %dma_start3A_38 = tpu.memref_squeeze %dma_start3A_37 : memref<1x!tpu.dma_semaphore, #tpu.memory_space<semaphore_mem>> -> memref<!tpu.dma_semaphore, #tpu.memory_space<semaphore_mem>>
    %dma_start3A_39 = arith.constant 0 : i32
    %dma_start3A_40 = tpu.memref_slice %arg4[%add3A, %dma_start3A_32, %dma_start3A_39] : memref<32x252x40xi32, #tpu.memory_space<hbm>> -> memref<1x1x40xi32, #tpu.memory_space<hbm>>
    %dma_start3A_41 = tpu.memref_squeeze %dma_start3A_40 : memref<1x1x40xi32, #tpu.memory_space<hbm>> -> memref<40xi32, #tpu.memory_space<hbm>>
    tpu.enqueue_dma source(%dma_start3A_41 : memref<40xi32, #tpu.memory_space<hbm>>) target(%arg12 : memref<40xi32, #tpu.memory_space<vmem>>) target_semaphore(%dma_start3A_38 : memref<!tpu.dma_semaphore, #tpu.memory_space<semaphore_mem>>)
    %dma_start3A_42 = arith.constant 2 : i32
    %dma_start3A_43 = arith.constant 2 : i32
    %dma_start3A_44 = arith.constant 0 : i32
    %dma_start3A_45 = tpu.memref_slice %arg3[%add3A, %dma_start3A_42, %dma_start3A_44] : memref<32x252x40xi32, #tpu.memory_space<hbm>> -> memref<1x1x40xi32, #tpu.memory_space<hbm>>
    %dma_start3A_46 = tpu.memref_squeeze %dma_start3A_45 : memref<1x1x40xi32, #tpu.memory_space<hbm>> -> memref<40xi32, #tpu.memory_space<hbm>>
    %dma_start3A_47 = tpu.memref_slice %arg17[%dma_start3A_43] : memref<4x!tpu.dma_semaphore, #tpu.memory_space<semaphore_mem>> -> memref<1x!tpu.dma_semaphore, #tpu.memory_space<semaphore_mem>>
    %dma_start3A_48 = tpu.memref_squeeze %dma_start3A_47 : memref<1x!tpu.dma_semaphore, #tpu.memory_space<semaphore_mem>> -> memref<!tpu.dma_semaphore, #tpu.memory_space<semaphore_mem>>
    %dma_start3A_49 = arith.constant 0 : i32
    %dma_start3A_50 = tpu.memref_slice %arg3[%add3A, %dma_start3A_42, %dma_start3A_49] : memref<32x252x40xi32, #tpu.memory_space<hbm>> -> memref<1x1x40xi32, #tpu.memory_space<hbm>>
    %dma_start3A_51 = tpu.memref_squeeze %dma_start3A_50 : memref<1x1x40xi32, #tpu.memory_space<hbm>> -> memref<40xi32, #tpu.memory_space<hbm>>
    tpu.enqueue_dma source(%dma_start3A_51 : memref<40xi32, #tpu.memory_space<hbm>>) target(%arg9 : memref<40xi32, #tpu.memory_space<vmem>>) target_semaphore(%dma_start3A_48 : memref<!tpu.dma_semaphore, #tpu.memory_space<semaphore_mem>>)
    %dma_start3A_52 = arith.constant 2 : i32
    %dma_start3A_53 = arith.constant 2 : i32
    %dma_start3A_54 = arith.constant 0 : i32
    %dma_start3A_55 = tpu.memref_slice %arg4[%add3A, %dma_start3A_52, %dma_start3A_54] : memref<32x252x40xi32, #tpu.memory_space<hbm>> -> memref<1x1x40xi32, #tpu.memory_space<hbm>>
    %dma_start3A_56 = tpu.memref_squeeze %dma_start3A_55 : memref<1x1x40xi32, #tpu.memory_space<hbm>> -> memref<40xi32, #tpu.memory_space<hbm>>
    %dma_start3A_57 = tpu.memref_slice %arg18[%dma_start3A_53] : memref<4x!tpu.dma_semaphore, #tpu.memory_space<semaphore_mem>> -> memref<1x!tpu.dma_semaphore, #tpu.memory_space<semaphore_mem>>
    %dma_start3A_58 = tpu.memref_squeeze %dma_start3A_57 : memref<1x!tpu.dma_semaphore, #tpu.memory_space<semaphore_mem>> -> memref<!tpu.dma_semaphore, #tpu.memory_space<semaphore_mem>>
    %dma_start3A_59 = arith.constant 0 : i32
    %dma_start3A_60 = tpu.memref_slice %arg4[%add3A, %dma_start3A_52, %dma_start3A_59] : memref<32x252x40xi32, #tpu.memory_space<hbm>> -> memref<1x1x40xi32, #tpu.memory_space<hbm>>
    %dma_start3A_61 = tpu.memref_squeeze %dma_start3A_60 : memref<1x1x40xi32, #tpu.memory_space<hbm>> -> memref<40xi32, #tpu.memory_space<hbm>>
    tpu.enqueue_dma source(%dma_start3A_61 : memref<40xi32, #tpu.memory_space<hbm>>) target(%arg13 : memref<40xi32, #tpu.memory_space<vmem>>) target_semaphore(%dma_start3A_58 : memref<!tpu.dma_semaphore, #tpu.memory_space<semaphore_mem>>)
    %dma_start3A_62 = arith.constant 3 : i32
    %dma_start3A_63 = arith.constant 3 : i32
    %dma_start3A_64 = arith.constant 0 : i32
    %dma_start3A_65 = tpu.memref_slice %arg3[%add3A, %dma_start3A_62, %dma_start3A_64] : memref<32x252x40xi32, #tpu.memory_space<hbm>> -> memref<1x1x40xi32, #tpu.memory_space<hbm>>
    %dma_start3A_66 = tpu.memref_squeeze %dma_start3A_65 : memref<1x1x40xi32, #tpu.memory_space<hbm>> -> memref<40xi32, #tpu.memory_space<hbm>>
    %dma_start3A_67 = tpu.memref_slice %arg17[%dma_start3A_63] : memref<4x!tpu.dma_semaphore, #tpu.memory_space<semaphore_mem>> -> memref<1x!tpu.dma_semaphore, #tpu.memory_space<semaphore_mem>>
    %dma_start3A_68 = tpu.memref_squeeze %dma_start3A_67 : memref<1x!tpu.dma_semaphore, #tpu.memory_space<semaphore_mem>> -> memref<!tpu.dma_semaphore, #tpu.memory_space<semaphore_mem>>
    %dma_start3A_69 = arith.constant 0 : i32
    %dma_start3A_70 = tpu.memref_slice %arg3[%add3A, %dma_start3A_62, %dma_start3A_69] : memref<32x252x40xi32, #tpu.memory_space<hbm>> -> memref<1x1x40xi32, #tpu.memory_space<hbm>>
    %dma_start3A_71 = tpu.memref_squeeze %dma_start3A_70 : memref<1x1x40xi32, #tpu.memory_space<hbm>> -> memref<40xi32, #tpu.memory_space<hbm>>
    tpu.enqueue_dma source(%dma_start3A_71 : memref<40xi32, #tpu.memory_space<hbm>>) target(%arg10 : memref<40xi32, #tpu.memory_space<vmem>>) target_semaphore(%dma_start3A_68 : memref<!tpu.dma_semaphore, #tpu.memory_space<semaphore_mem>>)
    %dma_start3A_72 = arith.constant 3 : i32
    %dma_start3A_73 = arith.constant 3 : i32
    %dma_start3A_74 = arith.constant 0 : i32
    %dma_start3A_75 = tpu.memref_slice %arg4[%add3A, %dma_start3A_72, %dma_start3A_74] : memref<32x252x40xi32, #tpu.memory_space<hbm>> -> memref<1x1x40xi32, #tpu.memory_space<hbm>>
    %dma_start3A_76 = tpu.memref_squeeze %dma_start3A_75 : memref<1x1x40xi32, #tpu.memory_space<hbm>> -> memref<40xi32, #tpu.memory_space<hbm>>
    %dma_start3A_77 = tpu.memref_slice %arg18[%dma_start3A_73] : memref<4x!tpu.dma_semaphore, #tpu.memory_space<semaphore_mem>> -> memref<1x!tpu.dma_semaphore, #tpu.memory_space<semaphore_mem>>
    %dma_start3A_78 = tpu.memref_squeeze %dma_start3A_77 : memref<1x!tpu.dma_semaphore, #tpu.memory_space<semaphore_mem>> -> memref<!tpu.dma_semaphore, #tpu.memory_space<semaphore_mem>>
    %dma_start3A_79 = arith.constant 0 : i32
    %dma_start3A_80 = tpu.memref_slice %arg4[%add3A, %dma_start3A_72, %dma_start3A_79] : memref<32x252x40xi32, #tpu.memory_space<hbm>> -> memref<1x1x40xi32, #tpu.memory_space<hbm>>
    %dma_start3A_81 = tpu.memref_squeeze %dma_start3A_80 : memref<1x1x40xi32, #tpu.memory_space<hbm>> -> memref<40xi32, #tpu.memory_space<hbm>>
    tpu.enqueue_dma source(%dma_start3A_81 : memref<40xi32, #tpu.memory_space<hbm>>) target(%arg14 : memref<40xi32, #tpu.memory_space<vmem>>) target_semaphore(%dma_start3A_78 : memref<!tpu.dma_semaphore, #tpu.memory_space<semaphore_mem>>)
    %barrier3A = arith.constant 0 : index
    tpu.barrier barrier_id(%barrier3A)
    %dma_wait3A = arith.constant 0 : i32
    %dma_wait3A_82 = arith.constant 0 : i32
    %dma_wait3A_83 = arith.constant 0 : i32
    %dma_wait3A_84 = arith.constant 0 : i32
    %dma_wait3A_85 = tpu.memref_slice %arg3[%dma_wait3A, %dma_wait3A_82, %dma_wait3A_84] : memref<32x252x40xi32, #tpu.memory_space<hbm>> -> memref<1x1x40xi32, #tpu.memory_space<hbm>>
    %dma_wait3A_86 = tpu.memref_squeeze %dma_wait3A_85 : memref<1x1x40xi32, #tpu.memory_space<hbm>> -> memref<40xi32, #tpu.memory_space<hbm>>
    %dma_wait3A_87 = tpu.memref_slice %arg17[%dma_wait3A_83] : memref<4x!tpu.dma_semaphore, #tpu.memory_space<semaphore_mem>> -> memref<1x!tpu.dma_semaphore, #tpu.memory_space<semaphore_mem>>
    %dma_wait3A_88 = tpu.memref_squeeze %dma_wait3A_87 : memref<1x!tpu.dma_semaphore, #tpu.memory_space<semaphore_mem>> -> memref<!tpu.dma_semaphore, #tpu.memory_space<semaphore_mem>>
    %dma_wait3A_89 = arith.constant 0 : i32
    %dma_wait3A_90 = tpu.memref_slice %arg3[%dma_wait3A, %dma_wait3A_82, %dma_wait3A_89] : memref<32x252x40xi32, #tpu.memory_space<hbm>> -> memref<1x1x40xi32, #tpu.memory_space<hbm>>
    %dma_wait3A_91 = tpu.memref_squeeze %dma_wait3A_90 : memref<1x1x40xi32, #tpu.memory_space<hbm>> -> memref<40xi32, #tpu.memory_space<hbm>>
    tpu.wait_dma2 semaphore(%dma_wait3A_88 : memref<!tpu.dma_semaphore, #tpu.memory_space<semaphore_mem>>) src(%dma_wait3A_91 : memref<40xi32, #tpu.memory_space<hbm>>) dst(%arg7 : memref<40xi32, #tpu.memory_space<vmem>>)
    %dma_start3A_92 = arith.constant 0 : i32
    %dma_start3A_93 = arith.constant 0 : i32
    %dma_start3A_94 = arith.constant 0 : i32
    %dma_start3A_95 = tpu.memref_slice %arg2[%dma_start3A_93, %dma_start3A_94] : memref<10000x128xf32, #tpu.memory_space<hbm>> -> memref<10000x128xf32, #tpu.memory_space<hbm>>
    %dma_start3A_96 = tpu.memref_slice %arg19[%dma_start3A_92] : memref<2x!tpu.dma_semaphore, #tpu.memory_space<semaphore_mem>> -> memref<1x!tpu.dma_semaphore, #tpu.memory_space<semaphore_mem>>
    %dma_start3A_97 = tpu.memref_squeeze %dma_start3A_96 : memref<1x!tpu.dma_semaphore, #tpu.memory_space<semaphore_mem>> -> memref<!tpu.dma_semaphore, #tpu.memory_space<semaphore_mem>>
    tpu.enqueue_indirect_dma source(%dma_start3A_95 : memref<10000x128xf32, #tpu.memory_space<hbm>>) target(%arg15 : memref<40x128xf32, #tpu.memory_space<vmem>>) offsets(%arg7 : memref<40xi32, #tpu.memory_space<vmem>>) semaphore(%dma_start3A_97 : memref<!tpu.dma_semaphore, #tpu.memory_space<semaphore_mem>>)
    %dma_wait3A_98 = arith.constant 0 : i32
    %dma_wait3A_99 = arith.constant 0 : i32
    %dma_wait3A_100 = arith.constant 1 : i32
    %dma_wait3A_101 = arith.constant 0 : i32
    %dma_wait3A_102 = tpu.memref_slice %arg3[%dma_wait3A_98, %dma_wait3A_99, %dma_wait3A_101] : memref<32x252x40xi32, #tpu.memory_space<hbm>> -> memref<1x1x40xi32, #tpu.memory_space<hbm>>
    %dma_wait3A_103 = tpu.memref_squeeze %dma_wait3A_102 : memref<1x1x40xi32, #tpu.memory_space<hbm>> -> memref<40xi32, #tpu.memory_space<hbm>>
    %dma_wait3A_104 = tpu.memref_slice %arg17[%dma_wait3A_100] : memref<4x!tpu.dma_semaphore, #tpu.memory_space<semaphore_mem>> -> memref<1x!tpu.dma_semaphore, #tpu.memory_space<semaphore_mem>>
    %dma_wait3A_105 = tpu.memref_squeeze %dma_wait3A_104 : memref<1x!tpu.dma_semaphore, #tpu.memory_space<semaphore_mem>> -> memref<!tpu.dma_semaphore, #tpu.memory_space<semaphore_mem>>
    %dma_wait3A_106 = arith.constant 0 : i32
    %dma_wait3A_107 = tpu.memref_slice %arg3[%dma_wait3A_98, %dma_wait3A_99, %dma_wait3A_106] : memref<32x252x40xi32, #tpu.memory_space<hbm>> -> memref<1x1x40xi32, #tpu.memory_space<hbm>>
    %dma_wait3A_108 = tpu.memref_squeeze %dma_wait3A_107 : memref<1x1x40xi32, #tpu.memory_space<hbm>> -> memref<40xi32, #tpu.memory_space<hbm>>
    tpu.wait_dma2 semaphore(%dma_wait3A_105 : memref<!tpu.dma_semaphore, #tpu.memory_space<semaphore_mem>>) src(%dma_wait3A_108 : memref<40xi32, #tpu.memory_space<hbm>>) dst(%arg8 : memref<40xi32, #tpu.memory_space<vmem>>)
    %dma_start3A_109 = arith.constant 1 : i32
    %dma_start3A_110 = arith.constant 0 : i32
    %dma_start3A_111 = arith.constant 0 : i32
    %dma_start3A_112 = tpu.memref_slice %arg2[%dma_start3A_110, %dma_start3A_111] : memref<10000x128xf32, #tpu.memory_space<hbm>> -> memref<10000x128xf32, #tpu.memory_space<hbm>>
    %dma_start3A_113 = tpu.memref_slice %arg19[%dma_start3A_109] : memref<2x!tpu.dma_semaphore, #tpu.memory_space<semaphore_mem>> -> memref<1x!tpu.dma_semaphore, #tpu.memory_space<semaphore_mem>>
    %dma_start3A_114 = tpu.memref_squeeze %dma_start3A_113 : memref<1x!tpu.dma_semaphore, #tpu.memory_space<semaphore_mem>> -> memref<!tpu.dma_semaphore, #tpu.memory_space<semaphore_mem>>
    tpu.enqueue_indirect_dma source(%dma_start3A_112 : memref<10000x128xf32, #tpu.memory_space<hbm>>) target(%arg16 : memref<40x128xf32, #tpu.memory_space<vmem>>) offsets(%arg8 : memref<40xi32, #tpu.memory_space<vmem>>) semaphore(%dma_start3A_114 : memref<!tpu.dma_semaphore, #tpu.memory_space<semaphore_mem>>)
    %scan3A = arith.constant 0 : i32
    %scan3A_115 = arith.constant 0 : i32
    %scan3A_116 = arith.constant 63 : i32
    %scan3A_117 = arith.addi %scan3A_115, %scan3A_116 : i32
    %scan3A_118 = arith.constant 1 : i32
    scf.for %scan3A_128 = %scan3A_115 to %scan3A_117 step %scan3A_118  : i32 {
      %mul3A_129 = arith.constant 4 : i32
      %mul3A_130 = arith.muli %scan3A_128, %mul3A_129 : i32
      %add3A_131 = arith.constant 0 : i32
      %add3A_132 = arith.addi %mul3A_130, %add3A_131 : i32
      %dma_wait3A_133 = arith.constant 0 : i32
      %dma_wait3A_134 = arith.constant 0 : i32
      %dma_wait3A_135 = arith.constant 0 : i32
      %dma_wait3A_136 = tpu.memref_slice %arg2[%dma_wait3A_134, %dma_wait3A_135] : memref<10000x128xf32, #tpu.memory_space<hbm>> -> memref<40x128xf32, #tpu.memory_space<hbm>>
      %dma_wait3A_137 = tpu.memref_slice %arg19[%dma_wait3A_133] : memref<2x!tpu.dma_semaphore, #tpu.memory_space<semaphore_mem>> -> memref<1x!tpu.dma_semaphore, #tpu.memory_space<semaphore_mem>>
      %dma_wait3A_138 = tpu.memref_squeeze %dma_wait3A_137 : memref<1x!tpu.dma_semaphore, #tpu.memory_space<semaphore_mem>> -> memref<!tpu.dma_semaphore, #tpu.memory_space<semaphore_mem>>
      %dma_wait3A_139 = arith.constant 0 : i32
      %dma_wait3A_140 = arith.constant 0 : i32
      %dma_wait3A_141 = tpu.memref_slice %arg2[%dma_wait3A_139, %dma_wait3A_140] : memref<10000x128xf32, #tpu.memory_space<hbm>> -> memref<40x128xf32, #tpu.memory_space<hbm>>
      tpu.wait_dma2 semaphore(%dma_wait3A_138 : memref<!tpu.dma_semaphore, #tpu.memory_space<semaphore_mem>>) src(%dma_wait3A_141 : memref<40x128xf32, #tpu.memory_space<hbm>>) dst(%arg15 : memref<40x128xf32, #tpu.memory_space<vmem>>)
      %dma_wait3A_142 = arith.constant 0 : i32
      %dma_wait3A_143 = arith.constant 0 : i32
      %dma_wait3A_144 = arith.constant 0 : i32
      %dma_wait3A_145 = arith.constant 0 : i32
      %dma_wait3A_146 = tpu.memref_slice %arg3[%dma_wait3A_142, %dma_wait3A_143, %dma_wait3A_145] : memref<32x252x40xi32, #tpu.memory_space<hbm>> -> memref<1x1x40xi32, #tpu.memory_space<hbm>>
      %dma_wait3A_147 = tpu.memref_squeeze %dma_wait3A_146 : memref<1x1x40xi32, #tpu.memory_space<hbm>> -> memref<40xi32, #tpu.memory_space<hbm>>
      %dma_wait3A_148 = tpu.memref_slice %arg18[%dma_wait3A_144] : memref<4x!tpu.dma_semaphore, #tpu.memory_space<semaphore_mem>> -> memref<1x!tpu.dma_semaphore, #tpu.memory_space<semaphore_mem>>
      %dma_wait3A_149 = tpu.memref_squeeze %dma_wait3A_148 : memref<1x!tpu.dma_semaphore, #tpu.memory_space<semaphore_mem>> -> memref<!tpu.dma_semaphore, #tpu.memory_space<semaphore_mem>>
      %dma_wait3A_150 = arith.constant 0 : i32
      %dma_wait3A_151 = tpu.memref_slice %arg3[%dma_wait3A_142, %dma_wait3A_143, %dma_wait3A_150] : memref<32x252x40xi32, #tpu.memory_space<hbm>> -> memref<1x1x40xi32, #tpu.memory_space<hbm>>
      %dma_wait3A_152 = tpu.memref_squeeze %dma_wait3A_151 : memref<1x1x40xi32, #tpu.memory_space<hbm>> -> memref<40xi32, #tpu.memory_space<hbm>>
      tpu.wait_dma2 semaphore(%dma_wait3A_149 : memref<!tpu.dma_semaphore, #tpu.memory_space<semaphore_mem>>) src(%dma_wait3A_152 : memref<40xi32, #tpu.memory_space<hbm>>) dst(%arg11 : memref<40xi32, #tpu.memory_space<vmem>>)
      "tpu.region"() ({
        %run_scoped3A = tpu.sem_alloc : memref<!tpu.dma_semaphore, #tpu.memory_space<semaphore_mem>>
        %dma_start3A_278 = arith.constant 0 : i32
        %dma_start3A_279 = arith.constant 0 : i32
        %dma_start3A_280 = tpu.memref_slice %arg20[%dma_start3A_278, %dma_start3A_279] : memref<10112x128xf32, #tpu.memory_space<vmem_shared>> -> memref<10112x128xf32, #tpu.memory_space<vmem_shared>>
        tpu.enqueue_indirect_dma source(%arg15 : memref<40x128xf32, #tpu.memory_space<vmem>>) target(%dma_start3A_280 : memref<10112x128xf32, #tpu.memory_space<vmem_shared>>) offsets(%arg11 : memref<40xi32, #tpu.memory_space<vmem>>) semaphore(%run_scoped3A : memref<!tpu.dma_semaphore, #tpu.memory_space<semaphore_mem>>) {add = true}
        %dma_wait3A_281 = arith.constant 0 : i32
        %dma_wait3A_282 = arith.constant 0 : i32
        %dma_wait3A_283 = tpu.memref_slice %arg20[%dma_wait3A_281, %dma_wait3A_282] : memref<10112x128xf32, #tpu.memory_space<vmem_shared>> -> memref<10112x128xf32, #tpu.memory_space<vmem_shared>>
        tpu.wait_indirect_dma semaphore(%run_scoped3A : memref<!tpu.dma_semaphore, #tpu.memory_space<semaphore_mem>>) src(%arg15 : memref<40x128xf32, #tpu.memory_space<vmem>>) dst(%dma_wait3A_283 : memref<10112x128xf32, #tpu.memory_space<vmem_shared>>)
        tpu.yield
      }) : () -> ()
      %add3A_153 = arith.constant 2 : i32
      %add3A_154 = arith.addi %add3A_132, %add3A_153 : i32
      %lt3A = arith.constant 252 : i32
      %lt3A_155 = arith.cmpi slt, %add3A_154, %lt3A : i32
      %convert_element_type3A = arith.extui %lt3A_155 : i1 to i32
      %cond3A = arith.constant 0 : i32
      %cond3A_156 = arith.cmpi ne, %convert_element_type3A, %cond3A : i32
      scf.if %cond3A_156 {
        %add3A_278 = arith.constant 2 : i32
        %add3A_279 = arith.addi %add3A_132, %add3A_278 : i32
        %dma_wait3A_280 = arith.constant 0 : i32
        %dma_wait3A_281 = arith.constant 0 : i32
        %dma_wait3A_282 = arith.constant 2 : i32
        %dma_wait3A_283 = arith.constant 0 : i32
        %dma_wait3A_284 = tpu.memref_slice %arg3[%dma_wait3A_280, %dma_wait3A_281, %dma_wait3A_283] : memref<32x252x40xi32, #tpu.memory_space<hbm>> -> memref<1x1x40xi32, #tpu.memory_space<hbm>>
        %dma_wait3A_285 = tpu.memref_squeeze %dma_wait3A_284 : memref<1x1x40xi32, #tpu.memory_space<hbm>> -> memref<40xi32, #tpu.memory_space<hbm>>
        %dma_wait3A_286 = tpu.memref_slice %arg17[%dma_wait3A_282] : memref<4x!tpu.dma_semaphore, #tpu.memory_space<semaphore_mem>> -> memref<1x!tpu.dma_semaphore, #tpu.memory_space<semaphore_mem>>
        %dma_wait3A_287 = tpu.memref_squeeze %dma_wait3A_286 : memref<1x!tpu.dma_semaphore, #tpu.memory_space<semaphore_mem>> -> memref<!tpu.dma_semaphore, #tpu.memory_space<semaphore_mem>>
        %dma_wait3A_288 = arith.constant 0 : i32
        %dma_wait3A_289 = tpu.memref_slice %arg3[%dma_wait3A_280, %dma_wait3A_281, %dma_wait3A_288] : memref<32x252x40xi32, #tpu.memory_space<hbm>> -> memref<1x1x40xi32, #tpu.memory_space<hbm>>
        %dma_wait3A_290 = tpu.memref_squeeze %dma_wait3A_289 : memref<1x1x40xi32, #tpu.memory_space<hbm>> -> memref<40xi32, #tpu.memory_space<hbm>>
        tpu.wait_dma2 semaphore(%dma_wait3A_287 : memref<!tpu.dma_semaphore, #tpu.memory_space<semaphore_mem>>) src(%dma_wait3A_290 : memref<40xi32, #tpu.memory_space<hbm>>) dst(%arg9 : memref<40xi32, #tpu.memory_space<vmem>>)
        %dma_start3A_291 = arith.constant 0 : i32
        %dma_start3A_292 = arith.constant 0 : i32
        %dma_start3A_293 = arith.constant 0 : i32
        %dma_start3A_294 = tpu.memref_slice %arg2[%dma_start3A_292, %dma_start3A_293] : memref<10000x128xf32, #tpu.memory_space<hbm>> -> memref<10000x128xf32, #tpu.memory_space<hbm>>
        %dma_start3A_295 = tpu.memref_slice %arg19[%dma_start3A_291] : memref<2x!tpu.dma_semaphore, #tpu.memory_space<semaphore_mem>> -> memref<1x!tpu.dma_semaphore, #tpu.memory_space<semaphore_mem>>
        %dma_start3A_296 = tpu.memref_squeeze %dma_start3A_295 : memref<1x!tpu.dma_semaphore, #tpu.memory_space<semaphore_mem>> -> memref<!tpu.dma_semaphore, #tpu.memory_space<semaphore_mem>>
        tpu.enqueue_indirect_dma source(%dma_start3A_294 : memref<10000x128xf32, #tpu.memory_space<hbm>>) target(%arg15 : memref<40x128xf32, #tpu.memory_space<vmem>>) offsets(%arg9 : memref<40xi32, #tpu.memory_space<vmem>>) semaphore(%dma_start3A_296 : memref<!tpu.dma_semaphore, #tpu.memory_space<semaphore_mem>>)
      } else {
      }
      %add3A_157 = arith.constant 4 : i32
      %add3A_158 = arith.addi %add3A_132, %add3A_157 : i32
      %lt3A_159 = arith.constant 252 : i32
      %lt3A_160 = arith.cmpi slt, %add3A_158, %lt3A_159 : i32
      %convert_element_type3A_161 = arith.extui %lt3A_160 : i1 to i32
      %cond3A_162 = arith.constant 0 : i32
      %cond3A_163 = arith.cmpi ne, %convert_element_type3A_161, %cond3A_162 : i32
      scf.if %cond3A_163 {
        %add3A_278 = arith.constant 4 : i32
        %add3A_279 = arith.addi %add3A_132, %add3A_278 : i32
        %dma_start3A_280 = arith.constant 0 : i32
        %dma_start3A_281 = arith.constant 0 : i32
        %dma_start3A_282 = tpu.memref_slice %arg3[%add3A, %add3A_279, %dma_start3A_281] : memref<32x252x40xi32, #tpu.memory_space<hbm>> -> memref<1x1x40xi32, #tpu.memory_space<hbm>>
        %dma_start3A_283 = tpu.memref_squeeze %dma_start3A_282 : memref<1x1x40xi32, #tpu.memory_space<hbm>> -> memref<40xi32, #tpu.memory_space<hbm>>
        %dma_start3A_284 = tpu.memref_slice %arg17[%dma_start3A_280] : memref<4x!tpu.dma_semaphore, #tpu.memory_space<semaphore_mem>> -> memref<1x!tpu.dma_semaphore, #tpu.memory_space<semaphore_mem>>
        %dma_start3A_285 = tpu.memref_squeeze %dma_start3A_284 : memref<1x!tpu.dma_semaphore, #tpu.memory_space<semaphore_mem>> -> memref<!tpu.dma_semaphore, #tpu.memory_space<semaphore_mem>>
        %dma_start3A_286 = arith.constant 0 : i32
        %dma_start3A_287 = tpu.memref_slice %arg3[%add3A, %add3A_279, %dma_start3A_286] : memref<32x252x40xi32, #tpu.memory_space<hbm>> -> memref<1x1x40xi32, #tpu.memory_space<hbm>>
        %dma_start3A_288 = tpu.memref_squeeze %dma_start3A_287 : memref<1x1x40xi32, #tpu.memory_space<hbm>> -> memref<40xi32, #tpu.memory_space<hbm>>
        tpu.enqueue_dma source(%dma_start3A_288 : memref<40xi32, #tpu.memory_space<hbm>>) target(%arg7 : memref<40xi32, #tpu.memory_space<vmem>>) target_semaphore(%dma_start3A_285 : memref<!tpu.dma_semaphore, #tpu.memory_space<semaphore_mem>>)
        %dma_start3A_289 = arith.constant 0 : i32
        %dma_start3A_290 = arith.constant 0 : i32
        %dma_start3A_291 = tpu.memref_slice %arg4[%add3A, %add3A_279, %dma_start3A_290] : memref<32x252x40xi32, #tpu.memory_space<hbm>> -> memref<1x1x40xi32, #tpu.memory_space<hbm>>
        %dma_start3A_292 = tpu.memref_squeeze %dma_start3A_291 : memref<1x1x40xi32, #tpu.memory_space<hbm>> -> memref<40xi32, #tpu.memory_space<hbm>>
        %dma_start3A_293 = tpu.memref_slice %arg18[%dma_start3A_289] : memref<4x!tpu.dma_semaphore, #tpu.memory_space<semaphore_mem>> -> memref<1x!tpu.dma_semaphore, #tpu.memory_space<semaphore_mem>>
        %dma_start3A_294 = tpu.memref_squeeze %dma_start3A_293 : memref<1x!tpu.dma_semaphore, #tpu.memory_space<semaphore_mem>> -> memref<!tpu.dma_semaphore, #tpu.memory_space<semaphore_mem>>
        %dma_start3A_295 = arith.constant 0 : i32
        %dma_start3A_296 = tpu.memref_slice %arg4[%add3A, %add3A_279, %dma_start3A_295] : memref<32x252x40xi32, #tpu.memory_space<hbm>> -> memref<1x1x40xi32, #tpu.memory_space<hbm>>
        %dma_start3A_297 = tpu.memref_squeeze %dma_start3A_296 : memref<1x1x40xi32, #tpu.memory_space<hbm>> -> memref<40xi32, #tpu.memory_space<hbm>>
        tpu.enqueue_dma source(%dma_start3A_297 : memref<40xi32, #tpu.memory_space<hbm>>) target(%arg11 : memref<40xi32, #tpu.memory_space<vmem>>) target_semaphore(%dma_start3A_294 : memref<!tpu.dma_semaphore, #tpu.memory_space<semaphore_mem>>)
      } else {
      }
      %mul3A_164 = arith.constant 4 : i32
      %mul3A_165 = arith.muli %scan3A_128, %mul3A_164 : i32
      %add3A_166 = arith.constant 1 : i32
      %add3A_167 = arith.addi %mul3A_165, %add3A_166 : i32
      %dma_wait3A_168 = arith.constant 1 : i32
      %dma_wait3A_169 = arith.constant 0 : i32
      %dma_wait3A_170 = arith.constant 0 : i32
      %dma_wait3A_171 = tpu.memref_slice %arg2[%dma_wait3A_169, %dma_wait3A_170] : memref<10000x128xf32, #tpu.memory_space<hbm>> -> memref<40x128xf32, #tpu.memory_space<hbm>>
      %dma_wait3A_172 = tpu.memref_slice %arg19[%dma_wait3A_168] : memref<2x!tpu.dma_semaphore, #tpu.memory_space<semaphore_mem>> -> memref<1x!tpu.dma_semaphore, #tpu.memory_space<semaphore_mem>>
      %dma_wait3A_173 = tpu.memref_squeeze %dma_wait3A_172 : memref<1x!tpu.dma_semaphore, #tpu.memory_space<semaphore_mem>> -> memref<!tpu.dma_semaphore, #tpu.memory_space<semaphore_mem>>
      %dma_wait3A_174 = arith.constant 0 : i32
      %dma_wait3A_175 = arith.constant 0 : i32
      %dma_wait3A_176 = tpu.memref_slice %arg2[%dma_wait3A_174, %dma_wait3A_175] : memref<10000x128xf32, #tpu.memory_space<hbm>> -> memref<40x128xf32, #tpu.memory_space<hbm>>
      tpu.wait_dma2 semaphore(%dma_wait3A_173 : memref<!tpu.dma_semaphore, #tpu.memory_space<semaphore_mem>>) src(%dma_wait3A_176 : memref<40x128xf32, #tpu.memory_space<hbm>>) dst(%arg16 : memref<40x128xf32, #tpu.memory_space<vmem>>)
      %dma_wait3A_177 = arith.constant 0 : i32
      %dma_wait3A_178 = arith.constant 0 : i32
      %dma_wait3A_179 = arith.constant 1 : i32
      %dma_wait3A_180 = arith.constant 0 : i32
      %dma_wait3A_181 = tpu.memref_slice %arg3[%dma_wait3A_177, %dma_wait3A_178, %dma_wait3A_180] : memref<32x252x40xi32, #tpu.memory_space<hbm>> -> memref<1x1x40xi32, #tpu.memory_space<hbm>>
      %dma_wait3A_182 = tpu.memref_squeeze %dma_wait3A_181 : memref<1x1x40xi32, #tpu.memory_space<hbm>> -> memref<40xi32, #tpu.memory_space<hbm>>
      %dma_wait3A_183 = tpu.memref_slice %arg18[%dma_wait3A_179] : memref<4x!tpu.dma_semaphore, #tpu.memory_space<semaphore_mem>> -> memref<1x!tpu.dma_semaphore, #tpu.memory_space<semaphore_mem>>
      %dma_wait3A_184 = tpu.memref_squeeze %dma_wait3A_183 : memref<1x!tpu.dma_semaphore, #tpu.memory_space<semaphore_mem>> -> memref<!tpu.dma_semaphore, #tpu.memory_space<semaphore_mem>>
      %dma_wait3A_185 = arith.constant 0 : i32
      %dma_wait3A_186 = tpu.memref_slice %arg3[%dma_wait3A_177, %dma_wait3A_178, %dma_wait3A_185] : memref<32x252x40xi32, #tpu.memory_space<hbm>> -> memref<1x1x40xi32, #tpu.memory_space<hbm>>
      %dma_wait3A_187 = tpu.memref_squeeze %dma_wait3A_186 : memref<1x1x40xi32, #tpu.memory_space<hbm>> -> memref<40xi32, #tpu.memory_space<hbm>>
      tpu.wait_dma2 semaphore(%dma_wait3A_184 : memref<!tpu.dma_semaphore, #tpu.memory_space<semaphore_mem>>) src(%dma_wait3A_187 : memref<40xi32, #tpu.memory_space<hbm>>) dst(%arg12 : memref<40xi32, #tpu.memory_space<vmem>>)
      "tpu.region"() ({
        %run_scoped3A = tpu.sem_alloc : memref<!tpu.dma_semaphore, #tpu.memory_space<semaphore_mem>>
        %dma_start3A_278 = arith.constant 0 : i32
        %dma_start3A_279 = arith.constant 0 : i32
        %dma_start3A_280 = tpu.memref_slice %arg20[%dma_start3A_278, %dma_start3A_279] : memref<10112x128xf32, #tpu.memory_space<vmem_shared>> -> memref<10112x128xf32, #tpu.memory_space<vmem_shared>>
        tpu.enqueue_indirect_dma source(%arg16 : memref<40x128xf32, #tpu.memory_space<vmem>>) target(%dma_start3A_280 : memref<10112x128xf32, #tpu.memory_space<vmem_shared>>) offsets(%arg12 : memref<40xi32, #tpu.memory_space<vmem>>) semaphore(%run_scoped3A : memref<!tpu.dma_semaphore, #tpu.memory_space<semaphore_mem>>) {add = true}
        %dma_wait3A_281 = arith.constant 0 : i32
        %dma_wait3A_282 = arith.constant 0 : i32
        %dma_wait3A_283 = tpu.memref_slice %arg20[%dma_wait3A_281, %dma_wait3A_282] : memref<10112x128xf32, #tpu.memory_space<vmem_shared>> -> memref<10112x128xf32, #tpu.memory_space<vmem_shared>>
        tpu.wait_indirect_dma semaphore(%run_scoped3A : memref<!tpu.dma_semaphore, #tpu.memory_space<semaphore_mem>>) src(%arg16 : memref<40x128xf32, #tpu.memory_space<vmem>>) dst(%dma_wait3A_283 : memref<10112x128xf32, #tpu.memory_space<vmem_shared>>)
        tpu.yield
      }) : () -> ()
      %add3A_188 = arith.constant 2 : i32
      %add3A_189 = arith.addi %add3A_167, %add3A_188 : i32
      %lt3A_190 = arith.constant 252 : i32
      %lt3A_191 = arith.cmpi slt, %add3A_189, %lt3A_190 : i32
      %convert_element_type3A_192 = arith.extui %lt3A_191 : i1 to i32
      %cond3A_193 = arith.constant 0 : i32
      %cond3A_194 = arith.cmpi ne, %convert_element_type3A_192, %cond3A_193 : i32
      scf.if %cond3A_194 {
        %add3A_278 = arith.constant 2 : i32
        %add3A_279 = arith.addi %add3A_167, %add3A_278 : i32
        %dma_wait3A_280 = arith.constant 0 : i32
        %dma_wait3A_281 = arith.constant 0 : i32
        %dma_wait3A_282 = arith.constant 3 : i32
        %dma_wait3A_283 = arith.constant 0 : i32
        %dma_wait3A_284 = tpu.memref_slice %arg3[%dma_wait3A_280, %dma_wait3A_281, %dma_wait3A_283] : memref<32x252x40xi32, #tpu.memory_space<hbm>> -> memref<1x1x40xi32, #tpu.memory_space<hbm>>
        %dma_wait3A_285 = tpu.memref_squeeze %dma_wait3A_284 : memref<1x1x40xi32, #tpu.memory_space<hbm>> -> memref<40xi32, #tpu.memory_space<hbm>>
        %dma_wait3A_286 = tpu.memref_slice %arg17[%dma_wait3A_282] : memref<4x!tpu.dma_semaphore, #tpu.memory_space<semaphore_mem>> -> memref<1x!tpu.dma_semaphore, #tpu.memory_space<semaphore_mem>>
        %dma_wait3A_287 = tpu.memref_squeeze %dma_wait3A_286 : memref<1x!tpu.dma_semaphore, #tpu.memory_space<semaphore_mem>> -> memref<!tpu.dma_semaphore, #tpu.memory_space<semaphore_mem>>
        %dma_wait3A_288 = arith.constant 0 : i32
        %dma_wait3A_289 = tpu.memref_slice %arg3[%dma_wait3A_280, %dma_wait3A_281, %dma_wait3A_288] : memref<32x252x40xi32, #tpu.memory_space<hbm>> -> memref<1x1x40xi32, #tpu.memory_space<hbm>>
        %dma_wait3A_290 = tpu.memref_squeeze %dma_wait3A_289 : memref<1x1x40xi32, #tpu.memory_space<hbm>> -> memref<40xi32, #tpu.memory_space<hbm>>
        tpu.wait_dma2 semaphore(%dma_wait3A_287 : memref<!tpu.dma_semaphore, #tpu.memory_space<semaphore_mem>>) src(%dma_wait3A_290 : memref<40xi32, #tpu.memory_space<hbm>>) dst(%arg10 : memref<40xi32, #tpu.memory_space<vmem>>)
        %dma_start3A_291 = arith.constant 1 : i32
        %dma_start3A_292 = arith.constant 0 : i32
        %dma_start3A_293 = arith.constant 0 : i32
        %dma_start3A_294 = tpu.memref_slice %arg2[%dma_start3A_292, %dma_start3A_293] : memref<10000x128xf32, #tpu.memory_space<hbm>> -> memref<10000x128xf32, #tpu.memory_space<hbm>>
        %dma_start3A_295 = tpu.memref_slice %arg19[%dma_start3A_291] : memref<2x!tpu.dma_semaphore, #tpu.memory_space<semaphore_mem>> -> memref<1x!tpu.dma_semaphore, #tpu.memory_space<semaphore_mem>>
        %dma_start3A_296 = tpu.memref_squeeze %dma_start3A_295 : memref<1x!tpu.dma_semaphore, #tpu.memory_space<semaphore_mem>> -> memref<!tpu.dma_semaphore, #tpu.memory_space<semaphore_mem>>
        tpu.enqueue_indirect_dma source(%dma_start3A_294 : memref<10000x128xf32, #tpu.memory_space<hbm>>) target(%arg16 : memref<40x128xf32, #tpu.memory_space<vmem>>) offsets(%arg10 : memref<40xi32, #tpu.memory_space<vmem>>) semaphore(%dma_start3A_296 : memref<!tpu.dma_semaphore, #tpu.memory_space<semaphore_mem>>)
      } else {
      }
      %add3A_195 = arith.constant 4 : i32
      %add3A_196 = arith.addi %add3A_167, %add3A_195 : i32
      %lt3A_197 = arith.constant 252 : i32
      %lt3A_198 = arith.cmpi slt, %add3A_196, %lt3A_197 : i32
      %convert_element_type3A_199 = arith.extui %lt3A_198 : i1 to i32
      %cond3A_200 = arith.constant 0 : i32
      %cond3A_201 = arith.cmpi ne, %convert_element_type3A_199, %cond3A_200 : i32
      scf.if %cond3A_201 {
        %add3A_278 = arith.constant 4 : i32
        %add3A_279 = arith.addi %add3A_167, %add3A_278 : i32
        %dma_start3A_280 = arith.constant 1 : i32
        %dma_start3A_281 = arith.constant 0 : i32
        %dma_start3A_282 = tpu.memref_slice %arg3[%add3A, %add3A_279, %dma_start3A_281] : memref<32x252x40xi32, #tpu.memory_space<hbm>> -> memref<1x1x40xi32, #tpu.memory_space<hbm>>
        %dma_start3A_283 = tpu.memref_squeeze %dma_start3A_282 : memref<1x1x40xi32, #tpu.memory_space<hbm>> -> memref<40xi32, #tpu.memory_space<hbm>>
        %dma_start3A_284 = tpu.memref_slice %arg17[%dma_start3A_280] : memref<4x!tpu.dma_semaphore, #tpu.memory_space<semaphore_mem>> -> memref<1x!tpu.dma_semaphore, #tpu.memory_space<semaphore_mem>>
        %dma_start3A_285 = tpu.memref_squeeze %dma_start3A_284 : memref<1x!tpu.dma_semaphore, #tpu.memory_space<semaphore_mem>> -> memref<!tpu.dma_semaphore, #tpu.memory_space<semaphore_mem>>
        %dma_start3A_286 = arith.constant 0 : i32
        %dma_start3A_287 = tpu.memref_slice %arg3[%add3A, %add3A_279, %dma_start3A_286] : memref<32x252x40xi32, #tpu.memory_space<hbm>> -> memref<1x1x40xi32, #tpu.memory_space<hbm>>
        %dma_start3A_288 = tpu.memref_squeeze %dma_start3A_287 : memref<1x1x40xi32, #tpu.memory_space<hbm>> -> memref<40xi32, #tpu.memory_space<hbm>>
        tpu.enqueue_dma source(%dma_start3A_288 : memref<40xi32, #tpu.memory_space<hbm>>) target(%arg8 : memref<40xi32, #tpu.memory_space<vmem>>) target_semaphore(%dma_start3A_285 : memref<!tpu.dma_semaphore, #tpu.memory_space<semaphore_mem>>)
        %dma_start3A_289 = arith.constant 1 : i32
        %dma_start3A_290 = arith.constant 0 : i32
        %dma_start3A_291 = tpu.memref_slice %arg4[%add3A, %add3A_279, %dma_start3A_290] : memref<32x252x40xi32, #tpu.memory_space<hbm>> -> memref<1x1x40xi32, #tpu.memory_space<hbm>>
        %dma_start3A_292 = tpu.memref_squeeze %dma_start3A_291 : memref<1x1x40xi32, #tpu.memory_space<hbm>> -> memref<40xi32, #tpu.memory_space<hbm>>
        %dma_start3A_293 = tpu.memref_slice %arg18[%dma_start3A_289] : memref<4x!tpu.dma_semaphore, #tpu.memory_space<semaphore_mem>> -> memref<1x!tpu.dma_semaphore, #tpu.memory_space<semaphore_mem>>
        %dma_start3A_294 = tpu.memref_squeeze %dma_start3A_293 : memref<1x!tpu.dma_semaphore, #tpu.memory_space<semaphore_mem>> -> memref<!tpu.dma_semaphore, #tpu.memory_space<semaphore_mem>>
        %dma_start3A_295 = arith.constant 0 : i32
        %dma_start3A_296 = tpu.memref_slice %arg4[%add3A, %add3A_279, %dma_start3A_295] : memref<32x252x40xi32, #tpu.memory_space<hbm>> -> memref<1x1x40xi32, #tpu.memory_space<hbm>>
        %dma_start3A_297 = tpu.memref_squeeze %dma_start3A_296 : memref<1x1x40xi32, #tpu.memory_space<hbm>> -> memref<40xi32, #tpu.memory_space<hbm>>
        tpu.enqueue_dma source(%dma_start3A_297 : memref<40xi32, #tpu.memory_space<hbm>>) target(%arg12 : memref<40xi32, #tpu.memory_space<vmem>>) target_semaphore(%dma_start3A_294 : memref<!tpu.dma_semaphore, #tpu.memory_space<semaphore_mem>>)
      } else {
      }
      %mul3A_202 = arith.constant 4 : i32
      %mul3A_203 = arith.muli %scan3A_128, %mul3A_202 : i32
      %add3A_204 = arith.constant 2 : i32
      %add3A_205 = arith.addi %mul3A_203, %add3A_204 : i32
      %dma_wait3A_206 = arith.constant 0 : i32
      %dma_wait3A_207 = arith.constant 0 : i32
      %dma_wait3A_208 = arith.constant 0 : i32
      %dma_wait3A_209 = tpu.memref_slice %arg2[%dma_wait3A_207, %dma_wait3A_208] : memref<10000x128xf32, #tpu.memory_space<hbm>> -> memref<40x128xf32, #tpu.memory_space<hbm>>
      %dma_wait3A_210 = tpu.memref_slice %arg19[%dma_wait3A_206] : memref<2x!tpu.dma_semaphore, #tpu.memory_space<semaphore_mem>> -> memref<1x!tpu.dma_semaphore, #tpu.memory_space<semaphore_mem>>
      %dma_wait3A_211 = tpu.memref_squeeze %dma_wait3A_210 : memref<1x!tpu.dma_semaphore, #tpu.memory_space<semaphore_mem>> -> memref<!tpu.dma_semaphore, #tpu.memory_space<semaphore_mem>>
      %dma_wait3A_212 = arith.constant 0 : i32
      %dma_wait3A_213 = arith.constant 0 : i32
      %dma_wait3A_214 = tpu.memref_slice %arg2[%dma_wait3A_212, %dma_wait3A_213] : memref<10000x128xf32, #tpu.memory_space<hbm>> -> memref<40x128xf32, #tpu.memory_space<hbm>>
      tpu.wait_dma2 semaphore(%dma_wait3A_211 : memref<!tpu.dma_semaphore, #tpu.memory_space<semaphore_mem>>) src(%dma_wait3A_214 : memref<40x128xf32, #tpu.memory_space<hbm>>) dst(%arg15 : memref<40x128xf32, #tpu.memory_space<vmem>>)
      %dma_wait3A_215 = arith.constant 0 : i32
      %dma_wait3A_216 = arith.constant 0 : i32
      %dma_wait3A_217 = arith.constant 2 : i32
      %dma_wait3A_218 = arith.constant 0 : i32
      %dma_wait3A_219 = tpu.memref_slice %arg3[%dma_wait3A_215, %dma_wait3A_216, %dma_wait3A_218] : memref<32x252x40xi32, #tpu.memory_space<hbm>> -> memref<1x1x40xi32, #tpu.memory_space<hbm>>
      %dma_wait3A_220 = tpu.memref_squeeze %dma_wait3A_219 : memref<1x1x40xi32, #tpu.memory_space<hbm>> -> memref<40xi32, #tpu.memory_space<hbm>>
      %dma_wait3A_221 = tpu.memref_slice %arg18[%dma_wait3A_217] : memref<4x!tpu.dma_semaphore, #tpu.memory_space<semaphore_mem>> -> memref<1x!tpu.dma_semaphore, #tpu.memory_space<semaphore_mem>>
      %dma_wait3A_222 = tpu.memref_squeeze %dma_wait3A_221 : memref<1x!tpu.dma_semaphore, #tpu.memory_space<semaphore_mem>> -> memref<!tpu.dma_semaphore, #tpu.memory_space<semaphore_mem>>
      %dma_wait3A_223 = arith.constant 0 : i32
      %dma_wait3A_224 = tpu.memref_slice %arg3[%dma_wait3A_215, %dma_wait3A_216, %dma_wait3A_223] : memref<32x252x40xi32, #tpu.memory_space<hbm>> -> memref<1x1x40xi32, #tpu.memory_space<hbm>>
      %dma_wait3A_225 = tpu.memref_squeeze %dma_wait3A_224 : memref<1x1x40xi32, #tpu.memory_space<hbm>> -> memref<40xi32, #tpu.memory_space<hbm>>
      tpu.wait_dma2 semaphore(%dma_wait3A_222 : memref<!tpu.dma_semaphore, #tpu.memory_space<semaphore_mem>>) src(%dma_wait3A_225 : memref<40xi32, #tpu.memory_space<hbm>>) dst(%arg13 : memref<40xi32, #tpu.memory_space<vmem>>)
      "tpu.region"() ({
        %run_scoped3A = tpu.sem_alloc : memref<!tpu.dma_semaphore, #tpu.memory_space<semaphore_mem>>
        %dma_start3A_278 = arith.constant 0 : i32
        %dma_start3A_279 = arith.constant 0 : i32
        %dma_start3A_280 = tpu.memref_slice %arg20[%dma_start3A_278, %dma_start3A_279] : memref<10112x128xf32, #tpu.memory_space<vmem_shared>> -> memref<10112x128xf32, #tpu.memory_space<vmem_shared>>
        tpu.enqueue_indirect_dma source(%arg15 : memref<40x128xf32, #tpu.memory_space<vmem>>) target(%dma_start3A_280 : memref<10112x128xf32, #tpu.memory_space<vmem_shared>>) offsets(%arg13 : memref<40xi32, #tpu.memory_space<vmem>>) semaphore(%run_scoped3A : memref<!tpu.dma_semaphore, #tpu.memory_space<semaphore_mem>>) {add = true}
        %dma_wait3A_281 = arith.constant 0 : i32
        %dma_wait3A_282 = arith.constant 0 : i32
        %dma_wait3A_283 = tpu.memref_slice %arg20[%dma_wait3A_281, %dma_wait3A_282] : memref<10112x128xf32, #tpu.memory_space<vmem_shared>> -> memref<10112x128xf32, #tpu.memory_space<vmem_shared>>
        tpu.wait_indirect_dma semaphore(%run_scoped3A : memref<!tpu.dma_semaphore, #tpu.memory_space<semaphore_mem>>) src(%arg15 : memref<40x128xf32, #tpu.memory_space<vmem>>) dst(%dma_wait3A_283 : memref<10112x128xf32, #tpu.memory_space<vmem_shared>>)
        tpu.yield
      }) : () -> ()
      %add3A_226 = arith.constant 2 : i32
      %add3A_227 = arith.addi %add3A_205, %add3A_226 : i32
      %lt3A_228 = arith.constant 252 : i32
      %lt3A_229 = arith.cmpi slt, %add3A_227, %lt3A_228 : i32
      %convert_element_type3A_230 = arith.extui %lt3A_229 : i1 to i32
      %cond3A_231 = arith.constant 0 : i32
      %cond3A_232 = arith.cmpi ne, %convert_element_type3A_230, %cond3A_231 : i32
      scf.if %cond3A_232 {
        %add3A_278 = arith.constant 2 : i32
        %add3A_279 = arith.addi %add3A_205, %add3A_278 : i32
        %dma_wait3A_280 = arith.constant 0 : i32
        %dma_wait3A_281 = arith.constant 0 : i32
        %dma_wait3A_282 = arith.constant 0 : i32
        %dma_wait3A_283 = arith.constant 0 : i32
        %dma_wait3A_284 = tpu.memref_slice %arg3[%dma_wait3A_280, %dma_wait3A_281, %dma_wait3A_283] : memref<32x252x40xi32, #tpu.memory_space<hbm>> -> memref<1x1x40xi32, #tpu.memory_space<hbm>>
        %dma_wait3A_285 = tpu.memref_squeeze %dma_wait3A_284 : memref<1x1x40xi32, #tpu.memory_space<hbm>> -> memref<40xi32, #tpu.memory_space<hbm>>
        %dma_wait3A_286 = tpu.memref_slice %arg17[%dma_wait3A_282] : memref<4x!tpu.dma_semaphore, #tpu.memory_space<semaphore_mem>> -> memref<1x!tpu.dma_semaphore, #tpu.memory_space<semaphore_mem>>
        %dma_wait3A_287 = tpu.memref_squeeze %dma_wait3A_286 : memref<1x!tpu.dma_semaphore, #tpu.memory_space<semaphore_mem>> -> memref<!tpu.dma_semaphore, #tpu.memory_space<semaphore_mem>>
        %dma_wait3A_288 = arith.constant 0 : i32
        %dma_wait3A_289 = tpu.memref_slice %arg3[%dma_wait3A_280, %dma_wait3A_281, %dma_wait3A_288] : memref<32x252x40xi32, #tpu.memory_space<hbm>> -> memref<1x1x40xi32, #tpu.memory_space<hbm>>
        %dma_wait3A_290 = tpu.memref_squeeze %dma_wait3A_289 : memref<1x1x40xi32, #tpu.memory_space<hbm>> -> memref<40xi32, #tpu.memory_space<hbm>>
        tpu.wait_dma2 semaphore(%dma_wait3A_287 : memref<!tpu.dma_semaphore, #tpu.memory_space<semaphore_mem>>) src(%dma_wait3A_290 : memref<40xi32, #tpu.memory_space<hbm>>) dst(%arg7 : memref<40xi32, #tpu.memory_space<vmem>>)
        %dma_start3A_291 = arith.constant 0 : i32
        %dma_start3A_292 = arith.constant 0 : i32
        %dma_start3A_293 = arith.constant 0 : i32
        %dma_start3A_294 = tpu.memref_slice %arg2[%dma_start3A_292, %dma_start3A_293] : memref<10000x128xf32, #tpu.memory_space<hbm>> -> memref<10000x128xf32, #tpu.memory_space<hbm>>
        %dma_start3A_295 = tpu.memref_slice %arg19[%dma_start3A_291] : memref<2x!tpu.dma_semaphore, #tpu.memory_space<semaphore_mem>> -> memref<1x!tpu.dma_semaphore, #tpu.memory_space<semaphore_mem>>
        %dma_start3A_296 = tpu.memref_squeeze %dma_start3A_295 : memref<1x!tpu.dma_semaphore, #tpu.memory_space<semaphore_mem>> -> memref<!tpu.dma_semaphore, #tpu.memory_space<semaphore_mem>>
        tpu.enqueue_indirect_dma source(%dma_start3A_294 : memref<10000x128xf32, #tpu.memory_space<hbm>>) target(%arg15 : memref<40x128xf32, #tpu.memory_space<vmem>>) offsets(%arg7 : memref<40xi32, #tpu.memory_space<vmem>>) semaphore(%dma_start3A_296 : memref<!tpu.dma_semaphore, #tpu.memory_space<semaphore_mem>>)
      } else {
      }
      %add3A_233 = arith.constant 4 : i32
      %add3A_234 = arith.addi %add3A_205, %add3A_233 : i32
      %lt3A_235 = arith.constant 252 : i32
      %lt3A_236 = arith.cmpi slt, %add3A_234, %lt3A_235 : i32
      %convert_element_type3A_237 = arith.extui %lt3A_236 : i1 to i32
      %cond3A_238 = arith.constant 0 : i32
      %cond3A_239 = arith.cmpi ne, %convert_element_type3A_237, %cond3A_238 : i32
      scf.if %cond3A_239 {
        %add3A_278 = arith.constant 4 : i32
        %add3A_279 = arith.addi %add3A_205, %add3A_278 : i32
        %dma_start3A_280 = arith.constant 2 : i32
        %dma_start3A_281 = arith.constant 0 : i32
        %dma_start3A_282 = tpu.memref_slice %arg3[%add3A, %add3A_279, %dma_start3A_281] : memref<32x252x40xi32, #tpu.memory_space<hbm>> -> memref<1x1x40xi32, #tpu.memory_space<hbm>>
        %dma_start3A_283 = tpu.memref_squeeze %dma_start3A_282 : memref<1x1x40xi32, #tpu.memory_space<hbm>> -> memref<40xi32, #tpu.memory_space<hbm>>
        %dma_start3A_284 = tpu.memref_slice %arg17[%dma_start3A_280] : memref<4x!tpu.dma_semaphore, #tpu.memory_space<semaphore_mem>> -> memref<1x!tpu.dma_semaphore, #tpu.memory_space<semaphore_mem>>
        %dma_start3A_285 = tpu.memref_squeeze %dma_start3A_284 : memref<1x!tpu.dma_semaphore, #tpu.memory_space<semaphore_mem>> -> memref<!tpu.dma_semaphore, #tpu.memory_space<semaphore_mem>>
        %dma_start3A_286 = arith.constant 0 : i32
        %dma_start3A_287 = tpu.memref_slice %arg3[%add3A, %add3A_279, %dma_start3A_286] : memref<32x252x40xi32, #tpu.memory_space<hbm>> -> memref<1x1x40xi32, #tpu.memory_space<hbm>>
        %dma_start3A_288 = tpu.memref_squeeze %dma_start3A_287 : memref<1x1x40xi32, #tpu.memory_space<hbm>> -> memref<40xi32, #tpu.memory_space<hbm>>
        tpu.enqueue_dma source(%dma_start3A_288 : memref<40xi32, #tpu.memory_space<hbm>>) target(%arg9 : memref<40xi32, #tpu.memory_space<vmem>>) target_semaphore(%dma_start3A_285 : memref<!tpu.dma_semaphore, #tpu.memory_space<semaphore_mem>>)
        %dma_start3A_289 = arith.constant 2 : i32
        %dma_start3A_290 = arith.constant 0 : i32
        %dma_start3A_291 = tpu.memref_slice %arg4[%add3A, %add3A_279, %dma_start3A_290] : memref<32x252x40xi32, #tpu.memory_space<hbm>> -> memref<1x1x40xi32, #tpu.memory_space<hbm>>
        %dma_start3A_292 = tpu.memref_squeeze %dma_start3A_291 : memref<1x1x40xi32, #tpu.memory_space<hbm>> -> memref<40xi32, #tpu.memory_space<hbm>>
        %dma_start3A_293 = tpu.memref_slice %arg18[%dma_start3A_289] : memref<4x!tpu.dma_semaphore, #tpu.memory_space<semaphore_mem>> -> memref<1x!tpu.dma_semaphore, #tpu.memory_space<semaphore_mem>>
        %dma_start3A_294 = tpu.memref_squeeze %dma_start3A_293 : memref<1x!tpu.dma_semaphore, #tpu.memory_space<semaphore_mem>> -> memref<!tpu.dma_semaphore, #tpu.memory_space<semaphore_mem>>
        %dma_start3A_295 = arith.constant 0 : i32
        %dma_start3A_296 = tpu.memref_slice %arg4[%add3A, %add3A_279, %dma_start3A_295] : memref<32x252x40xi32, #tpu.memory_space<hbm>> -> memref<1x1x40xi32, #tpu.memory_space<hbm>>
        %dma_start3A_297 = tpu.memref_squeeze %dma_start3A_296 : memref<1x1x40xi32, #tpu.memory_space<hbm>> -> memref<40xi32, #tpu.memory_space<hbm>>
        tpu.enqueue_dma source(%dma_start3A_297 : memref<40xi32, #tpu.memory_space<hbm>>) target(%arg13 : memref<40xi32, #tpu.memory_space<vmem>>) target_semaphore(%dma_start3A_294 : memref<!tpu.dma_semaphore, #tpu.memory_space<semaphore_mem>>)
      } else {
      }
      %mul3A_240 = arith.constant 4 : i32
      %mul3A_241 = arith.muli %scan3A_128, %mul3A_240 : i32
      %add3A_242 = arith.constant 3 : i32
      %add3A_243 = arith.addi %mul3A_241, %add3A_242 : i32
      %dma_wait3A_244 = arith.constant 1 : i32
      %dma_wait3A_245 = arith.constant 0 : i32
      %dma_wait3A_246 = arith.constant 0 : i32
      %dma_wait3A_247 = tpu.memref_slice %arg2[%dma_wait3A_245, %dma_wait3A_246] : memref<10000x128xf32, #tpu.memory_space<hbm>> -> memref<40x128xf32, #tpu.memory_space<hbm>>
      %dma_wait3A_248 = tpu.memref_slice %arg19[%dma_wait3A_244] : memref<2x!tpu.dma_semaphore, #tpu.memory_space<semaphore_mem>> -> memref<1x!tpu.dma_semaphore, #tpu.memory_space<semaphore_mem>>
      %dma_wait3A_249 = tpu.memref_squeeze %dma_wait3A_248 : memref<1x!tpu.dma_semaphore, #tpu.memory_space<semaphore_mem>> -> memref<!tpu.dma_semaphore, #tpu.memory_space<semaphore_mem>>
      %dma_wait3A_250 = arith.constant 0 : i32
      %dma_wait3A_251 = arith.constant 0 : i32
      %dma_wait3A_252 = tpu.memref_slice %arg2[%dma_wait3A_250, %dma_wait3A_251] : memref<10000x128xf32, #tpu.memory_space<hbm>> -> memref<40x128xf32, #tpu.memory_space<hbm>>
      tpu.wait_dma2 semaphore(%dma_wait3A_249 : memref<!tpu.dma_semaphore, #tpu.memory_space<semaphore_mem>>) src(%dma_wait3A_252 : memref<40x128xf32, #tpu.memory_space<hbm>>) dst(%arg16 : memref<40x128xf32, #tpu.memory_space<vmem>>)
      %dma_wait3A_253 = arith.constant 0 : i32
      %dma_wait3A_254 = arith.constant 0 : i32
      %dma_wait3A_255 = arith.constant 3 : i32
      %dma_wait3A_256 = arith.constant 0 : i32
      %dma_wait3A_257 = tpu.memref_slice %arg3[%dma_wait3A_253, %dma_wait3A_254, %dma_wait3A_256] : memref<32x252x40xi32, #tpu.memory_space<hbm>> -> memref<1x1x40xi32, #tpu.memory_space<hbm>>
      %dma_wait3A_258 = tpu.memref_squeeze %dma_wait3A_257 : memref<1x1x40xi32, #tpu.memory_space<hbm>> -> memref<40xi32, #tpu.memory_space<hbm>>
      %dma_wait3A_259 = tpu.memref_slice %arg18[%dma_wait3A_255] : memref<4x!tpu.dma_semaphore, #tpu.memory_space<semaphore_mem>> -> memref<1x!tpu.dma_semaphore, #tpu.memory_space<semaphore_mem>>
      %dma_wait3A_260 = tpu.memref_squeeze %dma_wait3A_259 : memref<1x!tpu.dma_semaphore, #tpu.memory_space<semaphore_mem>> -> memref<!tpu.dma_semaphore, #tpu.memory_space<semaphore_mem>>
      %dma_wait3A_261 = arith.constant 0 : i32
      %dma_wait3A_262 = tpu.memref_slice %arg3[%dma_wait3A_253, %dma_wait3A_254, %dma_wait3A_261] : memref<32x252x40xi32, #tpu.memory_space<hbm>> -> memref<1x1x40xi32, #tpu.memory_space<hbm>>
      %dma_wait3A_263 = tpu.memref_squeeze %dma_wait3A_262 : memref<1x1x40xi32, #tpu.memory_space<hbm>> -> memref<40xi32, #tpu.memory_space<hbm>>
      tpu.wait_dma2 semaphore(%dma_wait3A_260 : memref<!tpu.dma_semaphore, #tpu.memory_space<semaphore_mem>>) src(%dma_wait3A_263 : memref<40xi32, #tpu.memory_space<hbm>>) dst(%arg14 : memref<40xi32, #tpu.memory_space<vmem>>)
      "tpu.region"() ({
        %run_scoped3A = tpu.sem_alloc : memref<!tpu.dma_semaphore, #tpu.memory_space<semaphore_mem>>
        %dma_start3A_278 = arith.constant 0 : i32
        %dma_start3A_279 = arith.constant 0 : i32
        %dma_start3A_280 = tpu.memref_slice %arg20[%dma_start3A_278, %dma_start3A_279] : memref<10112x128xf32, #tpu.memory_space<vmem_shared>> -> memref<10112x128xf32, #tpu.memory_space<vmem_shared>>
        tpu.enqueue_indirect_dma source(%arg16 : memref<40x128xf32, #tpu.memory_space<vmem>>) target(%dma_start3A_280 : memref<10112x128xf32, #tpu.memory_space<vmem_shared>>) offsets(%arg14 : memref<40xi32, #tpu.memory_space<vmem>>) semaphore(%run_scoped3A : memref<!tpu.dma_semaphore, #tpu.memory_space<semaphore_mem>>) {add = true}
        %dma_wait3A_281 = arith.constant 0 : i32
        %dma_wait3A_282 = arith.constant 0 : i32
        %dma_wait3A_283 = tpu.memref_slice %arg20[%dma_wait3A_281, %dma_wait3A_282] : memref<10112x128xf32, #tpu.memory_space<vmem_shared>> -> memref<10112x128xf32, #tpu.memory_space<vmem_shared>>
        tpu.wait_indirect_dma semaphore(%run_scoped3A : memref<!tpu.dma_semaphore, #tpu.memory_space<semaphore_mem>>) src(%arg16 : memref<40x128xf32, #tpu.memory_space<vmem>>) dst(%dma_wait3A_283 : memref<10112x128xf32, #tpu.memory_space<vmem_shared>>)
        tpu.yield
      }) : () -> ()
      %add3A_264 = arith.constant 2 : i32
      %add3A_265 = arith.addi %add3A_243, %add3A_264 : i32
      %lt3A_266 = arith.constant 252 : i32
      %lt3A_267 = arith.cmpi slt, %add3A_265, %lt3A_266 : i32
      %convert_element_type3A_268 = arith.extui %lt3A_267 : i1 to i32
      %cond3A_269 = arith.constant 0 : i32
      %cond3A_270 = arith.cmpi ne, %convert_element_type3A_268, %cond3A_269 : i32
      scf.if %cond3A_270 {
        %add3A_278 = arith.constant 2 : i32
        %add3A_279 = arith.addi %add3A_243, %add3A_278 : i32
        %dma_wait3A_280 = arith.constant 0 : i32
        %dma_wait3A_281 = arith.constant 0 : i32
        %dma_wait3A_282 = arith.constant 1 : i32
        %dma_wait3A_283 = arith.constant 0 : i32
        %dma_wait3A_284 = tpu.memref_slice %arg3[%dma_wait3A_280, %dma_wait3A_281, %dma_wait3A_283] : memref<32x252x40xi32, #tpu.memory_space<hbm>> -> memref<1x1x40xi32, #tpu.memory_space<hbm>>
        %dma_wait3A_285 = tpu.memref_squeeze %dma_wait3A_284 : memref<1x1x40xi32, #tpu.memory_space<hbm>> -> memref<40xi32, #tpu.memory_space<hbm>>
        %dma_wait3A_286 = tpu.memref_slice %arg17[%dma_wait3A_282] : memref<4x!tpu.dma_semaphore, #tpu.memory_space<semaphore_mem>> -> memref<1x!tpu.dma_semaphore, #tpu.memory_space<semaphore_mem>>
        %dma_wait3A_287 = tpu.memref_squeeze %dma_wait3A_286 : memref<1x!tpu.dma_semaphore, #tpu.memory_space<semaphore_mem>> -> memref<!tpu.dma_semaphore, #tpu.memory_space<semaphore_mem>>
        %dma_wait3A_288 = arith.constant 0 : i32
        %dma_wait3A_289 = tpu.memref_slice %arg3[%dma_wait3A_280, %dma_wait3A_281, %dma_wait3A_288] : memref<32x252x40xi32, #tpu.memory_space<hbm>> -> memref<1x1x40xi32, #tpu.memory_space<hbm>>
        %dma_wait3A_290 = tpu.memref_squeeze %dma_wait3A_289 : memref<1x1x40xi32, #tpu.memory_space<hbm>> -> memref<40xi32, #tpu.memory_space<hbm>>
        tpu.wait_dma2 semaphore(%dma_wait3A_287 : memref<!tpu.dma_semaphore, #tpu.memory_space<semaphore_mem>>) src(%dma_wait3A_290 : memref<40xi32, #tpu.memory_space<hbm>>) dst(%arg8 : memref<40xi32, #tpu.memory_space<vmem>>)
        %dma_start3A_291 = arith.constant 1 : i32
        %dma_start3A_292 = arith.constant 0 : i32
        %dma_start3A_293 = arith.constant 0 : i32
        %dma_start3A_294 = tpu.memref_slice %arg2[%dma_start3A_292, %dma_start3A_293] : memref<10000x128xf32, #tpu.memory_space<hbm>> -> memref<10000x128xf32, #tpu.memory_space<hbm>>
        %dma_start3A_295 = tpu.memref_slice %arg19[%dma_start3A_291] : memref<2x!tpu.dma_semaphore, #tpu.memory_space<semaphore_mem>> -> memref<1x!tpu.dma_semaphore, #tpu.memory_space<semaphore_mem>>
        %dma_start3A_296 = tpu.memref_squeeze %dma_start3A_295 : memref<1x!tpu.dma_semaphore, #tpu.memory_space<semaphore_mem>> -> memref<!tpu.dma_semaphore, #tpu.memory_space<semaphore_mem>>
        tpu.enqueue_indirect_dma source(%dma_start3A_294 : memref<10000x128xf32, #tpu.memory_space<hbm>>) target(%arg16 : memref<40x128xf32, #tpu.memory_space<vmem>>) offsets(%arg8 : memref<40xi32, #tpu.memory_space<vmem>>) semaphore(%dma_start3A_296 : memref<!tpu.dma_semaphore, #tpu.memory_space<semaphore_mem>>)
      } else {
      }
      %add3A_271 = arith.constant 4 : i32
      %add3A_272 = arith.addi %add3A_243, %add3A_271 : i32
      %lt3A_273 = arith.constant 252 : i32
      %lt3A_274 = arith.cmpi slt, %add3A_272, %lt3A_273 : i32
      %convert_element_type3A_275 = arith.extui %lt3A_274 : i1 to i32
      %cond3A_276 = arith.constant 0 : i32
      %cond3A_277 = arith.cmpi ne, %convert_element_type3A_275, %cond3A_276 : i32
      scf.if %cond3A_277 {
        %add3A_278 = arith.constant 4 : i32
        %add3A_279 = arith.addi %add3A_243, %add3A_278 : i32
        %dma_start3A_280 = arith.constant 3 : i32
        %dma_start3A_281 = arith.constant 0 : i32
        %dma_start3A_282 = tpu.memref_slice %arg3[%add3A, %add3A_279, %dma_start3A_281] : memref<32x252x40xi32, #tpu.memory_space<hbm>> -> memref<1x1x40xi32, #tpu.memory_space<hbm>>
        %dma_start3A_283 = tpu.memref_squeeze %dma_start3A_282 : memref<1x1x40xi32, #tpu.memory_space<hbm>> -> memref<40xi32, #tpu.memory_space<hbm>>
        %dma_start3A_284 = tpu.memref_slice %arg17[%dma_start3A_280] : memref<4x!tpu.dma_semaphore, #tpu.memory_space<semaphore_mem>> -> memref<1x!tpu.dma_semaphore, #tpu.memory_space<semaphore_mem>>
        %dma_start3A_285 = tpu.memref_squeeze %dma_start3A_284 : memref<1x!tpu.dma_semaphore, #tpu.memory_space<semaphore_mem>> -> memref<!tpu.dma_semaphore, #tpu.memory_space<semaphore_mem>>
        %dma_start3A_286 = arith.constant 0 : i32
        %dma_start3A_287 = tpu.memref_slice %arg3[%add3A, %add3A_279, %dma_start3A_286] : memref<32x252x40xi32, #tpu.memory_space<hbm>> -> memref<1x1x40xi32, #tpu.memory_space<hbm>>
        %dma_start3A_288 = tpu.memref_squeeze %dma_start3A_287 : memref<1x1x40xi32, #tpu.memory_space<hbm>> -> memref<40xi32, #tpu.memory_space<hbm>>
        tpu.enqueue_dma source(%dma_start3A_288 : memref<40xi32, #tpu.memory_space<hbm>>) target(%arg10 : memref<40xi32, #tpu.memory_space<vmem>>) target_semaphore(%dma_start3A_285 : memref<!tpu.dma_semaphore, #tpu.memory_space<semaphore_mem>>)
        %dma_start3A_289 = arith.constant 3 : i32
        %dma_start3A_290 = arith.constant 0 : i32
        %dma_start3A_291 = tpu.memref_slice %arg4[%add3A, %add3A_279, %dma_start3A_290] : memref<32x252x40xi32, #tpu.memory_space<hbm>> -> memref<1x1x40xi32, #tpu.memory_space<hbm>>
        %dma_start3A_292 = tpu.memref_squeeze %dma_start3A_291 : memref<1x1x40xi32, #tpu.memory_space<hbm>> -> memref<40xi32, #tpu.memory_space<hbm>>
        %dma_start3A_293 = tpu.memref_slice %arg18[%dma_start3A_289] : memref<4x!tpu.dma_semaphore, #tpu.memory_space<semaphore_mem>> -> memref<1x!tpu.dma_semaphore, #tpu.memory_space<semaphore_mem>>
        %dma_start3A_294 = tpu.memref_squeeze %dma_start3A_293 : memref<1x!tpu.dma_semaphore, #tpu.memory_space<semaphore_mem>> -> memref<!tpu.dma_semaphore, #tpu.memory_space<semaphore_mem>>
        %dma_start3A_295 = arith.constant 0 : i32
        %dma_start3A_296 = tpu.memref_slice %arg4[%add3A, %add3A_279, %dma_start3A_295] : memref<32x252x40xi32, #tpu.memory_space<hbm>> -> memref<1x1x40xi32, #tpu.memory_space<hbm>>
        %dma_start3A_297 = tpu.memref_squeeze %dma_start3A_296 : memref<1x1x40xi32, #tpu.memory_space<hbm>> -> memref<40xi32, #tpu.memory_space<hbm>>
        tpu.enqueue_dma source(%dma_start3A_297 : memref<40xi32, #tpu.memory_space<hbm>>) target(%arg14 : memref<40xi32, #tpu.memory_space<vmem>>) target_semaphore(%dma_start3A_294 : memref<!tpu.dma_semaphore, #tpu.memory_space<semaphore_mem>>)
      } else {
      }
    }
    %scan3A_119 = arith.constant 63 : i32
    %barrier3A_120 = arith.constant 0 : index
    tpu.barrier barrier_id(%barrier3A_120)
    %mul3A_121 = arith.constant 632 : i32
    %mul3A_122 = arith.muli %arg1, %mul3A_121 : i32
    %mul3A_123 = arith.constant 10112 : i32
    %mul3A_124 = arith.muli %arg0, %mul3A_123 : i32
    %mul3A_125 = arith.constant 632 : i32
    %mul3A_126 = arith.muli %arg1, %mul3A_125 : i32
    %add3A_127 = arith.addi %mul3A_124, %mul3A_126 : i32
    "tpu.region"() ({
      %run_scoped3A = tpu.sem_alloc : memref<!tpu.dma_semaphore, #tpu.memory_space<semaphore_mem>>
      %dma_start3A_128 = arith.constant 0 : i32
      %dma_start3A_129 = tpu.memref_slice %arg6[%add3A_127, %dma_start3A_128] : memref<20224x128xf32, #tpu.memory_space<hbm>> -> memref<632x128xf32, #tpu.memory_space<hbm>>
      %dma_start3A_130 = arith.constant 0 : i32
      %dma_start3A_131 = tpu.memref_slice %arg20[%mul3A_122, %dma_start3A_130] : memref<10112x128xf32, #tpu.memory_space<vmem_shared>> -> memref<632x128xf32, #tpu.memory_space<vmem_shared>>
      tpu.enqueue_dma source(%dma_start3A_131 : memref<632x128xf32, #tpu.memory_space<vmem_shared>>) target(%dma_start3A_129 : memref<632x128xf32, #tpu.memory_space<hbm>>) target_semaphore(%run_scoped3A : memref<!tpu.dma_semaphore, #tpu.memory_space<semaphore_mem>>)
      %dma_wait3A_132 = arith.constant 0 : i32
      %dma_wait3A_133 = tpu.memref_slice %arg6[%add3A_127, %dma_wait3A_132] : memref<20224x128xf32, #tpu.memory_space<hbm>> -> memref<632x128xf32, #tpu.memory_space<hbm>>
      %dma_wait3A_134 = arith.constant 0 : i32
      %dma_wait3A_135 = tpu.memref_slice %arg20[%mul3A_122, %dma_wait3A_134] : memref<10112x128xf32, #tpu.memory_space<vmem_shared>> -> memref<632x128xf32, #tpu.memory_space<vmem_shared>>
      tpu.wait_dma2 semaphore(%run_scoped3A : memref<!tpu.dma_semaphore, #tpu.memory_space<semaphore_mem>>) src(%dma_wait3A_135 : memref<632x128xf32, #tpu.memory_space<vmem_shared>>) dst(%dma_wait3A_133 : memref<632x128xf32, #tpu.memory_space<hbm>>)
      tpu.yield
    }) : () -> ()
    return
  }
}

#map = affine_map<(d0, d1) -> (0, 0)>
#map1 = affine_map<(d0, d1) -> (0, 0, 0)>
module attributes {stable_mosaic.version = 14 : i64} {
  func.func @agg_k(%arg0: i32, %arg1: i32, %arg2: memref<10000x128xf32, #tpu.memory_space<hbm>>, %arg3: memref<32x252x40xi32, #tpu.memory_space<hbm>>, %arg4: memref<32x252x40xi32, #tpu.memory_space<hbm>>, %arg5: memref<632x128xf32, #tpu.memory_space<hbm>>, %arg6: memref<20224x128xf32, #tpu.memory_space<hbm>>, %arg7: memref<40xi32, #tpu.memory_space<vmem>>, %arg8: memref<40xi32, #tpu.memory_space<vmem>>, %arg9: memref<40xi32, #tpu.memory_space<vmem>>, %arg10: memref<40xi32, #tpu.memory_space<vmem>>, %arg11: memref<40xi32, #tpu.memory_space<vmem>>, %arg12: memref<40xi32, #tpu.memory_space<vmem>>, %arg13: memref<40xi32, #tpu.memory_space<vmem>>, %arg14: memref<40xi32, #tpu.memory_space<vmem>>, %arg15: memref<40x128xf32, #tpu.memory_space<vmem>>, %arg16: memref<40x128xf32, #tpu.memory_space<vmem>>, %arg17: memref<4x!tpu.dma_semaphore, #tpu.memory_space<semaphore_mem>>, %arg18: memref<4x!tpu.dma_semaphore, #tpu.memory_space<semaphore_mem>>, %arg19: memref<2x!tpu.dma_semaphore, #tpu.memory_space<semaphore_mem>>, %arg20: memref<10112x128xf32, #tpu.memory_space<vmem_shared>>) attributes {dimension_semantics = [#tpu.dimension_semantics<core_parallel>, #tpu.dimension_semantics<subcore_parallel>], iteration_bounds = array<i64: 2, 16>, scalar_prefetch = 0 : i64, scratch_operands = 14 : i64, tpu.core_type = #tpu.core_type<sc_vector_subcore>, window_params = [{transform_indices = #map}, {transform_indices = #map1}, {transform_indices = #map1}, {transform_indices = #map}, {transform_indices = #map}]} {
    %mul3A = arith.constant 16 : i32
    %mul3A_0 = arith.muli %arg0, %mul3A : i32
    %add3A = arith.addi %mul3A_0, %arg1 : i32
    %mul3A_1 = arith.constant 632 : i32
    %mul3A_2 = arith.muli %arg1, %mul3A_1 : i32
    "tpu.region"() ({
      %run_scoped3A = tpu.sem_alloc : memref<!tpu.dma_semaphore, #tpu.memory_space<semaphore_mem>>
      %dma_start3A_128 = arith.constant 0 : i32
      %dma_start3A_129 = tpu.memref_slice %arg20[%mul3A_2, %dma_start3A_128] : memref<10112x128xf32, #tpu.memory_space<vmem_shared>> -> memref<632x128xf32, #tpu.memory_space<vmem_shared>>
      tpu.enqueue_dma source(%arg5 : memref<632x128xf32, #tpu.memory_space<hbm>>) target(%dma_start3A_129 : memref<632x128xf32, #tpu.memory_space<vmem_shared>>) target_semaphore(%run_scoped3A : memref<!tpu.dma_semaphore, #tpu.memory_space<semaphore_mem>>)
      %dma_wait3A_130 = arith.constant 0 : i32
      %dma_wait3A_131 = tpu.memref_slice %arg20[%mul3A_2, %dma_wait3A_130] : memref<10112x128xf32, #tpu.memory_space<vmem_shared>> -> memref<632x128xf32, #tpu.memory_space<vmem_shared>>
      tpu.wait_dma2 semaphore(%run_scoped3A : memref<!tpu.dma_semaphore, #tpu.memory_space<semaphore_mem>>) src(%arg5 : memref<632x128xf32, #tpu.memory_space<hbm>>) dst(%dma_wait3A_131 : memref<632x128xf32, #tpu.memory_space<vmem_shared>>)
      tpu.yield
    }) : () -> ()
    %dma_start3A = arith.constant 0 : i32
    %dma_start3A_3 = arith.constant 0 : i32
    %dma_start3A_4 = arith.constant 0 : i32
    %dma_start3A_5 = tpu.memref_slice %arg3[%add3A, %dma_start3A, %dma_start3A_4] : memref<32x252x40xi32, #tpu.memory_space<hbm>> -> memref<1x1x40xi32, #tpu.memory_space<hbm>>
    %dma_start3A_6 = tpu.memref_squeeze %dma_start3A_5 : memref<1x1x40xi32, #tpu.memory_space<hbm>> -> memref<40xi32, #tpu.memory_space<hbm>>
    %dma_start3A_7 = tpu.memref_slice %arg17[%dma_start3A_3] : memref<4x!tpu.dma_semaphore, #tpu.memory_space<semaphore_mem>> -> memref<1x!tpu.dma_semaphore, #tpu.memory_space<semaphore_mem>>
    %dma_start3A_8 = tpu.memref_squeeze %dma_start3A_7 : memref<1x!tpu.dma_semaphore, #tpu.memory_space<semaphore_mem>> -> memref<!tpu.dma_semaphore, #tpu.memory_space<semaphore_mem>>
    %dma_start3A_9 = arith.constant 0 : i32
    %dma_start3A_10 = tpu.memref_slice %arg3[%add3A, %dma_start3A, %dma_start3A_9] : memref<32x252x40xi32, #tpu.memory_space<hbm>> -> memref<1x1x40xi32, #tpu.memory_space<hbm>>
    %dma_start3A_11 = tpu.memref_squeeze %dma_start3A_10 : memref<1x1x40xi32, #tpu.memory_space<hbm>> -> memref<40xi32, #tpu.memory_space<hbm>>
    tpu.enqueue_dma source(%dma_start3A_11 : memref<40xi32, #tpu.memory_space<hbm>>) target(%arg7 : memref<40xi32, #tpu.memory_space<vmem>>) target_semaphore(%dma_start3A_8 : memref<!tpu.dma_semaphore, #tpu.memory_space<semaphore_mem>>)
    %dma_start3A_12 = arith.constant 0 : i32
    %dma_start3A_13 = arith.constant 0 : i32
    %dma_start3A_14 = arith.constant 0 : i32
    %dma_start3A_15 = tpu.memref_slice %arg4[%add3A, %dma_start3A_12, %dma_start3A_14] : memref<32x252x40xi32, #tpu.memory_space<hbm>> -> memref<1x1x40xi32, #tpu.memory_space<hbm>>
    %dma_start3A_16 = tpu.memref_squeeze %dma_start3A_15 : memref<1x1x40xi32, #tpu.memory_space<hbm>> -> memref<40xi32, #tpu.memory_space<hbm>>
    %dma_start3A_17 = tpu.memref_slice %arg18[%dma_start3A_13] : memref<4x!tpu.dma_semaphore, #tpu.memory_space<semaphore_mem>> -> memref<1x!tpu.dma_semaphore, #tpu.memory_space<semaphore_mem>>
    %dma_start3A_18 = tpu.memref_squeeze %dma_start3A_17 : memref<1x!tpu.dma_semaphore, #tpu.memory_space<semaphore_mem>> -> memref<!tpu.dma_semaphore, #tpu.memory_space<semaphore_mem>>
    %dma_start3A_19 = arith.constant 0 : i32
    %dma_start3A_20 = tpu.memref_slice %arg4[%add3A, %dma_start3A_12, %dma_start3A_19] : memref<32x252x40xi32, #tpu.memory_space<hbm>> -> memref<1x1x40xi32, #tpu.memory_space<hbm>>
    %dma_start3A_21 = tpu.memref_squeeze %dma_start3A_20 : memref<1x1x40xi32, #tpu.memory_space<hbm>> -> memref<40xi32, #tpu.memory_space<hbm>>
    tpu.enqueue_dma source(%dma_start3A_21 : memref<40xi32, #tpu.memory_space<hbm>>) target(%arg11 : memref<40xi32, #tpu.memory_space<vmem>>) target_semaphore(%dma_start3A_18 : memref<!tpu.dma_semaphore, #tpu.memory_space<semaphore_mem>>)
    %dma_start3A_22 = arith.constant 1 : i32
    %dma_start3A_23 = arith.constant 1 : i32
    %dma_start3A_24 = arith.constant 0 : i32
    %dma_start3A_25 = tpu.memref_slice %arg3[%add3A, %dma_start3A_22, %dma_start3A_24] : memref<32x252x40xi32, #tpu.memory_space<hbm>> -> memref<1x1x40xi32, #tpu.memory_space<hbm>>
    %dma_start3A_26 = tpu.memref_squeeze %dma_start3A_25 : memref<1x1x40xi32, #tpu.memory_space<hbm>> -> memref<40xi32, #tpu.memory_space<hbm>>
    %dma_start3A_27 = tpu.memref_slice %arg17[%dma_start3A_23] : memref<4x!tpu.dma_semaphore, #tpu.memory_space<semaphore_mem>> -> memref<1x!tpu.dma_semaphore, #tpu.memory_space<semaphore_mem>>
    %dma_start3A_28 = tpu.memref_squeeze %dma_start3A_27 : memref<1x!tpu.dma_semaphore, #tpu.memory_space<semaphore_mem>> -> memref<!tpu.dma_semaphore, #tpu.memory_space<semaphore_mem>>
    %dma_start3A_29 = arith.constant 0 : i32
    %dma_start3A_30 = tpu.memref_slice %arg3[%add3A, %dma_start3A_22, %dma_start3A_29] : memref<32x252x40xi32, #tpu.memory_space<hbm>> -> memref<1x1x40xi32, #tpu.memory_space<hbm>>
    %dma_start3A_31 = tpu.memref_squeeze %dma_start3A_30 : memref<1x1x40xi32, #tpu.memory_space<hbm>> -> memref<40xi32, #tpu.memory_space<hbm>>
    tpu.enqueue_dma source(%dma_start3A_31 : memref<40xi32, #tpu.memory_space<hbm>>) target(%arg8 : memref<40xi32, #tpu.memory_space<vmem>>) target_semaphore(%dma_start3A_28 : memref<!tpu.dma_semaphore, #tpu.memory_space<semaphore_mem>>)
    %dma_start3A_32 = arith.constant 1 : i32
    %dma_start3A_33 = arith.constant 1 : i32
    %dma_start3A_34 = arith.constant 0 : i32
    %dma_start3A_35 = tpu.memref_slice %arg4[%add3A, %dma_start3A_32, %dma_start3A_34] : memref<32x252x40xi32, #tpu.memory_space<hbm>> -> memref<1x1x40xi32, #tpu.memory_space<hbm>>
    %dma_start3A_36 = tpu.memref_squeeze %dma_start3A_35 : memref<1x1x40xi32, #tpu.memory_space<hbm>> -> memref<40xi32, #tpu.memory_space<hbm>>
    %dma_start3A_37 = tpu.memref_slice %arg18[%dma_start3A_33] : memref<4x!tpu.dma_semaphore, #tpu.memory_space<semaphore_mem>> -> memref<1x!tpu.dma_semaphore, #tpu.memory_space<semaphore_mem>>
    %dma_start3A_38 = tpu.memref_squeeze %dma_start3A_37 : memref<1x!tpu.dma_semaphore, #tpu.memory_space<semaphore_mem>> -> memref<!tpu.dma_semaphore, #tpu.memory_space<semaphore_mem>>
    %dma_start3A_39 = arith.constant 0 : i32
    %dma_start3A_40 = tpu.memref_slice %arg4[%add3A, %dma_start3A_32, %dma_start3A_39] : memref<32x252x40xi32, #tpu.memory_space<hbm>> -> memref<1x1x40xi32, #tpu.memory_space<hbm>>
    %dma_start3A_41 = tpu.memref_squeeze %dma_start3A_40 : memref<1x1x40xi32, #tpu.memory_space<hbm>> -> memref<40xi32, #tpu.memory_space<hbm>>
    tpu.enqueue_dma source(%dma_start3A_41 : memref<40xi32, #tpu.memory_space<hbm>>) target(%arg12 : memref<40xi32, #tpu.memory_space<vmem>>) target_semaphore(%dma_start3A_38 : memref<!tpu.dma_semaphore, #tpu.memory_space<semaphore_mem>>)
    %dma_start3A_42 = arith.constant 2 : i32
    %dma_start3A_43 = arith.constant 2 : i32
    %dma_start3A_44 = arith.constant 0 : i32
    %dma_start3A_45 = tpu.memref_slice %arg3[%add3A, %dma_start3A_42, %dma_start3A_44] : memref<32x252x40xi32, #tpu.memory_space<hbm>> -> memref<1x1x40xi32, #tpu.memory_space<hbm>>
    %dma_start3A_46 = tpu.memref_squeeze %dma_start3A_45 : memref<1x1x40xi32, #tpu.memory_space<hbm>> -> memref<40xi32, #tpu.memory_space<hbm>>
    %dma_start3A_47 = tpu.memref_slice %arg17[%dma_start3A_43] : memref<4x!tpu.dma_semaphore, #tpu.memory_space<semaphore_mem>> -> memref<1x!tpu.dma_semaphore, #tpu.memory_space<semaphore_mem>>
    %dma_start3A_48 = tpu.memref_squeeze %dma_start3A_47 : memref<1x!tpu.dma_semaphore, #tpu.memory_space<semaphore_mem>> -> memref<!tpu.dma_semaphore, #tpu.memory_space<semaphore_mem>>
    %dma_start3A_49 = arith.constant 0 : i32
    %dma_start3A_50 = tpu.memref_slice %arg3[%add3A, %dma_start3A_42, %dma_start3A_49] : memref<32x252x40xi32, #tpu.memory_space<hbm>> -> memref<1x1x40xi32, #tpu.memory_space<hbm>>
    %dma_start3A_51 = tpu.memref_squeeze %dma_start3A_50 : memref<1x1x40xi32, #tpu.memory_space<hbm>> -> memref<40xi32, #tpu.memory_space<hbm>>
    tpu.enqueue_dma source(%dma_start3A_51 : memref<40xi32, #tpu.memory_space<hbm>>) target(%arg9 : memref<40xi32, #tpu.memory_space<vmem>>) target_semaphore(%dma_start3A_48 : memref<!tpu.dma_semaphore, #tpu.memory_space<semaphore_mem>>)
    %dma_start3A_52 = arith.constant 2 : i32
    %dma_start3A_53 = arith.constant 2 : i32
    %dma_start3A_54 = arith.constant 0 : i32
    %dma_start3A_55 = tpu.memref_slice %arg4[%add3A, %dma_start3A_52, %dma_start3A_54] : memref<32x252x40xi32, #tpu.memory_space<hbm>> -> memref<1x1x40xi32, #tpu.memory_space<hbm>>
    %dma_start3A_56 = tpu.memref_squeeze %dma_start3A_55 : memref<1x1x40xi32, #tpu.memory_space<hbm>> -> memref<40xi32, #tpu.memory_space<hbm>>
    %dma_start3A_57 = tpu.memref_slice %arg18[%dma_start3A_53] : memref<4x!tpu.dma_semaphore, #tpu.memory_space<semaphore_mem>> -> memref<1x!tpu.dma_semaphore, #tpu.memory_space<semaphore_mem>>
    %dma_start3A_58 = tpu.memref_squeeze %dma_start3A_57 : memref<1x!tpu.dma_semaphore, #tpu.memory_space<semaphore_mem>> -> memref<!tpu.dma_semaphore, #tpu.memory_space<semaphore_mem>>
    %dma_start3A_59 = arith.constant 0 : i32
    %dma_start3A_60 = tpu.memref_slice %arg4[%add3A, %dma_start3A_52, %dma_start3A_59] : memref<32x252x40xi32, #tpu.memory_space<hbm>> -> memref<1x1x40xi32, #tpu.memory_space<hbm>>
    %dma_start3A_61 = tpu.memref_squeeze %dma_start3A_60 : memref<1x1x40xi32, #tpu.memory_space<hbm>> -> memref<40xi32, #tpu.memory_space<hbm>>
    tpu.enqueue_dma source(%dma_start3A_61 : memref<40xi32, #tpu.memory_space<hbm>>) target(%arg13 : memref<40xi32, #tpu.memory_space<vmem>>) target_semaphore(%dma_start3A_58 : memref<!tpu.dma_semaphore, #tpu.memory_space<semaphore_mem>>)
    %dma_start3A_62 = arith.constant 3 : i32
    %dma_start3A_63 = arith.constant 3 : i32
    %dma_start3A_64 = arith.constant 0 : i32
    %dma_start3A_65 = tpu.memref_slice %arg3[%add3A, %dma_start3A_62, %dma_start3A_64] : memref<32x252x40xi32, #tpu.memory_space<hbm>> -> memref<1x1x40xi32, #tpu.memory_space<hbm>>
    %dma_start3A_66 = tpu.memref_squeeze %dma_start3A_65 : memref<1x1x40xi32, #tpu.memory_space<hbm>> -> memref<40xi32, #tpu.memory_space<hbm>>
    %dma_start3A_67 = tpu.memref_slice %arg17[%dma_start3A_63] : memref<4x!tpu.dma_semaphore, #tpu.memory_space<semaphore_mem>> -> memref<1x!tpu.dma_semaphore, #tpu.memory_space<semaphore_mem>>
    %dma_start3A_68 = tpu.memref_squeeze %dma_start3A_67 : memref<1x!tpu.dma_semaphore, #tpu.memory_space<semaphore_mem>> -> memref<!tpu.dma_semaphore, #tpu.memory_space<semaphore_mem>>
    %dma_start3A_69 = arith.constant 0 : i32
    %dma_start3A_70 = tpu.memref_slice %arg3[%add3A, %dma_start3A_62, %dma_start3A_69] : memref<32x252x40xi32, #tpu.memory_space<hbm>> -> memref<1x1x40xi32, #tpu.memory_space<hbm>>
    %dma_start3A_71 = tpu.memref_squeeze %dma_start3A_70 : memref<1x1x40xi32, #tpu.memory_space<hbm>> -> memref<40xi32, #tpu.memory_space<hbm>>
    tpu.enqueue_dma source(%dma_start3A_71 : memref<40xi32, #tpu.memory_space<hbm>>) target(%arg10 : memref<40xi32, #tpu.memory_space<vmem>>) target_semaphore(%dma_start3A_68 : memref<!tpu.dma_semaphore, #tpu.memory_space<semaphore_mem>>)
    %dma_start3A_72 = arith.constant 3 : i32
    %dma_start3A_73 = arith.constant 3 : i32
    %dma_start3A_74 = arith.constant 0 : i32
    %dma_start3A_75 = tpu.memref_slice %arg4[%add3A, %dma_start3A_72, %dma_start3A_74] : memref<32x252x40xi32, #tpu.memory_space<hbm>> -> memref<1x1x40xi32, #tpu.memory_space<hbm>>
    %dma_start3A_76 = tpu.memref_squeeze %dma_start3A_75 : memref<1x1x40xi32, #tpu.memory_space<hbm>> -> memref<40xi32, #tpu.memory_space<hbm>>
    %dma_start3A_77 = tpu.memref_slice %arg18[%dma_start3A_73] : memref<4x!tpu.dma_semaphore, #tpu.memory_space<semaphore_mem>> -> memref<1x!tpu.dma_semaphore, #tpu.memory_space<semaphore_mem>>
    %dma_start3A_78 = tpu.memref_squeeze %dma_start3A_77 : memref<1x!tpu.dma_semaphore, #tpu.memory_space<semaphore_mem>> -> memref<!tpu.dma_semaphore, #tpu.memory_space<semaphore_mem>>
    %dma_start3A_79 = arith.constant 0 : i32
    %dma_start3A_80 = tpu.memref_slice %arg4[%add3A, %dma_start3A_72, %dma_start3A_79] : memref<32x252x40xi32, #tpu.memory_space<hbm>> -> memref<1x1x40xi32, #tpu.memory_space<hbm>>
    %dma_start3A_81 = tpu.memref_squeeze %dma_start3A_80 : memref<1x1x40xi32, #tpu.memory_space<hbm>> -> memref<40xi32, #tpu.memory_space<hbm>>
    tpu.enqueue_dma source(%dma_start3A_81 : memref<40xi32, #tpu.memory_space<hbm>>) target(%arg14 : memref<40xi32, #tpu.memory_space<vmem>>) target_semaphore(%dma_start3A_78 : memref<!tpu.dma_semaphore, #tpu.memory_space<semaphore_mem>>)
    %barrier3A = arith.constant 0 : index
    tpu.barrier barrier_id(%barrier3A)
    %dma_wait3A = arith.constant 0 : i32
    %dma_wait3A_82 = arith.constant 0 : i32
    %dma_wait3A_83 = arith.constant 0 : i32
    %dma_wait3A_84 = arith.constant 0 : i32
    %dma_wait3A_85 = tpu.memref_slice %arg3[%dma_wait3A, %dma_wait3A_82, %dma_wait3A_84] : memref<32x252x40xi32, #tpu.memory_space<hbm>> -> memref<1x1x40xi32, #tpu.memory_space<hbm>>
    %dma_wait3A_86 = tpu.memref_squeeze %dma_wait3A_85 : memref<1x1x40xi32, #tpu.memory_space<hbm>> -> memref<40xi32, #tpu.memory_space<hbm>>
    %dma_wait3A_87 = tpu.memref_slice %arg17[%dma_wait3A_83] : memref<4x!tpu.dma_semaphore, #tpu.memory_space<semaphore_mem>> -> memref<1x!tpu.dma_semaphore, #tpu.memory_space<semaphore_mem>>
    %dma_wait3A_88 = tpu.memref_squeeze %dma_wait3A_87 : memref<1x!tpu.dma_semaphore, #tpu.memory_space<semaphore_mem>> -> memref<!tpu.dma_semaphore, #tpu.memory_space<semaphore_mem>>
    %dma_wait3A_89 = arith.constant 0 : i32
    %dma_wait3A_90 = tpu.memref_slice %arg3[%dma_wait3A, %dma_wait3A_82, %dma_wait3A_89] : memref<32x252x40xi32, #tpu.memory_space<hbm>> -> memref<1x1x40xi32, #tpu.memory_space<hbm>>
    %dma_wait3A_91 = tpu.memref_squeeze %dma_wait3A_90 : memref<1x1x40xi32, #tpu.memory_space<hbm>> -> memref<40xi32, #tpu.memory_space<hbm>>
    tpu.wait_dma2 semaphore(%dma_wait3A_88 : memref<!tpu.dma_semaphore, #tpu.memory_space<semaphore_mem>>) src(%dma_wait3A_91 : memref<40xi32, #tpu.memory_space<hbm>>) dst(%arg7 : memref<40xi32, #tpu.memory_space<vmem>>)
    %dma_start3A_92 = arith.constant 0 : i32
    %dma_start3A_93 = arith.constant 0 : i32
    %dma_start3A_94 = arith.constant 0 : i32
    %dma_start3A_95 = tpu.memref_slice %arg2[%dma_start3A_93, %dma_start3A_94] : memref<10000x128xf32, #tpu.memory_space<hbm>> -> memref<10000x128xf32, #tpu.memory_space<hbm>>
    %dma_start3A_96 = tpu.memref_slice %arg19[%dma_start3A_92] : memref<2x!tpu.dma_semaphore, #tpu.memory_space<semaphore_mem>> -> memref<1x!tpu.dma_semaphore, #tpu.memory_space<semaphore_mem>>
    %dma_start3A_97 = tpu.memref_squeeze %dma_start3A_96 : memref<1x!tpu.dma_semaphore, #tpu.memory_space<semaphore_mem>> -> memref<!tpu.dma_semaphore, #tpu.memory_space<semaphore_mem>>
    tpu.enqueue_indirect_dma source(%dma_start3A_95 : memref<10000x128xf32, #tpu.memory_space<hbm>>) target(%arg15 : memref<40x128xf32, #tpu.memory_space<vmem>>) offsets(%arg7 : memref<40xi32, #tpu.memory_space<vmem>>) semaphore(%dma_start3A_97 : memref<!tpu.dma_semaphore, #tpu.memory_space<semaphore_mem>>)
    %dma_wait3A_98 = arith.constant 0 : i32
    %dma_wait3A_99 = arith.constant 0 : i32
    %dma_wait3A_100 = arith.constant 1 : i32
    %dma_wait3A_101 = arith.constant 0 : i32
    %dma_wait3A_102 = tpu.memref_slice %arg3[%dma_wait3A_98, %dma_wait3A_99, %dma_wait3A_101] : memref<32x252x40xi32, #tpu.memory_space<hbm>> -> memref<1x1x40xi32, #tpu.memory_space<hbm>>
    %dma_wait3A_103 = tpu.memref_squeeze %dma_wait3A_102 : memref<1x1x40xi32, #tpu.memory_space<hbm>> -> memref<40xi32, #tpu.memory_space<hbm>>
    %dma_wait3A_104 = tpu.memref_slice %arg17[%dma_wait3A_100] : memref<4x!tpu.dma_semaphore, #tpu.memory_space<semaphore_mem>> -> memref<1x!tpu.dma_semaphore, #tpu.memory_space<semaphore_mem>>
    %dma_wait3A_105 = tpu.memref_squeeze %dma_wait3A_104 : memref<1x!tpu.dma_semaphore, #tpu.memory_space<semaphore_mem>> -> memref<!tpu.dma_semaphore, #tpu.memory_space<semaphore_mem>>
    %dma_wait3A_106 = arith.constant 0 : i32
    %dma_wait3A_107 = tpu.memref_slice %arg3[%dma_wait3A_98, %dma_wait3A_99, %dma_wait3A_106] : memref<32x252x40xi32, #tpu.memory_space<hbm>> -> memref<1x1x40xi32, #tpu.memory_space<hbm>>
    %dma_wait3A_108 = tpu.memref_squeeze %dma_wait3A_107 : memref<1x1x40xi32, #tpu.memory_space<hbm>> -> memref<40xi32, #tpu.memory_space<hbm>>
    tpu.wait_dma2 semaphore(%dma_wait3A_105 : memref<!tpu.dma_semaphore, #tpu.memory_space<semaphore_mem>>) src(%dma_wait3A_108 : memref<40xi32, #tpu.memory_space<hbm>>) dst(%arg8 : memref<40xi32, #tpu.memory_space<vmem>>)
    %dma_start3A_109 = arith.constant 1 : i32
    %dma_start3A_110 = arith.constant 0 : i32
    %dma_start3A_111 = arith.constant 0 : i32
    %dma_start3A_112 = tpu.memref_slice %arg2[%dma_start3A_110, %dma_start3A_111] : memref<10000x128xf32, #tpu.memory_space<hbm>> -> memref<10000x128xf32, #tpu.memory_space<hbm>>
    %dma_start3A_113 = tpu.memref_slice %arg19[%dma_start3A_109] : memref<2x!tpu.dma_semaphore, #tpu.memory_space<semaphore_mem>> -> memref<1x!tpu.dma_semaphore, #tpu.memory_space<semaphore_mem>>
    %dma_start3A_114 = tpu.memref_squeeze %dma_start3A_113 : memref<1x!tpu.dma_semaphore, #tpu.memory_space<semaphore_mem>> -> memref<!tpu.dma_semaphore, #tpu.memory_space<semaphore_mem>>
    tpu.enqueue_indirect_dma source(%dma_start3A_112 : memref<10000x128xf32, #tpu.memory_space<hbm>>) target(%arg16 : memref<40x128xf32, #tpu.memory_space<vmem>>) offsets(%arg8 : memref<40xi32, #tpu.memory_space<vmem>>) semaphore(%dma_start3A_114 : memref<!tpu.dma_semaphore, #tpu.memory_space<semaphore_mem>>)
    %scan3A = arith.constant 0 : i32
    %scan3A_115 = arith.constant 0 : i32
    %scan3A_116 = arith.constant 63 : i32
    %scan3A_117 = arith.addi %scan3A_115, %scan3A_116 : i32
    %scan3A_118 = arith.constant 1 : i32
    scf.for %scan3A_128 = %scan3A_115 to %scan3A_117 step %scan3A_118  : i32 {
      %mul3A_129 = arith.constant 4 : i32
      %mul3A_130 = arith.muli %scan3A_128, %mul3A_129 : i32
      %add3A_131 = arith.constant 0 : i32
      %add3A_132 = arith.addi %mul3A_130, %add3A_131 : i32
      %dma_wait3A_133 = arith.constant 0 : i32
      %dma_wait3A_134 = arith.constant 0 : i32
      %dma_wait3A_135 = arith.constant 0 : i32
      %dma_wait3A_136 = tpu.memref_slice %arg2[%dma_wait3A_134, %dma_wait3A_135] : memref<10000x128xf32, #tpu.memory_space<hbm>> -> memref<40x128xf32, #tpu.memory_space<hbm>>
      %dma_wait3A_137 = tpu.memref_slice %arg19[%dma_wait3A_133] : memref<2x!tpu.dma_semaphore, #tpu.memory_space<semaphore_mem>> -> memref<1x!tpu.dma_semaphore, #tpu.memory_space<semaphore_mem>>
      %dma_wait3A_138 = tpu.memref_squeeze %dma_wait3A_137 : memref<1x!tpu.dma_semaphore, #tpu.memory_space<semaphore_mem>> -> memref<!tpu.dma_semaphore, #tpu.memory_space<semaphore_mem>>
      %dma_wait3A_139 = arith.constant 0 : i32
      %dma_wait3A_140 = arith.constant 0 : i32
      %dma_wait3A_141 = tpu.memref_slice %arg2[%dma_wait3A_139, %dma_wait3A_140] : memref<10000x128xf32, #tpu.memory_space<hbm>> -> memref<40x128xf32, #tpu.memory_space<hbm>>
      tpu.wait_dma2 semaphore(%dma_wait3A_138 : memref<!tpu.dma_semaphore, #tpu.memory_space<semaphore_mem>>) src(%dma_wait3A_141 : memref<40x128xf32, #tpu.memory_space<hbm>>) dst(%arg15 : memref<40x128xf32, #tpu.memory_space<vmem>>)
      %dma_wait3A_142 = arith.constant 0 : i32
      %dma_wait3A_143 = arith.constant 0 : i32
      %dma_wait3A_144 = arith.constant 0 : i32
      %dma_wait3A_145 = arith.constant 0 : i32
      %dma_wait3A_146 = tpu.memref_slice %arg3[%dma_wait3A_142, %dma_wait3A_143, %dma_wait3A_145] : memref<32x252x40xi32, #tpu.memory_space<hbm>> -> memref<1x1x40xi32, #tpu.memory_space<hbm>>
      %dma_wait3A_147 = tpu.memref_squeeze %dma_wait3A_146 : memref<1x1x40xi32, #tpu.memory_space<hbm>> -> memref<40xi32, #tpu.memory_space<hbm>>
      %dma_wait3A_148 = tpu.memref_slice %arg18[%dma_wait3A_144] : memref<4x!tpu.dma_semaphore, #tpu.memory_space<semaphore_mem>> -> memref<1x!tpu.dma_semaphore, #tpu.memory_space<semaphore_mem>>
      %dma_wait3A_149 = tpu.memref_squeeze %dma_wait3A_148 : memref<1x!tpu.dma_semaphore, #tpu.memory_space<semaphore_mem>> -> memref<!tpu.dma_semaphore, #tpu.memory_space<semaphore_mem>>
      %dma_wait3A_150 = arith.constant 0 : i32
      %dma_wait3A_151 = tpu.memref_slice %arg3[%dma_wait3A_142, %dma_wait3A_143, %dma_wait3A_150] : memref<32x252x40xi32, #tpu.memory_space<hbm>> -> memref<1x1x40xi32, #tpu.memory_space<hbm>>
      %dma_wait3A_152 = tpu.memref_squeeze %dma_wait3A_151 : memref<1x1x40xi32, #tpu.memory_space<hbm>> -> memref<40xi32, #tpu.memory_space<hbm>>
      tpu.wait_dma2 semaphore(%dma_wait3A_149 : memref<!tpu.dma_semaphore, #tpu.memory_space<semaphore_mem>>) src(%dma_wait3A_152 : memref<40xi32, #tpu.memory_space<hbm>>) dst(%arg11 : memref<40xi32, #tpu.memory_space<vmem>>)
      "tpu.region"() ({
        %run_scoped3A = tpu.sem_alloc : memref<!tpu.dma_semaphore, #tpu.memory_space<semaphore_mem>>
        %dma_start3A_278 = arith.constant 0 : i32
        %dma_start3A_279 = arith.constant 0 : i32
        %dma_start3A_280 = tpu.memref_slice %arg20[%dma_start3A_278, %dma_start3A_279] : memref<10112x128xf32, #tpu.memory_space<vmem_shared>> -> memref<10112x128xf32, #tpu.memory_space<vmem_shared>>
        tpu.enqueue_indirect_dma source(%arg15 : memref<40x128xf32, #tpu.memory_space<vmem>>) target(%dma_start3A_280 : memref<10112x128xf32, #tpu.memory_space<vmem_shared>>) offsets(%arg11 : memref<40xi32, #tpu.memory_space<vmem>>) semaphore(%run_scoped3A : memref<!tpu.dma_semaphore, #tpu.memory_space<semaphore_mem>>) {add = true}
        %dma_wait3A_281 = arith.constant 0 : i32
        %dma_wait3A_282 = arith.constant 0 : i32
        %dma_wait3A_283 = tpu.memref_slice %arg20[%dma_wait3A_281, %dma_wait3A_282] : memref<10112x128xf32, #tpu.memory_space<vmem_shared>> -> memref<10112x128xf32, #tpu.memory_space<vmem_shared>>
        tpu.wait_indirect_dma semaphore(%run_scoped3A : memref<!tpu.dma_semaphore, #tpu.memory_space<semaphore_mem>>) src(%arg15 : memref<40x128xf32, #tpu.memory_space<vmem>>) dst(%dma_wait3A_283 : memref<10112x128xf32, #tpu.memory_space<vmem_shared>>)
        tpu.yield
      }) : () -> ()
      %add3A_153 = arith.constant 2 : i32
      %add3A_154 = arith.addi %add3A_132, %add3A_153 : i32
      %lt3A = arith.constant 252 : i32
      %lt3A_155 = arith.cmpi slt, %add3A_154, %lt3A : i32
      %convert_element_type3A = arith.extui %lt3A_155 : i1 to i32
      %cond3A = arith.constant 0 : i32
      %cond3A_156 = arith.cmpi ne, %convert_element_type3A, %cond3A : i32
      scf.if %cond3A_156 {
        %add3A_278 = arith.constant 2 : i32
        %add3A_279 = arith.addi %add3A_132, %add3A_278 : i32
        %dma_wait3A_280 = arith.constant 0 : i32
        %dma_wait3A_281 = arith.constant 0 : i32
        %dma_wait3A_282 = arith.constant 2 : i32
        %dma_wait3A_283 = arith.constant 0 : i32
        %dma_wait3A_284 = tpu.memref_slice %arg3[%dma_wait3A_280, %dma_wait3A_281, %dma_wait3A_283] : memref<32x252x40xi32, #tpu.memory_space<hbm>> -> memref<1x1x40xi32, #tpu.memory_space<hbm>>
        %dma_wait3A_285 = tpu.memref_squeeze %dma_wait3A_284 : memref<1x1x40xi32, #tpu.memory_space<hbm>> -> memref<40xi32, #tpu.memory_space<hbm>>
        %dma_wait3A_286 = tpu.memref_slice %arg17[%dma_wait3A_282] : memref<4x!tpu.dma_semaphore, #tpu.memory_space<semaphore_mem>> -> memref<1x!tpu.dma_semaphore, #tpu.memory_space<semaphore_mem>>
        %dma_wait3A_287 = tpu.memref_squeeze %dma_wait3A_286 : memref<1x!tpu.dma_semaphore, #tpu.memory_space<semaphore_mem>> -> memref<!tpu.dma_semaphore, #tpu.memory_space<semaphore_mem>>
        %dma_wait3A_288 = arith.constant 0 : i32
        %dma_wait3A_289 = tpu.memref_slice %arg3[%dma_wait3A_280, %dma_wait3A_281, %dma_wait3A_288] : memref<32x252x40xi32, #tpu.memory_space<hbm>> -> memref<1x1x40xi32, #tpu.memory_space<hbm>>
        %dma_wait3A_290 = tpu.memref_squeeze %dma_wait3A_289 : memref<1x1x40xi32, #tpu.memory_space<hbm>> -> memref<40xi32, #tpu.memory_space<hbm>>
        tpu.wait_dma2 semaphore(%dma_wait3A_287 : memref<!tpu.dma_semaphore, #tpu.memory_space<semaphore_mem>>) src(%dma_wait3A_290 : memref<40xi32, #tpu.memory_space<hbm>>) dst(%arg9 : memref<40xi32, #tpu.memory_space<vmem>>)
        %dma_start3A_291 = arith.constant 0 : i32
        %dma_start3A_292 = arith.constant 0 : i32
        %dma_start3A_293 = arith.constant 0 : i32
        %dma_start3A_294 = tpu.memref_slice %arg2[%dma_start3A_292, %dma_start3A_293] : memref<10000x128xf32, #tpu.memory_space<hbm>> -> memref<10000x128xf32, #tpu.memory_space<hbm>>
        %dma_start3A_295 = tpu.memref_slice %arg19[%dma_start3A_291] : memref<2x!tpu.dma_semaphore, #tpu.memory_space<semaphore_mem>> -> memref<1x!tpu.dma_semaphore, #tpu.memory_space<semaphore_mem>>
        %dma_start3A_296 = tpu.memref_squeeze %dma_start3A_295 : memref<1x!tpu.dma_semaphore, #tpu.memory_space<semaphore_mem>> -> memref<!tpu.dma_semaphore, #tpu.memory_space<semaphore_mem>>
        tpu.enqueue_indirect_dma source(%dma_start3A_294 : memref<10000x128xf32, #tpu.memory_space<hbm>>) target(%arg15 : memref<40x128xf32, #tpu.memory_space<vmem>>) offsets(%arg9 : memref<40xi32, #tpu.memory_space<vmem>>) semaphore(%dma_start3A_296 : memref<!tpu.dma_semaphore, #tpu.memory_space<semaphore_mem>>)
      } else {
      }
      %add3A_157 = arith.constant 4 : i32
      %add3A_158 = arith.addi %add3A_132, %add3A_157 : i32
      %lt3A_159 = arith.constant 252 : i32
      %lt3A_160 = arith.cmpi slt, %add3A_158, %lt3A_159 : i32
      %convert_element_type3A_161 = arith.extui %lt3A_160 : i1 to i32
      %cond3A_162 = arith.constant 0 : i32
      %cond3A_163 = arith.cmpi ne, %convert_element_type3A_161, %cond3A_162 : i32
      scf.if %cond3A_163 {
        %add3A_278 = arith.constant 4 : i32
        %add3A_279 = arith.addi %add3A_132, %add3A_278 : i32
        %dma_start3A_280 = arith.constant 0 : i32
        %dma_start3A_281 = arith.constant 0 : i32
        %dma_start3A_282 = tpu.memref_slice %arg3[%add3A, %add3A_279, %dma_start3A_281] : memref<32x252x40xi32, #tpu.memory_space<hbm>> -> memref<1x1x40xi32, #tpu.memory_space<hbm>>
        %dma_start3A_283 = tpu.memref_squeeze %dma_start3A_282 : memref<1x1x40xi32, #tpu.memory_space<hbm>> -> memref<40xi32, #tpu.memory_space<hbm>>
        %dma_start3A_284 = tpu.memref_slice %arg17[%dma_start3A_280] : memref<4x!tpu.dma_semaphore, #tpu.memory_space<semaphore_mem>> -> memref<1x!tpu.dma_semaphore, #tpu.memory_space<semaphore_mem>>
        %dma_start3A_285 = tpu.memref_squeeze %dma_start3A_284 : memref<1x!tpu.dma_semaphore, #tpu.memory_space<semaphore_mem>> -> memref<!tpu.dma_semaphore, #tpu.memory_space<semaphore_mem>>
        %dma_start3A_286 = arith.constant 0 : i32
        %dma_start3A_287 = tpu.memref_slice %arg3[%add3A, %add3A_279, %dma_start3A_286] : memref<32x252x40xi32, #tpu.memory_space<hbm>> -> memref<1x1x40xi32, #tpu.memory_space<hbm>>
        %dma_start3A_288 = tpu.memref_squeeze %dma_start3A_287 : memref<1x1x40xi32, #tpu.memory_space<hbm>> -> memref<40xi32, #tpu.memory_space<hbm>>
        tpu.enqueue_dma source(%dma_start3A_288 : memref<40xi32, #tpu.memory_space<hbm>>) target(%arg7 : memref<40xi32, #tpu.memory_space<vmem>>) target_semaphore(%dma_start3A_285 : memref<!tpu.dma_semaphore, #tpu.memory_space<semaphore_mem>>)
        %dma_start3A_289 = arith.constant 0 : i32
        %dma_start3A_290 = arith.constant 0 : i32
        %dma_start3A_291 = tpu.memref_slice %arg4[%add3A, %add3A_279, %dma_start3A_290] : memref<32x252x40xi32, #tpu.memory_space<hbm>> -> memref<1x1x40xi32, #tpu.memory_space<hbm>>
        %dma_start3A_292 = tpu.memref_squeeze %dma_start3A_291 : memref<1x1x40xi32, #tpu.memory_space<hbm>> -> memref<40xi32, #tpu.memory_space<hbm>>
        %dma_start3A_293 = tpu.memref_slice %arg18[%dma_start3A_289] : memref<4x!tpu.dma_semaphore, #tpu.memory_space<semaphore_mem>> -> memref<1x!tpu.dma_semaphore, #tpu.memory_space<semaphore_mem>>
        %dma_start3A_294 = tpu.memref_squeeze %dma_start3A_293 : memref<1x!tpu.dma_semaphore, #tpu.memory_space<semaphore_mem>> -> memref<!tpu.dma_semaphore, #tpu.memory_space<semaphore_mem>>
        %dma_start3A_295 = arith.constant 0 : i32
        %dma_start3A_296 = tpu.memref_slice %arg4[%add3A, %add3A_279, %dma_start3A_295] : memref<32x252x40xi32, #tpu.memory_space<hbm>> -> memref<1x1x40xi32, #tpu.memory_space<hbm>>
        %dma_start3A_297 = tpu.memref_squeeze %dma_start3A_296 : memref<1x1x40xi32, #tpu.memory_space<hbm>> -> memref<40xi32, #tpu.memory_space<hbm>>
        tpu.enqueue_dma source(%dma_start3A_297 : memref<40xi32, #tpu.memory_space<hbm>>) target(%arg11 : memref<40xi32, #tpu.memory_space<vmem>>) target_semaphore(%dma_start3A_294 : memref<!tpu.dma_semaphore, #tpu.memory_space<semaphore_mem>>)
      } else {
      }
      %mul3A_164 = arith.constant 4 : i32
      %mul3A_165 = arith.muli %scan3A_128, %mul3A_164 : i32
      %add3A_166 = arith.constant 1 : i32
      %add3A_167 = arith.addi %mul3A_165, %add3A_166 : i32
      %dma_wait3A_168 = arith.constant 1 : i32
      %dma_wait3A_169 = arith.constant 0 : i32
      %dma_wait3A_170 = arith.constant 0 : i32
      %dma_wait3A_171 = tpu.memref_slice %arg2[%dma_wait3A_169, %dma_wait3A_170] : memref<10000x128xf32, #tpu.memory_space<hbm>> -> memref<40x128xf32, #tpu.memory_space<hbm>>
      %dma_wait3A_172 = tpu.memref_slice %arg19[%dma_wait3A_168] : memref<2x!tpu.dma_semaphore, #tpu.memory_space<semaphore_mem>> -> memref<1x!tpu.dma_semaphore, #tpu.memory_space<semaphore_mem>>
      %dma_wait3A_173 = tpu.memref_squeeze %dma_wait3A_172 : memref<1x!tpu.dma_semaphore, #tpu.memory_space<semaphore_mem>> -> memref<!tpu.dma_semaphore, #tpu.memory_space<semaphore_mem>>
      %dma_wait3A_174 = arith.constant 0 : i32
      %dma_wait3A_175 = arith.constant 0 : i32
      %dma_wait3A_176 = tpu.memref_slice %arg2[%dma_wait3A_174, %dma_wait3A_175] : memref<10000x128xf32, #tpu.memory_space<hbm>> -> memref<40x128xf32, #tpu.memory_space<hbm>>
      tpu.wait_dma2 semaphore(%dma_wait3A_173 : memref<!tpu.dma_semaphore, #tpu.memory_space<semaphore_mem>>) src(%dma_wait3A_176 : memref<40x128xf32, #tpu.memory_space<hbm>>) dst(%arg16 : memref<40x128xf32, #tpu.memory_space<vmem>>)
      %dma_wait3A_177 = arith.constant 0 : i32
      %dma_wait3A_178 = arith.constant 0 : i32
      %dma_wait3A_179 = arith.constant 1 : i32
      %dma_wait3A_180 = arith.constant 0 : i32
      %dma_wait3A_181 = tpu.memref_slice %arg3[%dma_wait3A_177, %dma_wait3A_178, %dma_wait3A_180] : memref<32x252x40xi32, #tpu.memory_space<hbm>> -> memref<1x1x40xi32, #tpu.memory_space<hbm>>
      %dma_wait3A_182 = tpu.memref_squeeze %dma_wait3A_181 : memref<1x1x40xi32, #tpu.memory_space<hbm>> -> memref<40xi32, #tpu.memory_space<hbm>>
      %dma_wait3A_183 = tpu.memref_slice %arg18[%dma_wait3A_179] : memref<4x!tpu.dma_semaphore, #tpu.memory_space<semaphore_mem>> -> memref<1x!tpu.dma_semaphore, #tpu.memory_space<semaphore_mem>>
      %dma_wait3A_184 = tpu.memref_squeeze %dma_wait3A_183 : memref<1x!tpu.dma_semaphore, #tpu.memory_space<semaphore_mem>> -> memref<!tpu.dma_semaphore, #tpu.memory_space<semaphore_mem>>
      %dma_wait3A_185 = arith.constant 0 : i32
      %dma_wait3A_186 = tpu.memref_slice %arg3[%dma_wait3A_177, %dma_wait3A_178, %dma_wait3A_185] : memref<32x252x40xi32, #tpu.memory_space<hbm>> -> memref<1x1x40xi32, #tpu.memory_space<hbm>>
      %dma_wait3A_187 = tpu.memref_squeeze %dma_wait3A_186 : memref<1x1x40xi32, #tpu.memory_space<hbm>> -> memref<40xi32, #tpu.memory_space<hbm>>
      tpu.wait_dma2 semaphore(%dma_wait3A_184 : memref<!tpu.dma_semaphore, #tpu.memory_space<semaphore_mem>>) src(%dma_wait3A_187 : memref<40xi32, #tpu.memory_space<hbm>>) dst(%arg12 : memref<40xi32, #tpu.memory_space<vmem>>)
      "tpu.region"() ({
        %run_scoped3A = tpu.sem_alloc : memref<!tpu.dma_semaphore, #tpu.memory_space<semaphore_mem>>
        %dma_start3A_278 = arith.constant 0 : i32
        %dma_start3A_279 = arith.constant 0 : i32
        %dma_start3A_280 = tpu.memref_slice %arg20[%dma_start3A_278, %dma_start3A_279] : memref<10112x128xf32, #tpu.memory_space<vmem_shared>> -> memref<10112x128xf32, #tpu.memory_space<vmem_shared>>
        tpu.enqueue_indirect_dma source(%arg16 : memref<40x128xf32, #tpu.memory_space<vmem>>) target(%dma_start3A_280 : memref<10112x128xf32, #tpu.memory_space<vmem_shared>>) offsets(%arg12 : memref<40xi32, #tpu.memory_space<vmem>>) semaphore(%run_scoped3A : memref<!tpu.dma_semaphore, #tpu.memory_space<semaphore_mem>>) {add = true}
        %dma_wait3A_281 = arith.constant 0 : i32
        %dma_wait3A_282 = arith.constant 0 : i32
        %dma_wait3A_283 = tpu.memref_slice %arg20[%dma_wait3A_281, %dma_wait3A_282] : memref<10112x128xf32, #tpu.memory_space<vmem_shared>> -> memref<10112x128xf32, #tpu.memory_space<vmem_shared>>
        tpu.wait_indirect_dma semaphore(%run_scoped3A : memref<!tpu.dma_semaphore, #tpu.memory_space<semaphore_mem>>) src(%arg16 : memref<40x128xf32, #tpu.memory_space<vmem>>) dst(%dma_wait3A_283 : memref<10112x128xf32, #tpu.memory_space<vmem_shared>>)
        tpu.yield
      }) : () -> ()
      %add3A_188 = arith.constant 2 : i32
      %add3A_189 = arith.addi %add3A_167, %add3A_188 : i32
      %lt3A_190 = arith.constant 252 : i32
      %lt3A_191 = arith.cmpi slt, %add3A_189, %lt3A_190 : i32
      %convert_element_type3A_192 = arith.extui %lt3A_191 : i1 to i32
      %cond3A_193 = arith.constant 0 : i32
      %cond3A_194 = arith.cmpi ne, %convert_element_type3A_192, %cond3A_193 : i32
      scf.if %cond3A_194 {
        %add3A_278 = arith.constant 2 : i32
        %add3A_279 = arith.addi %add3A_167, %add3A_278 : i32
        %dma_wait3A_280 = arith.constant 0 : i32
        %dma_wait3A_281 = arith.constant 0 : i32
        %dma_wait3A_282 = arith.constant 3 : i32
        %dma_wait3A_283 = arith.constant 0 : i32
        %dma_wait3A_284 = tpu.memref_slice %arg3[%dma_wait3A_280, %dma_wait3A_281, %dma_wait3A_283] : memref<32x252x40xi32, #tpu.memory_space<hbm>> -> memref<1x1x40xi32, #tpu.memory_space<hbm>>
        %dma_wait3A_285 = tpu.memref_squeeze %dma_wait3A_284 : memref<1x1x40xi32, #tpu.memory_space<hbm>> -> memref<40xi32, #tpu.memory_space<hbm>>
        %dma_wait3A_286 = tpu.memref_slice %arg17[%dma_wait3A_282] : memref<4x!tpu.dma_semaphore, #tpu.memory_space<semaphore_mem>> -> memref<1x!tpu.dma_semaphore, #tpu.memory_space<semaphore_mem>>
        %dma_wait3A_287 = tpu.memref_squeeze %dma_wait3A_286 : memref<1x!tpu.dma_semaphore, #tpu.memory_space<semaphore_mem>> -> memref<!tpu.dma_semaphore, #tpu.memory_space<semaphore_mem>>
        %dma_wait3A_288 = arith.constant 0 : i32
        %dma_wait3A_289 = tpu.memref_slice %arg3[%dma_wait3A_280, %dma_wait3A_281, %dma_wait3A_288] : memref<32x252x40xi32, #tpu.memory_space<hbm>> -> memref<1x1x40xi32, #tpu.memory_space<hbm>>
        %dma_wait3A_290 = tpu.memref_squeeze %dma_wait3A_289 : memref<1x1x40xi32, #tpu.memory_space<hbm>> -> memref<40xi32, #tpu.memory_space<hbm>>
        tpu.wait_dma2 semaphore(%dma_wait3A_287 : memref<!tpu.dma_semaphore, #tpu.memory_space<semaphore_mem>>) src(%dma_wait3A_290 : memref<40xi32, #tpu.memory_space<hbm>>) dst(%arg10 : memref<40xi32, #tpu.memory_space<vmem>>)
        %dma_start3A_291 = arith.constant 1 : i32
        %dma_start3A_292 = arith.constant 0 : i32
        %dma_start3A_293 = arith.constant 0 : i32
        %dma_start3A_294 = tpu.memref_slice %arg2[%dma_start3A_292, %dma_start3A_293] : memref<10000x128xf32, #tpu.memory_space<hbm>> -> memref<10000x128xf32, #tpu.memory_space<hbm>>
        %dma_start3A_295 = tpu.memref_slice %arg19[%dma_start3A_291] : memref<2x!tpu.dma_semaphore, #tpu.memory_space<semaphore_mem>> -> memref<1x!tpu.dma_semaphore, #tpu.memory_space<semaphore_mem>>
        %dma_start3A_296 = tpu.memref_squeeze %dma_start3A_295 : memref<1x!tpu.dma_semaphore, #tpu.memory_space<semaphore_mem>> -> memref<!tpu.dma_semaphore, #tpu.memory_space<semaphore_mem>>
        tpu.enqueue_indirect_dma source(%dma_start3A_294 : memref<10000x128xf32, #tpu.memory_space<hbm>>) target(%arg16 : memref<40x128xf32, #tpu.memory_space<vmem>>) offsets(%arg10 : memref<40xi32, #tpu.memory_space<vmem>>) semaphore(%dma_start3A_296 : memref<!tpu.dma_semaphore, #tpu.memory_space<semaphore_mem>>)
      } else {
      }
      %add3A_195 = arith.constant 4 : i32
      %add3A_196 = arith.addi %add3A_167, %add3A_195 : i32
      %lt3A_197 = arith.constant 252 : i32
      %lt3A_198 = arith.cmpi slt, %add3A_196, %lt3A_197 : i32
      %convert_element_type3A_199 = arith.extui %lt3A_198 : i1 to i32
      %cond3A_200 = arith.constant 0 : i32
      %cond3A_201 = arith.cmpi ne, %convert_element_type3A_199, %cond3A_200 : i32
      scf.if %cond3A_201 {
        %add3A_278 = arith.constant 4 : i32
        %add3A_279 = arith.addi %add3A_167, %add3A_278 : i32
        %dma_start3A_280 = arith.constant 1 : i32
        %dma_start3A_281 = arith.constant 0 : i32
        %dma_start3A_282 = tpu.memref_slice %arg3[%add3A, %add3A_279, %dma_start3A_281] : memref<32x252x40xi32, #tpu.memory_space<hbm>> -> memref<1x1x40xi32, #tpu.memory_space<hbm>>
        %dma_start3A_283 = tpu.memref_squeeze %dma_start3A_282 : memref<1x1x40xi32, #tpu.memory_space<hbm>> -> memref<40xi32, #tpu.memory_space<hbm>>
        %dma_start3A_284 = tpu.memref_slice %arg17[%dma_start3A_280] : memref<4x!tpu.dma_semaphore, #tpu.memory_space<semaphore_mem>> -> memref<1x!tpu.dma_semaphore, #tpu.memory_space<semaphore_mem>>
        %dma_start3A_285 = tpu.memref_squeeze %dma_start3A_284 : memref<1x!tpu.dma_semaphore, #tpu.memory_space<semaphore_mem>> -> memref<!tpu.dma_semaphore, #tpu.memory_space<semaphore_mem>>
        %dma_start3A_286 = arith.constant 0 : i32
        %dma_start3A_287 = tpu.memref_slice %arg3[%add3A, %add3A_279, %dma_start3A_286] : memref<32x252x40xi32, #tpu.memory_space<hbm>> -> memref<1x1x40xi32, #tpu.memory_space<hbm>>
        %dma_start3A_288 = tpu.memref_squeeze %dma_start3A_287 : memref<1x1x40xi32, #tpu.memory_space<hbm>> -> memref<40xi32, #tpu.memory_space<hbm>>
        tpu.enqueue_dma source(%dma_start3A_288 : memref<40xi32, #tpu.memory_space<hbm>>) target(%arg8 : memref<40xi32, #tpu.memory_space<vmem>>) target_semaphore(%dma_start3A_285 : memref<!tpu.dma_semaphore, #tpu.memory_space<semaphore_mem>>)
        %dma_start3A_289 = arith.constant 1 : i32
        %dma_start3A_290 = arith.constant 0 : i32
        %dma_start3A_291 = tpu.memref_slice %arg4[%add3A, %add3A_279, %dma_start3A_290] : memref<32x252x40xi32, #tpu.memory_space<hbm>> -> memref<1x1x40xi32, #tpu.memory_space<hbm>>
        %dma_start3A_292 = tpu.memref_squeeze %dma_start3A_291 : memref<1x1x40xi32, #tpu.memory_space<hbm>> -> memref<40xi32, #tpu.memory_space<hbm>>
        %dma_start3A_293 = tpu.memref_slice %arg18[%dma_start3A_289] : memref<4x!tpu.dma_semaphore, #tpu.memory_space<semaphore_mem>> -> memref<1x!tpu.dma_semaphore, #tpu.memory_space<semaphore_mem>>
        %dma_start3A_294 = tpu.memref_squeeze %dma_start3A_293 : memref<1x!tpu.dma_semaphore, #tpu.memory_space<semaphore_mem>> -> memref<!tpu.dma_semaphore, #tpu.memory_space<semaphore_mem>>
        %dma_start3A_295 = arith.constant 0 : i32
        %dma_start3A_296 = tpu.memref_slice %arg4[%add3A, %add3A_279, %dma_start3A_295] : memref<32x252x40xi32, #tpu.memory_space<hbm>> -> memref<1x1x40xi32, #tpu.memory_space<hbm>>
        %dma_start3A_297 = tpu.memref_squeeze %dma_start3A_296 : memref<1x1x40xi32, #tpu.memory_space<hbm>> -> memref<40xi32, #tpu.memory_space<hbm>>
        tpu.enqueue_dma source(%dma_start3A_297 : memref<40xi32, #tpu.memory_space<hbm>>) target(%arg12 : memref<40xi32, #tpu.memory_space<vmem>>) target_semaphore(%dma_start3A_294 : memref<!tpu.dma_semaphore, #tpu.memory_space<semaphore_mem>>)
      } else {
      }
      %mul3A_202 = arith.constant 4 : i32
      %mul3A_203 = arith.muli %scan3A_128, %mul3A_202 : i32
      %add3A_204 = arith.constant 2 : i32
      %add3A_205 = arith.addi %mul3A_203, %add3A_204 : i32
      %dma_wait3A_206 = arith.constant 0 : i32
      %dma_wait3A_207 = arith.constant 0 : i32
      %dma_wait3A_208 = arith.constant 0 : i32
      %dma_wait3A_209 = tpu.memref_slice %arg2[%dma_wait3A_207, %dma_wait3A_208] : memref<10000x128xf32, #tpu.memory_space<hbm>> -> memref<40x128xf32, #tpu.memory_space<hbm>>
      %dma_wait3A_210 = tpu.memref_slice %arg19[%dma_wait3A_206] : memref<2x!tpu.dma_semaphore, #tpu.memory_space<semaphore_mem>> -> memref<1x!tpu.dma_semaphore, #tpu.memory_space<semaphore_mem>>
      %dma_wait3A_211 = tpu.memref_squeeze %dma_wait3A_210 : memref<1x!tpu.dma_semaphore, #tpu.memory_space<semaphore_mem>> -> memref<!tpu.dma_semaphore, #tpu.memory_space<semaphore_mem>>
      %dma_wait3A_212 = arith.constant 0 : i32
      %dma_wait3A_213 = arith.constant 0 : i32
      %dma_wait3A_214 = tpu.memref_slice %arg2[%dma_wait3A_212, %dma_wait3A_213] : memref<10000x128xf32, #tpu.memory_space<hbm>> -> memref<40x128xf32, #tpu.memory_space<hbm>>
      tpu.wait_dma2 semaphore(%dma_wait3A_211 : memref<!tpu.dma_semaphore, #tpu.memory_space<semaphore_mem>>) src(%dma_wait3A_214 : memref<40x128xf32, #tpu.memory_space<hbm>>) dst(%arg15 : memref<40x128xf32, #tpu.memory_space<vmem>>)
      %dma_wait3A_215 = arith.constant 0 : i32
      %dma_wait3A_216 = arith.constant 0 : i32
      %dma_wait3A_217 = arith.constant 2 : i32
      %dma_wait3A_218 = arith.constant 0 : i32
      %dma_wait3A_219 = tpu.memref_slice %arg3[%dma_wait3A_215, %dma_wait3A_216, %dma_wait3A_218] : memref<32x252x40xi32, #tpu.memory_space<hbm>> -> memref<1x1x40xi32, #tpu.memory_space<hbm>>
      %dma_wait3A_220 = tpu.memref_squeeze %dma_wait3A_219 : memref<1x1x40xi32, #tpu.memory_space<hbm>> -> memref<40xi32, #tpu.memory_space<hbm>>
      %dma_wait3A_221 = tpu.memref_slice %arg18[%dma_wait3A_217] : memref<4x!tpu.dma_semaphore, #tpu.memory_space<semaphore_mem>> -> memref<1x!tpu.dma_semaphore, #tpu.memory_space<semaphore_mem>>
      %dma_wait3A_222 = tpu.memref_squeeze %dma_wait3A_221 : memref<1x!tpu.dma_semaphore, #tpu.memory_space<semaphore_mem>> -> memref<!tpu.dma_semaphore, #tpu.memory_space<semaphore_mem>>
      %dma_wait3A_223 = arith.constant 0 : i32
      %dma_wait3A_224 = tpu.memref_slice %arg3[%dma_wait3A_215, %dma_wait3A_216, %dma_wait3A_223] : memref<32x252x40xi32, #tpu.memory_space<hbm>> -> memref<1x1x40xi32, #tpu.memory_space<hbm>>
      %dma_wait3A_225 = tpu.memref_squeeze %dma_wait3A_224 : memref<1x1x40xi32, #tpu.memory_space<hbm>> -> memref<40xi32, #tpu.memory_space<hbm>>
      tpu.wait_dma2 semaphore(%dma_wait3A_222 : memref<!tpu.dma_semaphore, #tpu.memory_space<semaphore_mem>>) src(%dma_wait3A_225 : memref<40xi32, #tpu.memory_space<hbm>>) dst(%arg13 : memref<40xi32, #tpu.memory_space<vmem>>)
      "tpu.region"() ({
        %run_scoped3A = tpu.sem_alloc : memref<!tpu.dma_semaphore, #tpu.memory_space<semaphore_mem>>
        %dma_start3A_278 = arith.constant 0 : i32
        %dma_start3A_279 = arith.constant 0 : i32
        %dma_start3A_280 = tpu.memref_slice %arg20[%dma_start3A_278, %dma_start3A_279] : memref<10112x128xf32, #tpu.memory_space<vmem_shared>> -> memref<10112x128xf32, #tpu.memory_space<vmem_shared>>
        tpu.enqueue_indirect_dma source(%arg15 : memref<40x128xf32, #tpu.memory_space<vmem>>) target(%dma_start3A_280 : memref<10112x128xf32, #tpu.memory_space<vmem_shared>>) offsets(%arg13 : memref<40xi32, #tpu.memory_space<vmem>>) semaphore(%run_scoped3A : memref<!tpu.dma_semaphore, #tpu.memory_space<semaphore_mem>>) {add = true}
        %dma_wait3A_281 = arith.constant 0 : i32
        %dma_wait3A_282 = arith.constant 0 : i32
        %dma_wait3A_283 = tpu.memref_slice %arg20[%dma_wait3A_281, %dma_wait3A_282] : memref<10112x128xf32, #tpu.memory_space<vmem_shared>> -> memref<10112x128xf32, #tpu.memory_space<vmem_shared>>
        tpu.wait_indirect_dma semaphore(%run_scoped3A : memref<!tpu.dma_semaphore, #tpu.memory_space<semaphore_mem>>) src(%arg15 : memref<40x128xf32, #tpu.memory_space<vmem>>) dst(%dma_wait3A_283 : memref<10112x128xf32, #tpu.memory_space<vmem_shared>>)
        tpu.yield
      }) : () -> ()
      %add3A_226 = arith.constant 2 : i32
      %add3A_227 = arith.addi %add3A_205, %add3A_226 : i32
      %lt3A_228 = arith.constant 252 : i32
      %lt3A_229 = arith.cmpi slt, %add3A_227, %lt3A_228 : i32
      %convert_element_type3A_230 = arith.extui %lt3A_229 : i1 to i32
      %cond3A_231 = arith.constant 0 : i32
      %cond3A_232 = arith.cmpi ne, %convert_element_type3A_230, %cond3A_231 : i32
      scf.if %cond3A_232 {
        %add3A_278 = arith.constant 2 : i32
        %add3A_279 = arith.addi %add3A_205, %add3A_278 : i32
        %dma_wait3A_280 = arith.constant 0 : i32
        %dma_wait3A_281 = arith.constant 0 : i32
        %dma_wait3A_282 = arith.constant 0 : i32
        %dma_wait3A_283 = arith.constant 0 : i32
        %dma_wait3A_284 = tpu.memref_slice %arg3[%dma_wait3A_280, %dma_wait3A_281, %dma_wait3A_283] : memref<32x252x40xi32, #tpu.memory_space<hbm>> -> memref<1x1x40xi32, #tpu.memory_space<hbm>>
        %dma_wait3A_285 = tpu.memref_squeeze %dma_wait3A_284 : memref<1x1x40xi32, #tpu.memory_space<hbm>> -> memref<40xi32, #tpu.memory_space<hbm>>
        %dma_wait3A_286 = tpu.memref_slice %arg17[%dma_wait3A_282] : memref<4x!tpu.dma_semaphore, #tpu.memory_space<semaphore_mem>> -> memref<1x!tpu.dma_semaphore, #tpu.memory_space<semaphore_mem>>
        %dma_wait3A_287 = tpu.memref_squeeze %dma_wait3A_286 : memref<1x!tpu.dma_semaphore, #tpu.memory_space<semaphore_mem>> -> memref<!tpu.dma_semaphore, #tpu.memory_space<semaphore_mem>>
        %dma_wait3A_288 = arith.constant 0 : i32
        %dma_wait3A_289 = tpu.memref_slice %arg3[%dma_wait3A_280, %dma_wait3A_281, %dma_wait3A_288] : memref<32x252x40xi32, #tpu.memory_space<hbm>> -> memref<1x1x40xi32, #tpu.memory_space<hbm>>
        %dma_wait3A_290 = tpu.memref_squeeze %dma_wait3A_289 : memref<1x1x40xi32, #tpu.memory_space<hbm>> -> memref<40xi32, #tpu.memory_space<hbm>>
        tpu.wait_dma2 semaphore(%dma_wait3A_287 : memref<!tpu.dma_semaphore, #tpu.memory_space<semaphore_mem>>) src(%dma_wait3A_290 : memref<40xi32, #tpu.memory_space<hbm>>) dst(%arg7 : memref<40xi32, #tpu.memory_space<vmem>>)
        %dma_start3A_291 = arith.constant 0 : i32
        %dma_start3A_292 = arith.constant 0 : i32
        %dma_start3A_293 = arith.constant 0 : i32
        %dma_start3A_294 = tpu.memref_slice %arg2[%dma_start3A_292, %dma_start3A_293] : memref<10000x128xf32, #tpu.memory_space<hbm>> -> memref<10000x128xf32, #tpu.memory_space<hbm>>
        %dma_start3A_295 = tpu.memref_slice %arg19[%dma_start3A_291] : memref<2x!tpu.dma_semaphore, #tpu.memory_space<semaphore_mem>> -> memref<1x!tpu.dma_semaphore, #tpu.memory_space<semaphore_mem>>
        %dma_start3A_296 = tpu.memref_squeeze %dma_start3A_295 : memref<1x!tpu.dma_semaphore, #tpu.memory_space<semaphore_mem>> -> memref<!tpu.dma_semaphore, #tpu.memory_space<semaphore_mem>>
        tpu.enqueue_indirect_dma source(%dma_start3A_294 : memref<10000x128xf32, #tpu.memory_space<hbm>>) target(%arg15 : memref<40x128xf32, #tpu.memory_space<vmem>>) offsets(%arg7 : memref<40xi32, #tpu.memory_space<vmem>>) semaphore(%dma_start3A_296 : memref<!tpu.dma_semaphore, #tpu.memory_space<semaphore_mem>>)
      } else {
      }
      %add3A_233 = arith.constant 4 : i32
      %add3A_234 = arith.addi %add3A_205, %add3A_233 : i32
      %lt3A_235 = arith.constant 252 : i32
      %lt3A_236 = arith.cmpi slt, %add3A_234, %lt3A_235 : i32
      %convert_element_type3A_237 = arith.extui %lt3A_236 : i1 to i32
      %cond3A_238 = arith.constant 0 : i32
      %cond3A_239 = arith.cmpi ne, %convert_element_type3A_237, %cond3A_238 : i32
      scf.if %cond3A_239 {
        %add3A_278 = arith.constant 4 : i32
        %add3A_279 = arith.addi %add3A_205, %add3A_278 : i32
        %dma_start3A_280 = arith.constant 2 : i32
        %dma_start3A_281 = arith.constant 0 : i32
        %dma_start3A_282 = tpu.memref_slice %arg3[%add3A, %add3A_279, %dma_start3A_281] : memref<32x252x40xi32, #tpu.memory_space<hbm>> -> memref<1x1x40xi32, #tpu.memory_space<hbm>>
        %dma_start3A_283 = tpu.memref_squeeze %dma_start3A_282 : memref<1x1x40xi32, #tpu.memory_space<hbm>> -> memref<40xi32, #tpu.memory_space<hbm>>
        %dma_start3A_284 = tpu.memref_slice %arg17[%dma_start3A_280] : memref<4x!tpu.dma_semaphore, #tpu.memory_space<semaphore_mem>> -> memref<1x!tpu.dma_semaphore, #tpu.memory_space<semaphore_mem>>
        %dma_start3A_285 = tpu.memref_squeeze %dma_start3A_284 : memref<1x!tpu.dma_semaphore, #tpu.memory_space<semaphore_mem>> -> memref<!tpu.dma_semaphore, #tpu.memory_space<semaphore_mem>>
        %dma_start3A_286 = arith.constant 0 : i32
        %dma_start3A_287 = tpu.memref_slice %arg3[%add3A, %add3A_279, %dma_start3A_286] : memref<32x252x40xi32, #tpu.memory_space<hbm>> -> memref<1x1x40xi32, #tpu.memory_space<hbm>>
        %dma_start3A_288 = tpu.memref_squeeze %dma_start3A_287 : memref<1x1x40xi32, #tpu.memory_space<hbm>> -> memref<40xi32, #tpu.memory_space<hbm>>
        tpu.enqueue_dma source(%dma_start3A_288 : memref<40xi32, #tpu.memory_space<hbm>>) target(%arg9 : memref<40xi32, #tpu.memory_space<vmem>>) target_semaphore(%dma_start3A_285 : memref<!tpu.dma_semaphore, #tpu.memory_space<semaphore_mem>>)
        %dma_start3A_289 = arith.constant 2 : i32
        %dma_start3A_290 = arith.constant 0 : i32
        %dma_start3A_291 = tpu.memref_slice %arg4[%add3A, %add3A_279, %dma_start3A_290] : memref<32x252x40xi32, #tpu.memory_space<hbm>> -> memref<1x1x40xi32, #tpu.memory_space<hbm>>
        %dma_start3A_292 = tpu.memref_squeeze %dma_start3A_291 : memref<1x1x40xi32, #tpu.memory_space<hbm>> -> memref<40xi32, #tpu.memory_space<hbm>>
        %dma_start3A_293 = tpu.memref_slice %arg18[%dma_start3A_289] : memref<4x!tpu.dma_semaphore, #tpu.memory_space<semaphore_mem>> -> memref<1x!tpu.dma_semaphore, #tpu.memory_space<semaphore_mem>>
        %dma_start3A_294 = tpu.memref_squeeze %dma_start3A_293 : memref<1x!tpu.dma_semaphore, #tpu.memory_space<semaphore_mem>> -> memref<!tpu.dma_semaphore, #tpu.memory_space<semaphore_mem>>
        %dma_start3A_295 = arith.constant 0 : i32
        %dma_start3A_296 = tpu.memref_slice %arg4[%add3A, %add3A_279, %dma_start3A_295] : memref<32x252x40xi32, #tpu.memory_space<hbm>> -> memref<1x1x40xi32, #tpu.memory_space<hbm>>
        %dma_start3A_297 = tpu.memref_squeeze %dma_start3A_296 : memref<1x1x40xi32, #tpu.memory_space<hbm>> -> memref<40xi32, #tpu.memory_space<hbm>>
        tpu.enqueue_dma source(%dma_start3A_297 : memref<40xi32, #tpu.memory_space<hbm>>) target(%arg13 : memref<40xi32, #tpu.memory_space<vmem>>) target_semaphore(%dma_start3A_294 : memref<!tpu.dma_semaphore, #tpu.memory_space<semaphore_mem>>)
      } else {
      }
      %mul3A_240 = arith.constant 4 : i32
      %mul3A_241 = arith.muli %scan3A_128, %mul3A_240 : i32
      %add3A_242 = arith.constant 3 : i32
      %add3A_243 = arith.addi %mul3A_241, %add3A_242 : i32
      %dma_wait3A_244 = arith.constant 1 : i32
      %dma_wait3A_245 = arith.constant 0 : i32
      %dma_wait3A_246 = arith.constant 0 : i32
      %dma_wait3A_247 = tpu.memref_slice %arg2[%dma_wait3A_245, %dma_wait3A_246] : memref<10000x128xf32, #tpu.memory_space<hbm>> -> memref<40x128xf32, #tpu.memory_space<hbm>>
      %dma_wait3A_248 = tpu.memref_slice %arg19[%dma_wait3A_244] : memref<2x!tpu.dma_semaphore, #tpu.memory_space<semaphore_mem>> -> memref<1x!tpu.dma_semaphore, #tpu.memory_space<semaphore_mem>>
      %dma_wait3A_249 = tpu.memref_squeeze %dma_wait3A_248 : memref<1x!tpu.dma_semaphore, #tpu.memory_space<semaphore_mem>> -> memref<!tpu.dma_semaphore, #tpu.memory_space<semaphore_mem>>
      %dma_wait3A_250 = arith.constant 0 : i32
      %dma_wait3A_251 = arith.constant 0 : i32
      %dma_wait3A_252 = tpu.memref_slice %arg2[%dma_wait3A_250, %dma_wait3A_251] : memref<10000x128xf32, #tpu.memory_space<hbm>> -> memref<40x128xf32, #tpu.memory_space<hbm>>
      tpu.wait_dma2 semaphore(%dma_wait3A_249 : memref<!tpu.dma_semaphore, #tpu.memory_space<semaphore_mem>>) src(%dma_wait3A_252 : memref<40x128xf32, #tpu.memory_space<hbm>>) dst(%arg16 : memref<40x128xf32, #tpu.memory_space<vmem>>)
      %dma_wait3A_253 = arith.constant 0 : i32
      %dma_wait3A_254 = arith.constant 0 : i32
      %dma_wait3A_255 = arith.constant 3 : i32
      %dma_wait3A_256 = arith.constant 0 : i32
      %dma_wait3A_257 = tpu.memref_slice %arg3[%dma_wait3A_253, %dma_wait3A_254, %dma_wait3A_256] : memref<32x252x40xi32, #tpu.memory_space<hbm>> -> memref<1x1x40xi32, #tpu.memory_space<hbm>>
      %dma_wait3A_258 = tpu.memref_squeeze %dma_wait3A_257 : memref<1x1x40xi32, #tpu.memory_space<hbm>> -> memref<40xi32, #tpu.memory_space<hbm>>
      %dma_wait3A_259 = tpu.memref_slice %arg18[%dma_wait3A_255] : memref<4x!tpu.dma_semaphore, #tpu.memory_space<semaphore_mem>> -> memref<1x!tpu.dma_semaphore, #tpu.memory_space<semaphore_mem>>
      %dma_wait3A_260 = tpu.memref_squeeze %dma_wait3A_259 : memref<1x!tpu.dma_semaphore, #tpu.memory_space<semaphore_mem>> -> memref<!tpu.dma_semaphore, #tpu.memory_space<semaphore_mem>>
      %dma_wait3A_261 = arith.constant 0 : i32
      %dma_wait3A_262 = tpu.memref_slice %arg3[%dma_wait3A_253, %dma_wait3A_254, %dma_wait3A_261] : memref<32x252x40xi32, #tpu.memory_space<hbm>> -> memref<1x1x40xi32, #tpu.memory_space<hbm>>
      %dma_wait3A_263 = tpu.memref_squeeze %dma_wait3A_262 : memref<1x1x40xi32, #tpu.memory_space<hbm>> -> memref<40xi32, #tpu.memory_space<hbm>>
      tpu.wait_dma2 semaphore(%dma_wait3A_260 : memref<!tpu.dma_semaphore, #tpu.memory_space<semaphore_mem>>) src(%dma_wait3A_263 : memref<40xi32, #tpu.memory_space<hbm>>) dst(%arg14 : memref<40xi32, #tpu.memory_space<vmem>>)
      "tpu.region"() ({
        %run_scoped3A = tpu.sem_alloc : memref<!tpu.dma_semaphore, #tpu.memory_space<semaphore_mem>>
        %dma_start3A_278 = arith.constant 0 : i32
        %dma_start3A_279 = arith.constant 0 : i32
        %dma_start3A_280 = tpu.memref_slice %arg20[%dma_start3A_278, %dma_start3A_279] : memref<10112x128xf32, #tpu.memory_space<vmem_shared>> -> memref<10112x128xf32, #tpu.memory_space<vmem_shared>>
        tpu.enqueue_indirect_dma source(%arg16 : memref<40x128xf32, #tpu.memory_space<vmem>>) target(%dma_start3A_280 : memref<10112x128xf32, #tpu.memory_space<vmem_shared>>) offsets(%arg14 : memref<40xi32, #tpu.memory_space<vmem>>) semaphore(%run_scoped3A : memref<!tpu.dma_semaphore, #tpu.memory_space<semaphore_mem>>) {add = true}
        %dma_wait3A_281 = arith.constant 0 : i32
        %dma_wait3A_282 = arith.constant 0 : i32
        %dma_wait3A_283 = tpu.memref_slice %arg20[%dma_wait3A_281, %dma_wait3A_282] : memref<10112x128xf32, #tpu.memory_space<vmem_shared>> -> memref<10112x128xf32, #tpu.memory_space<vmem_shared>>
        tpu.wait_indirect_dma semaphore(%run_scoped3A : memref<!tpu.dma_semaphore, #tpu.memory_space<semaphore_mem>>) src(%arg16 : memref<40x128xf32, #tpu.memory_space<vmem>>) dst(%dma_wait3A_283 : memref<10112x128xf32, #tpu.memory_space<vmem_shared>>)
        tpu.yield
      }) : () -> ()
      %add3A_264 = arith.constant 2 : i32
      %add3A_265 = arith.addi %add3A_243, %add3A_264 : i32
      %lt3A_266 = arith.constant 252 : i32
      %lt3A_267 = arith.cmpi slt, %add3A_265, %lt3A_266 : i32
      %convert_element_type3A_268 = arith.extui %lt3A_267 : i1 to i32
      %cond3A_269 = arith.constant 0 : i32
      %cond3A_270 = arith.cmpi ne, %convert_element_type3A_268, %cond3A_269 : i32
      scf.if %cond3A_270 {
        %add3A_278 = arith.constant 2 : i32
        %add3A_279 = arith.addi %add3A_243, %add3A_278 : i32
        %dma_wait3A_280 = arith.constant 0 : i32
        %dma_wait3A_281 = arith.constant 0 : i32
        %dma_wait3A_282 = arith.constant 1 : i32
        %dma_wait3A_283 = arith.constant 0 : i32
        %dma_wait3A_284 = tpu.memref_slice %arg3[%dma_wait3A_280, %dma_wait3A_281, %dma_wait3A_283] : memref<32x252x40xi32, #tpu.memory_space<hbm>> -> memref<1x1x40xi32, #tpu.memory_space<hbm>>
        %dma_wait3A_285 = tpu.memref_squeeze %dma_wait3A_284 : memref<1x1x40xi32, #tpu.memory_space<hbm>> -> memref<40xi32, #tpu.memory_space<hbm>>
        %dma_wait3A_286 = tpu.memref_slice %arg17[%dma_wait3A_282] : memref<4x!tpu.dma_semaphore, #tpu.memory_space<semaphore_mem>> -> memref<1x!tpu.dma_semaphore, #tpu.memory_space<semaphore_mem>>
        %dma_wait3A_287 = tpu.memref_squeeze %dma_wait3A_286 : memref<1x!tpu.dma_semaphore, #tpu.memory_space<semaphore_mem>> -> memref<!tpu.dma_semaphore, #tpu.memory_space<semaphore_mem>>
        %dma_wait3A_288 = arith.constant 0 : i32
        %dma_wait3A_289 = tpu.memref_slice %arg3[%dma_wait3A_280, %dma_wait3A_281, %dma_wait3A_288] : memref<32x252x40xi32, #tpu.memory_space<hbm>> -> memref<1x1x40xi32, #tpu.memory_space<hbm>>
        %dma_wait3A_290 = tpu.memref_squeeze %dma_wait3A_289 : memref<1x1x40xi32, #tpu.memory_space<hbm>> -> memref<40xi32, #tpu.memory_space<hbm>>
        tpu.wait_dma2 semaphore(%dma_wait3A_287 : memref<!tpu.dma_semaphore, #tpu.memory_space<semaphore_mem>>) src(%dma_wait3A_290 : memref<40xi32, #tpu.memory_space<hbm>>) dst(%arg8 : memref<40xi32, #tpu.memory_space<vmem>>)
        %dma_start3A_291 = arith.constant 1 : i32
        %dma_start3A_292 = arith.constant 0 : i32
        %dma_start3A_293 = arith.constant 0 : i32
        %dma_start3A_294 = tpu.memref_slice %arg2[%dma_start3A_292, %dma_start3A_293] : memref<10000x128xf32, #tpu.memory_space<hbm>> -> memref<10000x128xf32, #tpu.memory_space<hbm>>
        %dma_start3A_295 = tpu.memref_slice %arg19[%dma_start3A_291] : memref<2x!tpu.dma_semaphore, #tpu.memory_space<semaphore_mem>> -> memref<1x!tpu.dma_semaphore, #tpu.memory_space<semaphore_mem>>
        %dma_start3A_296 = tpu.memref_squeeze %dma_start3A_295 : memref<1x!tpu.dma_semaphore, #tpu.memory_space<semaphore_mem>> -> memref<!tpu.dma_semaphore, #tpu.memory_space<semaphore_mem>>
        tpu.enqueue_indirect_dma source(%dma_start3A_294 : memref<10000x128xf32, #tpu.memory_space<hbm>>) target(%arg16 : memref<40x128xf32, #tpu.memory_space<vmem>>) offsets(%arg8 : memref<40xi32, #tpu.memory_space<vmem>>) semaphore(%dma_start3A_296 : memref<!tpu.dma_semaphore, #tpu.memory_space<semaphore_mem>>)
      } else {
      }
      %add3A_271 = arith.constant 4 : i32
      %add3A_272 = arith.addi %add3A_243, %add3A_271 : i32
      %lt3A_273 = arith.constant 252 : i32
      %lt3A_274 = arith.cmpi slt, %add3A_272, %lt3A_273 : i32
      %convert_element_type3A_275 = arith.extui %lt3A_274 : i1 to i32
      %cond3A_276 = arith.constant 0 : i32
      %cond3A_277 = arith.cmpi ne, %convert_element_type3A_275, %cond3A_276 : i32
      scf.if %cond3A_277 {
        %add3A_278 = arith.constant 4 : i32
        %add3A_279 = arith.addi %add3A_243, %add3A_278 : i32
        %dma_start3A_280 = arith.constant 3 : i32
        %dma_start3A_281 = arith.constant 0 : i32
        %dma_start3A_282 = tpu.memref_slice %arg3[%add3A, %add3A_279, %dma_start3A_281] : memref<32x252x40xi32, #tpu.memory_space<hbm>> -> memref<1x1x40xi32, #tpu.memory_space<hbm>>
        %dma_start3A_283 = tpu.memref_squeeze %dma_start3A_282 : memref<1x1x40xi32, #tpu.memory_space<hbm>> -> memref<40xi32, #tpu.memory_space<hbm>>
        %dma_start3A_284 = tpu.memref_slice %arg17[%dma_start3A_280] : memref<4x!tpu.dma_semaphore, #tpu.memory_space<semaphore_mem>> -> memref<1x!tpu.dma_semaphore, #tpu.memory_space<semaphore_mem>>
        %dma_start3A_285 = tpu.memref_squeeze %dma_start3A_284 : memref<1x!tpu.dma_semaphore, #tpu.memory_space<semaphore_mem>> -> memref<!tpu.dma_semaphore, #tpu.memory_space<semaphore_mem>>
        %dma_start3A_286 = arith.constant 0 : i32
        %dma_start3A_287 = tpu.memref_slice %arg3[%add3A, %add3A_279, %dma_start3A_286] : memref<32x252x40xi32, #tpu.memory_space<hbm>> -> memref<1x1x40xi32, #tpu.memory_space<hbm>>
        %dma_start3A_288 = tpu.memref_squeeze %dma_start3A_287 : memref<1x1x40xi32, #tpu.memory_space<hbm>> -> memref<40xi32, #tpu.memory_space<hbm>>
        tpu.enqueue_dma source(%dma_start3A_288 : memref<40xi32, #tpu.memory_space<hbm>>) target(%arg10 : memref<40xi32, #tpu.memory_space<vmem>>) target_semaphore(%dma_start3A_285 : memref<!tpu.dma_semaphore, #tpu.memory_space<semaphore_mem>>)
        %dma_start3A_289 = arith.constant 3 : i32
        %dma_start3A_290 = arith.constant 0 : i32
        %dma_start3A_291 = tpu.memref_slice %arg4[%add3A, %add3A_279, %dma_start3A_290] : memref<32x252x40xi32, #tpu.memory_space<hbm>> -> memref<1x1x40xi32, #tpu.memory_space<hbm>>
        %dma_start3A_292 = tpu.memref_squeeze %dma_start3A_291 : memref<1x1x40xi32, #tpu.memory_space<hbm>> -> memref<40xi32, #tpu.memory_space<hbm>>
        %dma_start3A_293 = tpu.memref_slice %arg18[%dma_start3A_289] : memref<4x!tpu.dma_semaphore, #tpu.memory_space<semaphore_mem>> -> memref<1x!tpu.dma_semaphore, #tpu.memory_space<semaphore_mem>>
        %dma_start3A_294 = tpu.memref_squeeze %dma_start3A_293 : memref<1x!tpu.dma_semaphore, #tpu.memory_space<semaphore_mem>> -> memref<!tpu.dma_semaphore, #tpu.memory_space<semaphore_mem>>
        %dma_start3A_295 = arith.constant 0 : i32
        %dma_start3A_296 = tpu.memref_slice %arg4[%add3A, %add3A_279, %dma_start3A_295] : memref<32x252x40xi32, #tpu.memory_space<hbm>> -> memref<1x1x40xi32, #tpu.memory_space<hbm>>
        %dma_start3A_297 = tpu.memref_squeeze %dma_start3A_296 : memref<1x1x40xi32, #tpu.memory_space<hbm>> -> memref<40xi32, #tpu.memory_space<hbm>>
        tpu.enqueue_dma source(%dma_start3A_297 : memref<40xi32, #tpu.memory_space<hbm>>) target(%arg14 : memref<40xi32, #tpu.memory_space<vmem>>) target_semaphore(%dma_start3A_294 : memref<!tpu.dma_semaphore, #tpu.memory_space<semaphore_mem>>)
      } else {
      }
    }
    %scan3A_119 = arith.constant 63 : i32
    %barrier3A_120 = arith.constant 0 : index
    tpu.barrier barrier_id(%barrier3A_120)
    %mul3A_121 = arith.constant 632 : i32
    %mul3A_122 = arith.muli %arg1, %mul3A_121 : i32
    %mul3A_123 = arith.constant 10112 : i32
    %mul3A_124 = arith.muli %arg0, %mul3A_123 : i32
    %mul3A_125 = arith.constant 632 : i32
    %mul3A_126 = arith.muli %arg1, %mul3A_125 : i32
    %add3A_127 = arith.addi %mul3A_124, %mul3A_126 : i32
    "tpu.region"() ({
      %run_scoped3A = tpu.sem_alloc : memref<!tpu.dma_semaphore, #tpu.memory_space<semaphore_mem>>
      %dma_start3A_128 = arith.constant 0 : i32
      %dma_start3A_129 = tpu.memref_slice %arg6[%add3A_127, %dma_start3A_128] : memref<20224x128xf32, #tpu.memory_space<hbm>> -> memref<632x128xf32, #tpu.memory_space<hbm>>
      %dma_start3A_130 = arith.constant 0 : i32
      %dma_start3A_131 = tpu.memref_slice %arg20[%mul3A_122, %dma_start3A_130] : memref<10112x128xf32, #tpu.memory_space<vmem_shared>> -> memref<632x128xf32, #tpu.memory_space<vmem_shared>>
      tpu.enqueue_dma source(%dma_start3A_131 : memref<632x128xf32, #tpu.memory_space<vmem_shared>>) target(%dma_start3A_129 : memref<632x128xf32, #tpu.memory_space<hbm>>) target_semaphore(%run_scoped3A : memref<!tpu.dma_semaphore, #tpu.memory_space<semaphore_mem>>)
      %dma_wait3A_132 = arith.constant 0 : i32
      %dma_wait3A_133 = tpu.memref_slice %arg6[%add3A_127, %dma_wait3A_132] : memref<20224x128xf32, #tpu.memory_space<hbm>> -> memref<632x128xf32, #tpu.memory_space<hbm>>
      %dma_wait3A_134 = arith.constant 0 : i32
      %dma_wait3A_135 = tpu.memref_slice %arg20[%mul3A_122, %dma_wait3A_134] : memref<10112x128xf32, #tpu.memory_space<vmem_shared>> -> memref<632x128xf32, #tpu.memory_space<vmem_shared>>
      tpu.wait_dma2 semaphore(%run_scoped3A : memref<!tpu.dma_semaphore, #tpu.memory_space<semaphore_mem>>) src(%dma_wait3A_135 : memref<632x128xf32, #tpu.memory_space<vmem_shared>>) dst(%dma_wait3A_133 : memref<632x128xf32, #tpu.memory_space<hbm>>)
      tpu.yield
    }) : () -> ()
    return
  }
}

module attributes {stable_mosaic.version = 14 : i64} {
  func.func @_mm_body(%arg0: i32, %arg1: memref<1000x128xf32, #tpu.memory_space<vmem>>, %arg2: memref<128x128xf32, #tpu.memory_space<vmem>>, %arg3: memref<1000x128xf32, #tpu.memory_space<vmem>>) attributes {dimension_semantics = [#tpu.dimension_semantics<arbitrary>], iteration_bounds = array<i64: 10>, scalar_prefetch = 0 : i64, scratch_operands = 0 : i64, tpu.core_type = #tpu.core_type<tc>, window_params = [{transform_indices = @transform_0, window_bounds = array<i64: 1000, 128>}, {pipeline_mode = #tpu.pipeline_mode<synchronous>, transform_indices = @transform_1, window_bounds = array<i64: 128, 128>}, {transform_indices = @transform_2, window_bounds = array<i64: 1000, 128>}]} {
    %get3A = arith.constant 0 : index
    %get3A_0 = arith.constant 0 : index
    %get3A_1 = vector.load %arg1[%get3A, %get3A_0] : memref<1000x128xf32, #tpu.memory_space<vmem>>, vector<1000x128xf32>
    %get3A_2 = arith.constant 0 : index
    %get3A_3 = arith.constant 0 : index
    %get3A_4 = vector.load %arg2[%get3A_2, %get3A_3] : memref<128x128xf32, #tpu.memory_space<vmem>>, vector<128x128xf32>
    %dot_general3A = arith.constant dense<0.000000e+00> : vector<1000x128xf32>
    %dot_general3A_5 = tpu.matmul %get3A_1, %get3A_4, %dot_general3A {dimension_numbers = #tpu.dot_dimension_numbers<[1], [0], [0], [1], [0, 0, 1, 1], [], []>, transpose_lhs_hint = false} : vector<1000x128xf32>, vector<128x128xf32>, vector<1000x128xf32> -> vector<1000x128xf32>
    %swap3A = arith.constant 0 : index
    %swap3A_6 = arith.constant 0 : index
    %swap3A_7 = vector.load %arg3[%swap3A, %swap3A_6] : memref<1000x128xf32, #tpu.memory_space<vmem>>, vector<1000x128xf32>
    tpu.vector_store %arg3[%swap3A, %swap3A_6], %dot_general3A_5 {strides = array<i32>} : memref<1000x128xf32, #tpu.memory_space<vmem>>, vector<1000x128xf32>,
    return
  }
  func.func @transform_0(%arg0: i32) -> (i32, i32) {
    %c0_i32 = arith.constant 0 : i32
    %c0_i32_0 = arith.constant 0 : i32
    return %arg0, %c0_i32 : i32, i32
  }
  func.func @transform_1(%arg0: i32) -> (i32, i32) {
    %c0_i32 = arith.constant 0 : i32
    %c0_i32_0 = arith.constant 0 : i32
    %c0_i32_1 = arith.constant 0 : i32
    return %c0_i32, %c0_i32_0 : i32, i32
  }
  func.func @transform_2(%arg0: i32) -> (i32, i32) {
    %c0_i32 = arith.constant 0 : i32
    %c0_i32_0 = arith.constant 0 : i32
    return %arg0, %c0_i32 : i32, i32
  }
}

module attributes {stable_mosaic.version = 14 : i64} {
  func.func @_dinv_scale_body(%arg0: i32, %arg1: memref<2x1000x128xf32, #tpu.memory_space<vmem>>, %arg2: memref<1000x128xf32, #tpu.memory_space<vmem>>, %arg3: memref<1000x1xf32, #tpu.memory_space<vmem>>, %arg4: memref<1000x128xf32, #tpu.memory_space<vmem>>) attributes {dimension_semantics = [#tpu.dimension_semantics<arbitrary>], iteration_bounds = array<i64: 10>, scalar_prefetch = 0 : i64, scratch_operands = 0 : i64, tpu.core_type = #tpu.core_type<tc>, window_params = [{transform_indices = @transform_0, window_bounds = array<i64: 2, 1000, 128>}, {transform_indices = @transform_1, window_bounds = array<i64: 1000, 128>}, {transform_indices = @transform_2, window_bounds = array<i64: 1000, 1>}, {transform_indices = @transform_3, window_bounds = array<i64: 1000, 128>}]} {
    %get3A = arith.constant 0 : index
    %get3A_0 = arith.constant 0 : index
    %get3A_1 = arith.constant 0 : index
    %get3A_2 = vector.load %arg1[%get3A, %get3A_0, %get3A_1] : memref<2x1000x128xf32, #tpu.memory_space<vmem>>, vector<1x1000x1xf32>
    %get3A_3 = vector.shape_cast %get3A_2 : vector<1x1000x1xf32> to vector<1000xf32>
    %get3A_4 = arith.constant 1 : index
    %get3A_5 = arith.constant 0 : index
    %get3A_6 = arith.constant 0 : index
    %get3A_7 = vector.load %arg1[%get3A_4, %get3A_5, %get3A_6] : memref<2x1000x128xf32, #tpu.memory_space<vmem>>, vector<1x1000x1xf32>
    %get3A_8 = vector.shape_cast %get3A_7 : vector<1x1000x1xf32> to vector<1000xf32>
    %add3A = arith.addf %get3A_3, %get3A_8 : vector<1000xf32>
    %add3A_9 = arith.constant 1.000000e+00 : f32
    %add3A_10 = vector.broadcast %add3A_9 : f32 to vector<1000xf32>
    %add3A_11 = arith.addf %add3A, %add3A_10 : vector<1000xf32>
    %rsqrt3A = math.rsqrt %add3A_11 : vector<1000xf32>
    %broadcast_in_dim3A = vector.shape_cast %rsqrt3A : vector<1000xf32> to vector<1000x1xf32>
    %swap3A = arith.constant 0 : index
    %swap3A_12 = arith.constant 0 : index
    %swap3A_13 = vector.load %arg3[%swap3A, %swap3A_12] : memref<1000x1xf32, #tpu.memory_space<vmem>>, vector<1000x1xf32>
    tpu.vector_store %arg3[%swap3A, %swap3A_12], %broadcast_in_dim3A {strides = array<i32>} : memref<1000x1xf32, #tpu.memory_space<vmem>>, vector<1000x1xf32>,
    %get3A_14 = arith.constant 0 : index
    %get3A_15 = arith.constant 0 : index
    %get3A_16 = vector.load %arg2[%get3A_14, %get3A_15] : memref<1000x128xf32, #tpu.memory_space<vmem>>, vector<1000x128xf32>
    %broadcast_in_dim3A_17 = vector.shape_cast %rsqrt3A : vector<1000xf32> to vector<1000x1xf32>
    %mul3A = vector.broadcast %broadcast_in_dim3A_17 : vector<1000x1xf32> to vector<1000x128xf32>
    %mul3A_18 = arith.mulf %get3A_16, %mul3A : vector<1000x128xf32>
    %swap3A_19 = arith.constant 0 : index
    %swap3A_20 = arith.constant 0 : index
    %swap3A_21 = vector.load %arg4[%swap3A_19, %swap3A_20] : memref<1000x128xf32, #tpu.memory_space<vmem>>, vector<1000x128xf32>
    tpu.vector_store %arg4[%swap3A_19, %swap3A_20], %mul3A_18 {strides = array<i32>} : memref<1000x128xf32, #tpu.memory_space<vmem>>, vector<1000x128xf32>,
    return
  }
  func.func @transform_0(%arg0: i32) -> (i32, i32, i32) {
    %c0_i32 = arith.constant 0 : i32
    %c0_i32_0 = arith.constant 0 : i32
    %c0_i32_1 = arith.constant 0 : i32
    return %c0_i32, %arg0, %c0_i32_0 : i32, i32, i32
  }
  func.func @transform_1(%arg0: i32) -> (i32, i32) {
    %c0_i32 = arith.constant 0 : i32
    %c0_i32_0 = arith.constant 0 : i32
    return %arg0, %c0_i32 : i32, i32
  }
  func.func @transform_2(%arg0: i32) -> (i32, i32) {
    %c0_i32 = arith.constant 0 : i32
    %c0_i32_0 = arith.constant 0 : i32
    return %arg0, %c0_i32 : i32, i32
  }
  func.func @transform_3(%arg0: i32) -> (i32, i32) {
    %c0_i32 = arith.constant 0 : i32
    %c0_i32_0 = arith.constant 0 : i32
    return %arg0, %c0_i32 : i32, i32
  }
}

module attributes {stable_mosaic.version = 14 : i64} {
  func.func @_layer2_body(%arg0: i32, %arg1: memref<2x1000x128xf32, #tpu.memory_space<vmem>>, %arg2: memref<1000x128xf32, #tpu.memory_space<vmem>>, %arg3: memref<1000x1xf32, #tpu.memory_space<vmem>>, %arg4: memref<1x128xf32, #tpu.memory_space<vmem>>, %arg5: memref<128x128xf32, #tpu.memory_space<vmem>>, %arg6: memref<1000x128xf32, #tpu.memory_space<vmem>>) attributes {dimension_semantics = [#tpu.dimension_semantics<arbitrary>], iteration_bounds = array<i64: 10>, scalar_prefetch = 0 : i64, scratch_operands = 0 : i64, tpu.core_type = #tpu.core_type<tc>, window_params = [{transform_indices = @transform_0, window_bounds = array<i64: 2, 1000, 128>}, {transform_indices = @transform_1, window_bounds = array<i64: 1000, 128>}, {transform_indices = @transform_2, window_bounds = array<i64: 1000, 1>}, {pipeline_mode = #tpu.pipeline_mode<synchronous>, transform_indices = @transform_3, window_bounds = array<i64: 1, 128>}, {pipeline_mode = #tpu.pipeline_mode<synchronous>, transform_indices = @transform_4, window_bounds = array<i64: 128, 128>}, {transform_indices = @transform_5, window_bounds = array<i64: 1000, 128>}]} {
    %get3A = arith.constant 0 : index
    %get3A_0 = arith.constant 0 : index
    %get3A_1 = arith.constant 0 : index
    %get3A_2 = vector.load %arg1[%get3A, %get3A_0, %get3A_1] : memref<2x1000x128xf32, #tpu.memory_space<vmem>>, vector<1x1000x128xf32>
    %get3A_3 = vector.shape_cast %get3A_2 : vector<1x1000x128xf32> to vector<1000x128xf32>
    %get3A_4 = arith.constant 1 : index
    %get3A_5 = arith.constant 0 : index
    %get3A_6 = arith.constant 0 : index
    %get3A_7 = vector.load %arg1[%get3A_4, %get3A_5, %get3A_6] : memref<2x1000x128xf32, #tpu.memory_space<vmem>>, vector<1x1000x128xf32>
    %get3A_8 = vector.shape_cast %get3A_7 : vector<1x1000x128xf32> to vector<1000x128xf32>
    %add3A = arith.addf %get3A_3, %get3A_8 : vector<1000x128xf32>
    %get3A_9 = arith.constant 0 : index
    %get3A_10 = arith.constant 0 : index
    %get3A_11 = vector.load %arg2[%get3A_9, %get3A_10] : memref<1000x128xf32, #tpu.memory_space<vmem>>, vector<1000x128xf32>
    %add3A_12 = arith.addf %add3A, %get3A_11 : vector<1000x128xf32>
    %get3A_13 = arith.constant 0 : index
    %get3A_14 = arith.constant 0 : index
    %get3A_15 = vector.load %arg3[%get3A_13, %get3A_14] : memref<1000x1xf32, #tpu.memory_space<vmem>>, vector<1000x1xf32>
    %mul3A = vector.broadcast %get3A_15 : vector<1000x1xf32> to vector<1000x128xf32>
    %mul3A_16 = arith.mulf %add3A_12, %mul3A : vector<1000x128xf32>
    %get3A_17 = arith.constant 0 : index
    %get3A_18 = arith.constant 0 : index
    %get3A_19 = vector.load %arg4[%get3A_17, %get3A_18] : memref<1x128xf32, #tpu.memory_space<vmem>>, vector<1x128xf32>
    %add3A_20 = vector.broadcast %get3A_19 : vector<1x128xf32> to vector<1000x128xf32>
    %add3A_21 = arith.addf %mul3A_16, %add3A_20 : vector<1000x128xf32>
    %max3A = arith.constant 0.000000e+00 : f32
    %max3A_22 = vector.broadcast %max3A : f32 to vector<1000x128xf32>
    %max3A_23 = arith.maximumf %add3A_21, %max3A_22 : vector<1000x128xf32>
    %get3A_24 = arith.constant 0 : index
    %get3A_25 = arith.constant 0 : index
    %get3A_26 = vector.load %arg5[%get3A_24, %get3A_25] : memref<128x128xf32, #tpu.memory_space<vmem>>, vector<128x128xf32>
    %dot_general3A = arith.constant dense<0.000000e+00> : vector<1000x128xf32>
    %dot_general3A_27 = tpu.matmul %max3A_23, %get3A_26, %dot_general3A {dimension_numbers = #tpu.dot_dimension_numbers<[1], [0], [0], [1], [0, 0, 1, 1], [], []>, transpose_lhs_hint = false} : vector<1000x128xf32>, vector<128x128xf32>, vector<1000x128xf32> -> vector<1000x128xf32>
    %get3A_28 = arith.constant 0 : index
    %get3A_29 = arith.constant 0 : index
    %get3A_30 = vector.load %arg3[%get3A_28, %get3A_29] : memref<1000x1xf32, #tpu.memory_space<vmem>>, vector<1000x1xf32>
    %mul3A_31 = vector.broadcast %get3A_30 : vector<1000x1xf32> to vector<1000x128xf32>
    %mul3A_32 = arith.mulf %dot_general3A_27, %mul3A_31 : vector<1000x128xf32>
    %swap3A = arith.constant 0 : index
    %swap3A_33 = arith.constant 0 : index
    %swap3A_34 = vector.load %arg6[%swap3A, %swap3A_33] : memref<1000x128xf32, #tpu.memory_space<vmem>>, vector<1000x128xf32>
    tpu.vector_store %arg6[%swap3A, %swap3A_33], %mul3A_32 {strides = array<i32>} : memref<1000x128xf32, #tpu.memory_space<vmem>>, vector<1000x128xf32>,
    return
  }
  func.func @transform_0(%arg0: i32) -> (i32, i32, i32) {
    %c0_i32 = arith.constant 0 : i32
    %c0_i32_0 = arith.constant 0 : i32
    %c0_i32_1 = arith.constant 0 : i32
    return %c0_i32, %arg0, %c0_i32_0 : i32, i32, i32
  }
  func.func @transform_1(%arg0: i32) -> (i32, i32) {
    %c0_i32 = arith.constant 0 : i32
    %c0_i32_0 = arith.constant 0 : i32
    return %arg0, %c0_i32 : i32, i32
  }
  func.func @transform_2(%arg0: i32) -> (i32, i32) {
    %c0_i32 = arith.constant 0 : i32
    %c0_i32_0 = arith.constant 0 : i32
    return %arg0, %c0_i32 : i32, i32
  }
  func.func @transform_3(%arg0: i32) -> (i32, i32) {
    %c0_i32 = arith.constant 0 : i32
    %c0_i32_0 = arith.constant 0 : i32
    %c0_i32_1 = arith.constant 0 : i32
    return %c0_i32, %c0_i32_0 : i32, i32
  }
  func.func @transform_4(%arg0: i32) -> (i32, i32) {
    %c0_i32 = arith.constant 0 : i32
    %c0_i32_0 = arith.constant 0 : i32
    %c0_i32_1 = arith.constant 0 : i32
    return %c0_i32, %c0_i32_0 : i32, i32
  }
  func.func @transform_5(%arg0: i32) -> (i32, i32) {
    %c0_i32 = arith.constant 0 : i32
    %c0_i32_0 = arith.constant 0 : i32
    return %arg0, %c0_i32 : i32, i32
  }
}

module attributes {stable_mosaic.version = 14 : i64} {
  func.func @_lstm_stage_body(%arg0: i32, %arg1: memref<2x1000x128xf32, #tpu.memory_space<vmem>>, %arg2: memref<1000x128xf32, #tpu.memory_space<vmem>>, %arg3: memref<1000x1xf32, #tpu.memory_space<vmem>>, %arg4: memref<1x128xf32, #tpu.memory_space<vmem>>, %arg5: memref<128x512xf32, #tpu.memory_space<vmem>>, %arg6: memref<1x512xf32, #tpu.memory_space<vmem>>, %arg7: memref<128x512xf32, #tpu.memory_space<vmem>>, %arg8: memref<128x128xf32, #tpu.memory_space<vmem>>, %arg9: memref<1x128xf32, #tpu.memory_space<vmem>>, %arg10: memref<1000x128xf32, #tpu.memory_space<vmem>>, %arg11: memref<1x128xf32, #tpu.memory_space<vmem>>, %arg12: memref<1x128xf32, #tpu.memory_space<vmem>>, %arg13: memref<1000x512xf32, #tpu.memory_space<vmem>>, %arg14: memref<1000x128xf32, #tpu.memory_space<vmem>>) attributes {dimension_semantics = [#tpu.dimension_semantics<arbitrary>], iteration_bounds = array<i64: 10>, scalar_prefetch = 0 : i64, scratch_operands = 4 : i64, tpu.core_type = #tpu.core_type<tc>, window_params = [{transform_indices = @transform_0, window_bounds = array<i64: 2, 1000, 128>}, {transform_indices = @transform_1, window_bounds = array<i64: 1000, 128>}, {transform_indices = @transform_2, window_bounds = array<i64: 1000, 1>}, {pipeline_mode = #tpu.pipeline_mode<synchronous>, transform_indices = @transform_3, window_bounds = array<i64: 1, 128>}, {pipeline_mode = #tpu.pipeline_mode<synchronous>, transform_indices = @transform_4, window_bounds = array<i64: 128, 512>}, {pipeline_mode = #tpu.pipeline_mode<synchronous>, transform_indices = @transform_5, window_bounds = array<i64: 1, 512>}, {pipeline_mode = #tpu.pipeline_mode<synchronous>, transform_indices = @transform_6, window_bounds = array<i64: 128, 512>}, {pipeline_mode = #tpu.pipeline_mode<synchronous>, transform_indices = @transform_7, window_bounds = array<i64: 128, 128>}, {pipeline_mode = #tpu.pipeline_mode<synchronous>, transform_indices = @transform_8, window_bounds = array<i64: 1, 128>}, {transform_indices = @transform_9, window_bounds = array<i64: 1000, 128>}]} {
    %eq3A = arith.constant 0 : i32
    %eq3A_0 = arith.cmpi eq, %arg0, %eq3A : i32
    %convert_element_type3A = arith.extui %eq3A_0 : i1 to i32
    %cond3A = arith.constant 0 : i32
    %cond3A_1 = arith.cmpi ne, %convert_element_type3A, %cond3A : i32
    scf.if %cond3A_1 {
      %broadcast_in_dim3A = arith.constant 0.000000e+00 : f32
      %broadcast_in_dim3A_74 = vector.broadcast %broadcast_in_dim3A : f32 to vector<1x128xf32>
      %swap3A_75 = arith.constant 0 : index
      %swap3A_76 = arith.constant 0 : index
      %swap3A_77 = vector.load %arg11[%swap3A_75, %swap3A_76] : memref<1x128xf32, #tpu.memory_space<vmem>>, vector<1x128xf32>
      tpu.vector_store %arg11[%swap3A_75, %swap3A_76], %broadcast_in_dim3A_74 {strides = array<i32>} : memref<1x128xf32, #tpu.memory_space<vmem>>, vector<1x128xf32>,
      %broadcast_in_dim3A_78 = arith.constant 0.000000e+00 : f32
      %broadcast_in_dim3A_79 = vector.broadcast %broadcast_in_dim3A_78 : f32 to vector<1x128xf32>
      %swap3A_80 = arith.constant 0 : index
      %swap3A_81 = arith.constant 0 : index
      %swap3A_82 = vector.load %arg12[%swap3A_80, %swap3A_81] : memref<1x128xf32, #tpu.memory_space<vmem>>, vector<1x128xf32>
      tpu.vector_store %arg12[%swap3A_80, %swap3A_81], %broadcast_in_dim3A_79 {strides = array<i32>} : memref<1x128xf32, #tpu.memory_space<vmem>>, vector<1x128xf32>,
    } else {
    }
    %get3A = arith.constant 0 : index
    %get3A_2 = arith.constant 0 : index
    %get3A_3 = arith.constant 0 : index
    %get3A_4 = vector.load %arg1[%get3A, %get3A_2, %get3A_3] : memref<2x1000x128xf32, #tpu.memory_space<vmem>>, vector<1x1000x128xf32>
    %get3A_5 = vector.shape_cast %get3A_4 : vector<1x1000x128xf32> to vector<1000x128xf32>
    %get3A_6 = arith.constant 1 : index
    %get3A_7 = arith.constant 0 : index
    %get3A_8 = arith.constant 0 : index
    %get3A_9 = vector.load %arg1[%get3A_6, %get3A_7, %get3A_8] : memref<2x1000x128xf32, #tpu.memory_space<vmem>>, vector<1x1000x128xf32>
    %get3A_10 = vector.shape_cast %get3A_9 : vector<1x1000x128xf32> to vector<1000x128xf32>
    %add3A = arith.addf %get3A_5, %get3A_10 : vector<1000x128xf32>
    %get3A_11 = arith.constant 0 : index
    %get3A_12 = arith.constant 0 : index
    %get3A_13 = vector.load %arg2[%get3A_11, %get3A_12] : memref<1000x128xf32, #tpu.memory_space<vmem>>, vector<1000x128xf32>
    %add3A_14 = arith.addf %add3A, %get3A_13 : vector<1000x128xf32>
    %get3A_15 = arith.constant 0 : index
    %get3A_16 = arith.constant 0 : index
    %get3A_17 = vector.load %arg3[%get3A_15, %get3A_16] : memref<1000x1xf32, #tpu.memory_space<vmem>>, vector<1000x1xf32>
    %mul3A = vector.broadcast %get3A_17 : vector<1000x1xf32> to vector<1000x128xf32>
    %mul3A_18 = arith.mulf %add3A_14, %mul3A : vector<1000x128xf32>
    %get3A_19 = arith.constant 0 : index
    %get3A_20 = arith.constant 0 : index
    %get3A_21 = vector.load %arg4[%get3A_19, %get3A_20] : memref<1x128xf32, #tpu.memory_space<vmem>>, vector<1x128xf32>
    %add3A_22 = vector.broadcast %get3A_21 : vector<1x128xf32> to vector<1000x128xf32>
    %add3A_23 = arith.addf %mul3A_18, %add3A_22 : vector<1000x128xf32>
    %max3A = arith.constant 0.000000e+00 : f32
    %max3A_24 = vector.broadcast %max3A : f32 to vector<1000x128xf32>
    %max3A_25 = arith.maximumf %add3A_23, %max3A_24 : vector<1000x128xf32>
    %get3A_26 = arith.constant 0 : index
    %get3A_27 = arith.constant 0 : index
    %get3A_28 = vector.load %arg5[%get3A_26, %get3A_27] : memref<128x512xf32, #tpu.memory_space<vmem>>, vector<128x512xf32>
    %dot_general3A = arith.constant dense<0.000000e+00> : vector<1000x512xf32>
    %dot_general3A_29 = tpu.matmul %max3A_25, %get3A_28, %dot_general3A {dimension_numbers = #tpu.dot_dimension_numbers<[1], [0], [0], [1], [0, 0, 1, 1], [], []>, transpose_lhs_hint = false} : vector<1000x128xf32>, vector<128x512xf32>, vector<1000x512xf32> -> vector<1000x512xf32>
    %get3A_30 = arith.constant 0 : index
    %get3A_31 = arith.constant 0 : index
    %get3A_32 = vector.load %arg6[%get3A_30, %get3A_31] : memref<1x512xf32, #tpu.memory_space<vmem>>, vector<1x512xf32>
    %add3A_33 = vector.broadcast %get3A_32 : vector<1x512xf32> to vector<1000x512xf32>
    %add3A_34 = arith.addf %dot_general3A_29, %add3A_33 : vector<1000x512xf32>
    %swap3A = arith.constant 0 : index
    %swap3A_35 = arith.constant 0 : index
    %swap3A_36 = vector.load %arg13[%swap3A, %swap3A_35] : memref<1000x512xf32, #tpu.memory_space<vmem>>, vector<1000x512xf32>
    tpu.vector_store %arg13[%swap3A, %swap3A_35], %add3A_34 {strides = array<i32>} : memref<1000x512xf32, #tpu.memory_space<vmem>>, vector<1000x512xf32>,
    %get3A_37 = arith.constant 0 : index
    %get3A_38 = arith.constant 0 : index
    %get3A_39 = vector.load %arg7[%get3A_37, %get3A_38] : memref<128x512xf32, #tpu.memory_space<vmem>>, vector<128x512xf32>
    %convert_element_type3A_40 = arith.truncf %get3A_39 : vector<128x512xf32> to vector<128x512xbf16>
    %get3A_41 = arith.constant 0 : index
    %get3A_42 = arith.constant 0 : index
    %get3A_43 = vector.load %arg11[%get3A_41, %get3A_42] : memref<1x128xf32, #tpu.memory_space<vmem>>, vector<1x128xf32>
    %get3A_44 = arith.constant 0 : index
    %get3A_45 = arith.constant 0 : index
    %get3A_46 = vector.load %arg12[%get3A_44, %get3A_45] : memref<1x128xf32, #tpu.memory_space<vmem>>, vector<1x128xf32>
    %scan3A = arith.constant 0 : i32
    %scan3A_47 = arith.constant 125 : i32
    %scan3A_48 = arith.addi %scan3A, %scan3A_47 : i32
    %scan3A_49 = arith.constant 1 : i32
    %scan3A_50:2 = scf.for %scan3A_74 = %scan3A to %scan3A_48 step %scan3A_49 iter_args(%scan3A_75 = %get3A_43, %scan3A_76 = %get3A_46) -> (vector<1x128xf32>, vector<1x128xf32>)  : i32 {
      %mul3A_77 = arith.constant 8 : i32
      %mul3A_78 = arith.muli %scan3A_74, %mul3A_77 : i32
      %add3A_79 = arith.constant 0 : i32
      %add3A_80 = arith.addi %mul3A_78, %add3A_79 : i32
      %get3A_81 = arith.index_cast %add3A_80 : i32 to index
      %get3A_82 = arith.constant 0 : index
      %get3A_83 = vector.load %arg13[%get3A_81, %get3A_82] : memref<1000x512xf32, #tpu.memory_space<vmem>>, vector<1x512xf32>
      %convert_element_type3A_84 = arith.truncf %scan3A_75 : vector<1x128xf32> to vector<1x128xbf16>
      %dot_general3A_85 = arith.constant dense<0.000000e+00> : vector<1x512xf32>
      %dot_general3A_86 = tpu.matmul %convert_element_type3A_84, %convert_element_type3A_40, %dot_general3A_85 {dimension_numbers = #tpu.dot_dimension_numbers<[1], [0], [0], [1], [0, 0, 1, 1], [], []>, transpose_lhs_hint = false} : vector<1x128xbf16>, vector<128x512xbf16>, vector<1x512xf32> -> vector<1x512xf32>
      %add3A_87 = arith.addf %get3A_83, %dot_general3A_86 : vector<1x512xf32>
      %slice3A = vector.extract_strided_slice %add3A_87 {offsets = [0, 0], sizes = [1, 128], strides = [1, 1]} : vector<1x512xf32> to vector<1x128xf32>
      %mul3A_88 = arith.constant 5.000000e-01 : f32
      %mul3A_89 = vector.broadcast %mul3A_88 : f32 to vector<1x128xf32>
      %mul3A_90 = arith.mulf %mul3A_89, %slice3A : vector<1x128xf32>
      %tanh3A = math.tanh %mul3A_90 : vector<1x128xf32>
      %mul3A_91 = arith.constant 5.000000e-01 : f32
      %mul3A_92 = vector.broadcast %mul3A_91 : f32 to vector<1x128xf32>
      %mul3A_93 = arith.mulf %mul3A_92, %tanh3A : vector<1x128xf32>
      %add3A_94 = arith.constant 5.000000e-01 : f32
      %add3A_95 = vector.broadcast %add3A_94 : f32 to vector<1x128xf32>
      %add3A_96 = arith.addf %add3A_95, %mul3A_93 : vector<1x128xf32>
      %slice3A_97 = vector.extract_strided_slice %add3A_87 {offsets = [0, 128], sizes = [1, 128], strides = [1, 1]} : vector<1x512xf32> to vector<1x128xf32>
      %mul3A_98 = arith.constant 5.000000e-01 : f32
      %mul3A_99 = vector.broadcast %mul3A_98 : f32 to vector<1x128xf32>
      %mul3A_100 = arith.mulf %mul3A_99, %slice3A_97 : vector<1x128xf32>
      %tanh3A_101 = math.tanh %mul3A_100 : vector<1x128xf32>
      %mul3A_102 = arith.constant 5.000000e-01 : f32
      %mul3A_103 = vector.broadcast %mul3A_102 : f32 to vector<1x128xf32>
      %mul3A_104 = arith.mulf %mul3A_103, %tanh3A_101 : vector<1x128xf32>
      %add3A_105 = arith.constant 5.000000e-01 : f32
      %add3A_106 = vector.broadcast %add3A_105 : f32 to vector<1x128xf32>
      %add3A_107 = arith.addf %add3A_106, %mul3A_104 : vector<1x128xf32>
      %slice3A_108 = vector.extract_strided_slice %add3A_87 {offsets = [0, 256], sizes = [1, 128], strides = [1, 1]} : vector<1x512xf32> to vector<1x128xf32>
      %tanh3A_109 = math.tanh %slice3A_108 : vector<1x128xf32>
      %slice3A_110 = vector.extract_strided_slice %add3A_87 {offsets = [0, 384], sizes = [1, 128], strides = [1, 1]} : vector<1x512xf32> to vector<1x128xf32>
      %mul3A_111 = arith.constant 5.000000e-01 : f32
      %mul3A_112 = vector.broadcast %mul3A_111 : f32 to vector<1x128xf32>
      %mul3A_113 = arith.mulf %mul3A_112, %slice3A_110 : vector<1x128xf32>
      %tanh3A_114 = math.tanh %mul3A_113 : vector<1x128xf32>
      %mul3A_115 = arith.constant 5.000000e-01 : f32
      %mul3A_116 = vector.broadcast %mul3A_115 : f32 to vector<1x128xf32>
      %mul3A_117 = arith.mulf %mul3A_116, %tanh3A_114 : vector<1x128xf32>
      %add3A_118 = arith.constant 5.000000e-01 : f32
      %add3A_119 = vector.broadcast %add3A_118 : f32 to vector<1x128xf32>
      %add3A_120 = arith.addf %add3A_119, %mul3A_117 : vector<1x128xf32>
      %mul3A_121 = arith.mulf %add3A_107, %scan3A_76 : vector<1x128xf32>
      %mul3A_122 = arith.mulf %add3A_96, %tanh3A_109 : vector<1x128xf32>
      %add3A_123 = arith.addf %mul3A_121, %mul3A_122 : vector<1x128xf32>
      %tanh3A_124 = math.tanh %add3A_123 : vector<1x128xf32>
      %mul3A_125 = arith.mulf %add3A_120, %tanh3A_124 : vector<1x128xf32>
      %swap3A_126 = arith.index_cast %add3A_80 : i32 to index
      %swap3A_127 = arith.constant 0 : index
      %swap3A_128 = vector.load %arg14[%swap3A_126, %swap3A_127] : memref<1000x128xf32, #tpu.memory_space<vmem>>, vector<1x128xf32>
      tpu.vector_store %arg14[%swap3A_126, %swap3A_127], %mul3A_125 {strides = array<i32>} : memref<1000x128xf32, #tpu.memory_space<vmem>>, vector<1x128xf32>,
      %mul3A_129 = arith.constant 8 : i32
      %mul3A_130 = arith.muli %scan3A_74, %mul3A_129 : i32
      %add3A_131 = arith.constant 1 : i32
      %add3A_132 = arith.addi %mul3A_130, %add3A_131 : i32
      %get3A_133 = arith.index_cast %add3A_132 : i32 to index
      %get3A_134 = arith.constant 0 : index
      %get3A_135 = vector.load %arg13[%get3A_133, %get3A_134] : memref<1000x512xf32, #tpu.memory_space<vmem>>, vector<1x512xf32>
      %convert_element_type3A_136 = arith.truncf %mul3A_125 : vector<1x128xf32> to vector<1x128xbf16>
      %dot_general3A_137 = arith.constant dense<0.000000e+00> : vector<1x512xf32>
      %dot_general3A_138 = tpu.matmul %convert_element_type3A_136, %convert_element_type3A_40, %dot_general3A_137 {dimension_numbers = #tpu.dot_dimension_numbers<[1], [0], [0], [1], [0, 0, 1, 1], [], []>, transpose_lhs_hint = false} : vector<1x128xbf16>, vector<128x512xbf16>, vector<1x512xf32> -> vector<1x512xf32>
      %add3A_139 = arith.addf %get3A_135, %dot_general3A_138 : vector<1x512xf32>
      %slice3A_140 = vector.extract_strided_slice %add3A_139 {offsets = [0, 0], sizes = [1, 128], strides = [1, 1]} : vector<1x512xf32> to vector<1x128xf32>
      %mul3A_141 = arith.constant 5.000000e-01 : f32
      %mul3A_142 = vector.broadcast %mul3A_141 : f32 to vector<1x128xf32>
      %mul3A_143 = arith.mulf %mul3A_142, %slice3A_140 : vector<1x128xf32>
      %tanh3A_144 = math.tanh %mul3A_143 : vector<1x128xf32>
      %mul3A_145 = arith.constant 5.000000e-01 : f32
      %mul3A_146 = vector.broadcast %mul3A_145 : f32 to vector<1x128xf32>
      %mul3A_147 = arith.mulf %mul3A_146, %tanh3A_144 : vector<1x128xf32>
      %add3A_148 = arith.constant 5.000000e-01 : f32
      %add3A_149 = vector.broadcast %add3A_148 : f32 to vector<1x128xf32>
      %add3A_150 = arith.addf %add3A_149, %mul3A_147 : vector<1x128xf32>
      %slice3A_151 = vector.extract_strided_slice %add3A_139 {offsets = [0, 128], sizes = [1, 128], strides = [1, 1]} : vector<1x512xf32> to vector<1x128xf32>
      %mul3A_152 = arith.constant 5.000000e-01 : f32
      %mul3A_153 = vector.broadcast %mul3A_152 : f32 to vector<1x128xf32>
      %mul3A_154 = arith.mulf %mul3A_153, %slice3A_151 : vector<1x128xf32>
      %tanh3A_155 = math.tanh %mul3A_154 : vector<1x128xf32>
      %mul3A_156 = arith.constant 5.000000e-01 : f32
      %mul3A_157 = vector.broadcast %mul3A_156 : f32 to vector<1x128xf32>
      %mul3A_158 = arith.mulf %mul3A_157, %tanh3A_155 : vector<1x128xf32>
      %add3A_159 = arith.constant 5.000000e-01 : f32
      %add3A_160 = vector.broadcast %add3A_159 : f32 to vector<1x128xf32>
      %add3A_161 = arith.addf %add3A_160, %mul3A_158 : vector<1x128xf32>
      %slice3A_162 = vector.extract_strided_slice %add3A_139 {offsets = [0, 256], sizes = [1, 128], strides = [1, 1]} : vector<1x512xf32> to vector<1x128xf32>
      %tanh3A_163 = math.tanh %slice3A_162 : vector<1x128xf32>
      %slice3A_164 = vector.extract_strided_slice %add3A_139 {offsets = [0, 384], sizes = [1, 128], strides = [1, 1]} : vector<1x512xf32> to vector<1x128xf32>
      %mul3A_165 = arith.constant 5.000000e-01 : f32
      %mul3A_166 = vector.broadcast %mul3A_165 : f32 to vector<1x128xf32>
      %mul3A_167 = arith.mulf %mul3A_166, %slice3A_164 : vector<1x128xf32>
      %tanh3A_168 = math.tanh %mul3A_167 : vector<1x128xf32>
      %mul3A_169 = arith.constant 5.000000e-01 : f32
      %mul3A_170 = vector.broadcast %mul3A_169 : f32 to vector<1x128xf32>
      %mul3A_171 = arith.mulf %mul3A_170, %tanh3A_168 : vector<1x128xf32>
      %add3A_172 = arith.constant 5.000000e-01 : f32
      %add3A_173 = vector.broadcast %add3A_172 : f32 to vector<1x128xf32>
      %add3A_174 = arith.addf %add3A_173, %mul3A_171 : vector<1x128xf32>
      %mul3A_175 = arith.mulf %add3A_161, %add3A_123 : vector<1x128xf32>
      %mul3A_176 = arith.mulf %add3A_150, %tanh3A_163 : vector<1x128xf32>
      %add3A_177 = arith.addf %mul3A_175, %mul3A_176 : vector<1x128xf32>
      %tanh3A_178 = math.tanh %add3A_177 : vector<1x128xf32>
      %mul3A_179 = arith.mulf %add3A_174, %tanh3A_178 : vector<1x128xf32>
      %swap3A_180 = arith.index_cast %add3A_132 : i32 to index
      %swap3A_181 = arith.constant 0 : index
      %swap3A_182 = vector.load %arg14[%swap3A_180, %swap3A_181] : memref<1000x128xf32, #tpu.memory_space<vmem>>, vector<1x128xf32>
      tpu.vector_store %arg14[%swap3A_180, %swap3A_181], %mul3A_179 {strides = array<i32>} : memref<1000x128xf32, #tpu.memory_space<vmem>>, vector<1x128xf32>,
      %mul3A_183 = arith.constant 8 : i32
      %mul3A_184 = arith.muli %scan3A_74, %mul3A_183 : i32
      %add3A_185 = arith.constant 2 : i32
      %add3A_186 = arith.addi %mul3A_184, %add3A_185 : i32
      %get3A_187 = arith.index_cast %add3A_186 : i32 to index
      %get3A_188 = arith.constant 0 : index
      %get3A_189 = vector.load %arg13[%get3A_187, %get3A_188] : memref<1000x512xf32, #tpu.memory_space<vmem>>, vector<1x512xf32>
      %convert_element_type3A_190 = arith.truncf %mul3A_179 : vector<1x128xf32> to vector<1x128xbf16>
      %dot_general3A_191 = arith.constant dense<0.000000e+00> : vector<1x512xf32>
      %dot_general3A_192 = tpu.matmul %convert_element_type3A_190, %convert_element_type3A_40, %dot_general3A_191 {dimension_numbers = #tpu.dot_dimension_numbers<[1], [0], [0], [1], [0, 0, 1, 1], [], []>, transpose_lhs_hint = false} : vector<1x128xbf16>, vector<128x512xbf16>, vector<1x512xf32> -> vector<1x512xf32>
      %add3A_193 = arith.addf %get3A_189, %dot_general3A_192 : vector<1x512xf32>
      %slice3A_194 = vector.extract_strided_slice %add3A_193 {offsets = [0, 0], sizes = [1, 128], strides = [1, 1]} : vector<1x512xf32> to vector<1x128xf32>
      %mul3A_195 = arith.constant 5.000000e-01 : f32
      %mul3A_196 = vector.broadcast %mul3A_195 : f32 to vector<1x128xf32>
      %mul3A_197 = arith.mulf %mul3A_196, %slice3A_194 : vector<1x128xf32>
      %tanh3A_198 = math.tanh %mul3A_197 : vector<1x128xf32>
      %mul3A_199 = arith.constant 5.000000e-01 : f32
      %mul3A_200 = vector.broadcast %mul3A_199 : f32 to vector<1x128xf32>
      %mul3A_201 = arith.mulf %mul3A_200, %tanh3A_198 : vector<1x128xf32>
      %add3A_202 = arith.constant 5.000000e-01 : f32
      %add3A_203 = vector.broadcast %add3A_202 : f32 to vector<1x128xf32>
      %add3A_204 = arith.addf %add3A_203, %mul3A_201 : vector<1x128xf32>
      %slice3A_205 = vector.extract_strided_slice %add3A_193 {offsets = [0, 128], sizes = [1, 128], strides = [1, 1]} : vector<1x512xf32> to vector<1x128xf32>
      %mul3A_206 = arith.constant 5.000000e-01 : f32
      %mul3A_207 = vector.broadcast %mul3A_206 : f32 to vector<1x128xf32>
      %mul3A_208 = arith.mulf %mul3A_207, %slice3A_205 : vector<1x128xf32>
      %tanh3A_209 = math.tanh %mul3A_208 : vector<1x128xf32>
      %mul3A_210 = arith.constant 5.000000e-01 : f32
      %mul3A_211 = vector.broadcast %mul3A_210 : f32 to vector<1x128xf32>
      %mul3A_212 = arith.mulf %mul3A_211, %tanh3A_209 : vector<1x128xf32>
      %add3A_213 = arith.constant 5.000000e-01 : f32
      %add3A_214 = vector.broadcast %add3A_213 : f32 to vector<1x128xf32>
      %add3A_215 = arith.addf %add3A_214, %mul3A_212 : vector<1x128xf32>
      %slice3A_216 = vector.extract_strided_slice %add3A_193 {offsets = [0, 256], sizes = [1, 128], strides = [1, 1]} : vector<1x512xf32> to vector<1x128xf32>
      %tanh3A_217 = math.tanh %slice3A_216 : vector<1x128xf32>
      %slice3A_218 = vector.extract_strided_slice %add3A_193 {offsets = [0, 384], sizes = [1, 128], strides = [1, 1]} : vector<1x512xf32> to vector<1x128xf32>
      %mul3A_219 = arith.constant 5.000000e-01 : f32
      %mul3A_220 = vector.broadcast %mul3A_219 : f32 to vector<1x128xf32>
      %mul3A_221 = arith.mulf %mul3A_220, %slice3A_218 : vector<1x128xf32>
      %tanh3A_222 = math.tanh %mul3A_221 : vector<1x128xf32>
      %mul3A_223 = arith.constant 5.000000e-01 : f32
      %mul3A_224 = vector.broadcast %mul3A_223 : f32 to vector<1x128xf32>
      %mul3A_225 = arith.mulf %mul3A_224, %tanh3A_222 : vector<1x128xf32>
      %add3A_226 = arith.constant 5.000000e-01 : f32
      %add3A_227 = vector.broadcast %add3A_226 : f32 to vector<1x128xf32>
      %add3A_228 = arith.addf %add3A_227, %mul3A_225 : vector<1x128xf32>
      %mul3A_229 = arith.mulf %add3A_215, %add3A_177 : vector<1x128xf32>
      %mul3A_230 = arith.mulf %add3A_204, %tanh3A_217 : vector<1x128xf32>
      %add3A_231 = arith.addf %mul3A_229, %mul3A_230 : vector<1x128xf32>
      %tanh3A_232 = math.tanh %add3A_231 : vector<1x128xf32>
      %mul3A_233 = arith.mulf %add3A_228, %tanh3A_232 : vector<1x128xf32>
      %swap3A_234 = arith.index_cast %add3A_186 : i32 to index
      %swap3A_235 = arith.constant 0 : index
      %swap3A_236 = vector.load %arg14[%swap3A_234, %swap3A_235] : memref<1000x128xf32, #tpu.memory_space<vmem>>, vector<1x128xf32>
      tpu.vector_store %arg14[%swap3A_234, %swap3A_235], %mul3A_233 {strides = array<i32>} : memref<1000x128xf32, #tpu.memory_space<vmem>>, vector<1x128xf32>,
      %mul3A_237 = arith.constant 8 : i32
      %mul3A_238 = arith.muli %scan3A_74, %mul3A_237 : i32
      %add3A_239 = arith.constant 3 : i32
      %add3A_240 = arith.addi %mul3A_238, %add3A_239 : i32
      %get3A_241 = arith.index_cast %add3A_240 : i32 to index
      %get3A_242 = arith.constant 0 : index
      %get3A_243 = vector.load %arg13[%get3A_241, %get3A_242] : memref<1000x512xf32, #tpu.memory_space<vmem>>, vector<1x512xf32>
      %convert_element_type3A_244 = arith.truncf %mul3A_233 : vector<1x128xf32> to vector<1x128xbf16>
      %dot_general3A_245 = arith.constant dense<0.000000e+00> : vector<1x512xf32>
      %dot_general3A_246 = tpu.matmul %convert_element_type3A_244, %convert_element_type3A_40, %dot_general3A_245 {dimension_numbers = #tpu.dot_dimension_numbers<[1], [0], [0], [1], [0, 0, 1, 1], [], []>, transpose_lhs_hint = false} : vector<1x128xbf16>, vector<128x512xbf16>, vector<1x512xf32> -> vector<1x512xf32>
      %add3A_247 = arith.addf %get3A_243, %dot_general3A_246 : vector<1x512xf32>
      %slice3A_248 = vector.extract_strided_slice %add3A_247 {offsets = [0, 0], sizes = [1, 128], strides = [1, 1]} : vector<1x512xf32> to vector<1x128xf32>
      %mul3A_249 = arith.constant 5.000000e-01 : f32
      %mul3A_250 = vector.broadcast %mul3A_249 : f32 to vector<1x128xf32>
      %mul3A_251 = arith.mulf %mul3A_250, %slice3A_248 : vector<1x128xf32>
      %tanh3A_252 = math.tanh %mul3A_251 : vector<1x128xf32>
      %mul3A_253 = arith.constant 5.000000e-01 : f32
      %mul3A_254 = vector.broadcast %mul3A_253 : f32 to vector<1x128xf32>
      %mul3A_255 = arith.mulf %mul3A_254, %tanh3A_252 : vector<1x128xf32>
      %add3A_256 = arith.constant 5.000000e-01 : f32
      %add3A_257 = vector.broadcast %add3A_256 : f32 to vector<1x128xf32>
      %add3A_258 = arith.addf %add3A_257, %mul3A_255 : vector<1x128xf32>
      %slice3A_259 = vector.extract_strided_slice %add3A_247 {offsets = [0, 128], sizes = [1, 128], strides = [1, 1]} : vector<1x512xf32> to vector<1x128xf32>
      %mul3A_260 = arith.constant 5.000000e-01 : f32
      %mul3A_261 = vector.broadcast %mul3A_260 : f32 to vector<1x128xf32>
      %mul3A_262 = arith.mulf %mul3A_261, %slice3A_259 : vector<1x128xf32>
      %tanh3A_263 = math.tanh %mul3A_262 : vector<1x128xf32>
      %mul3A_264 = arith.constant 5.000000e-01 : f32
      %mul3A_265 = vector.broadcast %mul3A_264 : f32 to vector<1x128xf32>
      %mul3A_266 = arith.mulf %mul3A_265, %tanh3A_263 : vector<1x128xf32>
      %add3A_267 = arith.constant 5.000000e-01 : f32
      %add3A_268 = vector.broadcast %add3A_267 : f32 to vector<1x128xf32>
      %add3A_269 = arith.addf %add3A_268, %mul3A_266 : vector<1x128xf32>
      %slice3A_270 = vector.extract_strided_slice %add3A_247 {offsets = [0, 256], sizes = [1, 128], strides = [1, 1]} : vector<1x512xf32> to vector<1x128xf32>
      %tanh3A_271 = math.tanh %slice3A_270 : vector<1x128xf32>
      %slice3A_272 = vector.extract_strided_slice %add3A_247 {offsets = [0, 384], sizes = [1, 128], strides = [1, 1]} : vector<1x512xf32> to vector<1x128xf32>
      %mul3A_273 = arith.constant 5.000000e-01 : f32
      %mul3A_274 = vector.broadcast %mul3A_273 : f32 to vector<1x128xf32>
      %mul3A_275 = arith.mulf %mul3A_274, %slice3A_272 : vector<1x128xf32>
      %tanh3A_276 = math.tanh %mul3A_275 : vector<1x128xf32>
      %mul3A_277 = arith.constant 5.000000e-01 : f32
      %mul3A_278 = vector.broadcast %mul3A_277 : f32 to vector<1x128xf32>
      %mul3A_279 = arith.mulf %mul3A_278, %tanh3A_276 : vector<1x128xf32>
      %add3A_280 = arith.constant 5.000000e-01 : f32
      %add3A_281 = vector.broadcast %add3A_280 : f32 to vector<1x128xf32>
      %add3A_282 = arith.addf %add3A_281, %mul3A_279 : vector<1x128xf32>
      %mul3A_283 = arith.mulf %add3A_269, %add3A_231 : vector<1x128xf32>
      %mul3A_284 = arith.mulf %add3A_258, %tanh3A_271 : vector<1x128xf32>
      %add3A_285 = arith.addf %mul3A_283, %mul3A_284 : vector<1x128xf32>
      %tanh3A_286 = math.tanh %add3A_285 : vector<1x128xf32>
      %mul3A_287 = arith.mulf %add3A_282, %tanh3A_286 : vector<1x128xf32>
      %swap3A_288 = arith.index_cast %add3A_240 : i32 to index
      %swap3A_289 = arith.constant 0 : index
      %swap3A_290 = vector.load %arg14[%swap3A_288, %swap3A_289] : memref<1000x128xf32, #tpu.memory_space<vmem>>, vector<1x128xf32>
      tpu.vector_store %arg14[%swap3A_288, %swap3A_289], %mul3A_287 {strides = array<i32>} : memref<1000x128xf32, #tpu.memory_space<vmem>>, vector<1x128xf32>,
      %mul3A_291 = arith.constant 8 : i32
      %mul3A_292 = arith.muli %scan3A_74, %mul3A_291 : i32
      %add3A_293 = arith.constant 4 : i32
      %add3A_294 = arith.addi %mul3A_292, %add3A_293 : i32
      %get3A_295 = arith.index_cast %add3A_294 : i32 to index
      %get3A_296 = arith.constant 0 : index
      %get3A_297 = vector.load %arg13[%get3A_295, %get3A_296] : memref<1000x512xf32, #tpu.memory_space<vmem>>, vector<1x512xf32>
      %convert_element_type3A_298 = arith.truncf %mul3A_287 : vector<1x128xf32> to vector<1x128xbf16>
      %dot_general3A_299 = arith.constant dense<0.000000e+00> : vector<1x512xf32>
      %dot_general3A_300 = tpu.matmul %convert_element_type3A_298, %convert_element_type3A_40, %dot_general3A_299 {dimension_numbers = #tpu.dot_dimension_numbers<[1], [0], [0], [1], [0, 0, 1, 1], [], []>, transpose_lhs_hint = false} : vector<1x128xbf16>, vector<128x512xbf16>, vector<1x512xf32> -> vector<1x512xf32>
      %add3A_301 = arith.addf %get3A_297, %dot_general3A_300 : vector<1x512xf32>
      %slice3A_302 = vector.extract_strided_slice %add3A_301 {offsets = [0, 0], sizes = [1, 128], strides = [1, 1]} : vector<1x512xf32> to vector<1x128xf32>
      %mul3A_303 = arith.constant 5.000000e-01 : f32
      %mul3A_304 = vector.broadcast %mul3A_303 : f32 to vector<1x128xf32>
      %mul3A_305 = arith.mulf %mul3A_304, %slice3A_302 : vector<1x128xf32>
      %tanh3A_306 = math.tanh %mul3A_305 : vector<1x128xf32>
      %mul3A_307 = arith.constant 5.000000e-01 : f32
      %mul3A_308 = vector.broadcast %mul3A_307 : f32 to vector<1x128xf32>
      %mul3A_309 = arith.mulf %mul3A_308, %tanh3A_306 : vector<1x128xf32>
      %add3A_310 = arith.constant 5.000000e-01 : f32
      %add3A_311 = vector.broadcast %add3A_310 : f32 to vector<1x128xf32>
      %add3A_312 = arith.addf %add3A_311, %mul3A_309 : vector<1x128xf32>
      %slice3A_313 = vector.extract_strided_slice %add3A_301 {offsets = [0, 128], sizes = [1, 128], strides = [1, 1]} : vector<1x512xf32> to vector<1x128xf32>
      %mul3A_314 = arith.constant 5.000000e-01 : f32
      %mul3A_315 = vector.broadcast %mul3A_314 : f32 to vector<1x128xf32>
      %mul3A_316 = arith.mulf %mul3A_315, %slice3A_313 : vector<1x128xf32>
      %tanh3A_317 = math.tanh %mul3A_316 : vector<1x128xf32>
      %mul3A_318 = arith.constant 5.000000e-01 : f32
      %mul3A_319 = vector.broadcast %mul3A_318 : f32 to vector<1x128xf32>
      %mul3A_320 = arith.mulf %mul3A_319, %tanh3A_317 : vector<1x128xf32>
      %add3A_321 = arith.constant 5.000000e-01 : f32
      %add3A_322 = vector.broadcast %add3A_321 : f32 to vector<1x128xf32>
      %add3A_323 = arith.addf %add3A_322, %mul3A_320 : vector<1x128xf32>
      %slice3A_324 = vector.extract_strided_slice %add3A_301 {offsets = [0, 256], sizes = [1, 128], strides = [1, 1]} : vector<1x512xf32> to vector<1x128xf32>
      %tanh3A_325 = math.tanh %slice3A_324 : vector<1x128xf32>
      %slice3A_326 = vector.extract_strided_slice %add3A_301 {offsets = [0, 384], sizes = [1, 128], strides = [1, 1]} : vector<1x512xf32> to vector<1x128xf32>
      %mul3A_327 = arith.constant 5.000000e-01 : f32
      %mul3A_328 = vector.broadcast %mul3A_327 : f32 to vector<1x128xf32>
      %mul3A_329 = arith.mulf %mul3A_328, %slice3A_326 : vector<1x128xf32>
      %tanh3A_330 = math.tanh %mul3A_329 : vector<1x128xf32>
      %mul3A_331 = arith.constant 5.000000e-01 : f32
      %mul3A_332 = vector.broadcast %mul3A_331 : f32 to vector<1x128xf32>
      %mul3A_333 = arith.mulf %mul3A_332, %tanh3A_330 : vector<1x128xf32>
      %add3A_334 = arith.constant 5.000000e-01 : f32
      %add3A_335 = vector.broadcast %add3A_334 : f32 to vector<1x128xf32>
      %add3A_336 = arith.addf %add3A_335, %mul3A_333 : vector<1x128xf32>
      %mul3A_337 = arith.mulf %add3A_323, %add3A_285 : vector<1x128xf32>
      %mul3A_338 = arith.mulf %add3A_312, %tanh3A_325 : vector<1x128xf32>
      %add3A_339 = arith.addf %mul3A_337, %mul3A_338 : vector<1x128xf32>
      %tanh3A_340 = math.tanh %add3A_339 : vector<1x128xf32>
      %mul3A_341 = arith.mulf %add3A_336, %tanh3A_340 : vector<1x128xf32>
      %swap3A_342 = arith.index_cast %add3A_294 : i32 to index
      %swap3A_343 = arith.constant 0 : index
      %swap3A_344 = vector.load %arg14[%swap3A_342, %swap3A_343] : memref<1000x128xf32, #tpu.memory_space<vmem>>, vector<1x128xf32>
      tpu.vector_store %arg14[%swap3A_342, %swap3A_343], %mul3A_341 {strides = array<i32>} : memref<1000x128xf32, #tpu.memory_space<vmem>>, vector<1x128xf32>,
      %mul3A_345 = arith.constant 8 : i32
      %mul3A_346 = arith.muli %scan3A_74, %mul3A_345 : i32
      %add3A_347 = arith.constant 5 : i32
      %add3A_348 = arith.addi %mul3A_346, %add3A_347 : i32
      %get3A_349 = arith.index_cast %add3A_348 : i32 to index
      %get3A_350 = arith.constant 0 : index
      %get3A_351 = vector.load %arg13[%get3A_349, %get3A_350] : memref<1000x512xf32, #tpu.memory_space<vmem>>, vector<1x512xf32>
      %convert_element_type3A_352 = arith.truncf %mul3A_341 : vector<1x128xf32> to vector<1x128xbf16>
      %dot_general3A_353 = arith.constant dense<0.000000e+00> : vector<1x512xf32>
      %dot_general3A_354 = tpu.matmul %convert_element_type3A_352, %convert_element_type3A_40, %dot_general3A_353 {dimension_numbers = #tpu.dot_dimension_numbers<[1], [0], [0], [1], [0, 0, 1, 1], [], []>, transpose_lhs_hint = false} : vector<1x128xbf16>, vector<128x512xbf16>, vector<1x512xf32> -> vector<1x512xf32>
      %add3A_355 = arith.addf %get3A_351, %dot_general3A_354 : vector<1x512xf32>
      %slice3A_356 = vector.extract_strided_slice %add3A_355 {offsets = [0, 0], sizes = [1, 128], strides = [1, 1]} : vector<1x512xf32> to vector<1x128xf32>
      %mul3A_357 = arith.constant 5.000000e-01 : f32
      %mul3A_358 = vector.broadcast %mul3A_357 : f32 to vector<1x128xf32>
      %mul3A_359 = arith.mulf %mul3A_358, %slice3A_356 : vector<1x128xf32>
      %tanh3A_360 = math.tanh %mul3A_359 : vector<1x128xf32>
      %mul3A_361 = arith.constant 5.000000e-01 : f32
      %mul3A_362 = vector.broadcast %mul3A_361 : f32 to vector<1x128xf32>
      %mul3A_363 = arith.mulf %mul3A_362, %tanh3A_360 : vector<1x128xf32>
      %add3A_364 = arith.constant 5.000000e-01 : f32
      %add3A_365 = vector.broadcast %add3A_364 : f32 to vector<1x128xf32>
      %add3A_366 = arith.addf %add3A_365, %mul3A_363 : vector<1x128xf32>
      %slice3A_367 = vector.extract_strided_slice %add3A_355 {offsets = [0, 128], sizes = [1, 128], strides = [1, 1]} : vector<1x512xf32> to vector<1x128xf32>
      %mul3A_368 = arith.constant 5.000000e-01 : f32
      %mul3A_369 = vector.broadcast %mul3A_368 : f32 to vector<1x128xf32>
      %mul3A_370 = arith.mulf %mul3A_369, %slice3A_367 : vector<1x128xf32>
      %tanh3A_371 = math.tanh %mul3A_370 : vector<1x128xf32>
      %mul3A_372 = arith.constant 5.000000e-01 : f32
      %mul3A_373 = vector.broadcast %mul3A_372 : f32 to vector<1x128xf32>
      %mul3A_374 = arith.mulf %mul3A_373, %tanh3A_371 : vector<1x128xf32>
      %add3A_375 = arith.constant 5.000000e-01 : f32
      %add3A_376 = vector.broadcast %add3A_375 : f32 to vector<1x128xf32>
      %add3A_377 = arith.addf %add3A_376, %mul3A_374 : vector<1x128xf32>
      %slice3A_378 = vector.extract_strided_slice %add3A_355 {offsets = [0, 256], sizes = [1, 128], strides = [1, 1]} : vector<1x512xf32> to vector<1x128xf32>
      %tanh3A_379 = math.tanh %slice3A_378 : vector<1x128xf32>
      %slice3A_380 = vector.extract_strided_slice %add3A_355 {offsets = [0, 384], sizes = [1, 128], strides = [1, 1]} : vector<1x512xf32> to vector<1x128xf32>
      %mul3A_381 = arith.constant 5.000000e-01 : f32
      %mul3A_382 = vector.broadcast %mul3A_381 : f32 to vector<1x128xf32>
      %mul3A_383 = arith.mulf %mul3A_382, %slice3A_380 : vector<1x128xf32>
      %tanh3A_384 = math.tanh %mul3A_383 : vector<1x128xf32>
      %mul3A_385 = arith.constant 5.000000e-01 : f32
      %mul3A_386 = vector.broadcast %mul3A_385 : f32 to vector<1x128xf32>
      %mul3A_387 = arith.mulf %mul3A_386, %tanh3A_384 : vector<1x128xf32>
      %add3A_388 = arith.constant 5.000000e-01 : f32
      %add3A_389 = vector.broadcast %add3A_388 : f32 to vector<1x128xf32>
      %add3A_390 = arith.addf %add3A_389, %mul3A_387 : vector<1x128xf32>
      %mul3A_391 = arith.mulf %add3A_377, %add3A_339 : vector<1x128xf32>
      %mul3A_392 = arith.mulf %add3A_366, %tanh3A_379 : vector<1x128xf32>
      %add3A_393 = arith.addf %mul3A_391, %mul3A_392 : vector<1x128xf32>
      %tanh3A_394 = math.tanh %add3A_393 : vector<1x128xf32>
      %mul3A_395 = arith.mulf %add3A_390, %tanh3A_394 : vector<1x128xf32>
      %swap3A_396 = arith.index_cast %add3A_348 : i32 to index
      %swap3A_397 = arith.constant 0 : index
      %swap3A_398 = vector.load %arg14[%swap3A_396, %swap3A_397] : memref<1000x128xf32, #tpu.memory_space<vmem>>, vector<1x128xf32>
      tpu.vector_store %arg14[%swap3A_396, %swap3A_397], %mul3A_395 {strides = array<i32>} : memref<1000x128xf32, #tpu.memory_space<vmem>>, vector<1x128xf32>,
      %mul3A_399 = arith.constant 8 : i32
      %mul3A_400 = arith.muli %scan3A_74, %mul3A_399 : i32
      %add3A_401 = arith.constant 6 : i32
      %add3A_402 = arith.addi %mul3A_400, %add3A_401 : i32
      %get3A_403 = arith.index_cast %add3A_402 : i32 to index
      %get3A_404 = arith.constant 0 : index
      %get3A_405 = vector.load %arg13[%get3A_403, %get3A_404] : memref<1000x512xf32, #tpu.memory_space<vmem>>, vector<1x512xf32>
      %convert_element_type3A_406 = arith.truncf %mul3A_395 : vector<1x128xf32> to vector<1x128xbf16>
      %dot_general3A_407 = arith.constant dense<0.000000e+00> : vector<1x512xf32>
      %dot_general3A_408 = tpu.matmul %convert_element_type3A_406, %convert_element_type3A_40, %dot_general3A_407 {dimension_numbers = #tpu.dot_dimension_numbers<[1], [0], [0], [1], [0, 0, 1, 1], [], []>, transpose_lhs_hint = false} : vector<1x128xbf16>, vector<128x512xbf16>, vector<1x512xf32> -> vector<1x512xf32>
      %add3A_409 = arith.addf %get3A_405, %dot_general3A_408 : vector<1x512xf32>
      %slice3A_410 = vector.extract_strided_slice %add3A_409 {offsets = [0, 0], sizes = [1, 128], strides = [1, 1]} : vector<1x512xf32> to vector<1x128xf32>
      %mul3A_411 = arith.constant 5.000000e-01 : f32
      %mul3A_412 = vector.broadcast %mul3A_411 : f32 to vector<1x128xf32>
      %mul3A_413 = arith.mulf %mul3A_412, %slice3A_410 : vector<1x128xf32>
      %tanh3A_414 = math.tanh %mul3A_413 : vector<1x128xf32>
      %mul3A_415 = arith.constant 5.000000e-01 : f32
      %mul3A_416 = vector.broadcast %mul3A_415 : f32 to vector<1x128xf32>
      %mul3A_417 = arith.mulf %mul3A_416, %tanh3A_414 : vector<1x128xf32>
      %add3A_418 = arith.constant 5.000000e-01 : f32
      %add3A_419 = vector.broadcast %add3A_418 : f32 to vector<1x128xf32>
      %add3A_420 = arith.addf %add3A_419, %mul3A_417 : vector<1x128xf32>
      %slice3A_421 = vector.extract_strided_slice %add3A_409 {offsets = [0, 128], sizes = [1, 128], strides = [1, 1]} : vector<1x512xf32> to vector<1x128xf32>
      %mul3A_422 = arith.constant 5.000000e-01 : f32
      %mul3A_423 = vector.broadcast %mul3A_422 : f32 to vector<1x128xf32>
      %mul3A_424 = arith.mulf %mul3A_423, %slice3A_421 : vector<1x128xf32>
      %tanh3A_425 = math.tanh %mul3A_424 : vector<1x128xf32>
      %mul3A_426 = arith.constant 5.000000e-01 : f32
      %mul3A_427 = vector.broadcast %mul3A_426 : f32 to vector<1x128xf32>
      %mul3A_428 = arith.mulf %mul3A_427, %tanh3A_425 : vector<1x128xf32>
      %add3A_429 = arith.constant 5.000000e-01 : f32
      %add3A_430 = vector.broadcast %add3A_429 : f32 to vector<1x128xf32>
      %add3A_431 = arith.addf %add3A_430, %mul3A_428 : vector<1x128xf32>
      %slice3A_432 = vector.extract_strided_slice %add3A_409 {offsets = [0, 256], sizes = [1, 128], strides = [1, 1]} : vector<1x512xf32> to vector<1x128xf32>
      %tanh3A_433 = math.tanh %slice3A_432 : vector<1x128xf32>
      %slice3A_434 = vector.extract_strided_slice %add3A_409 {offsets = [0, 384], sizes = [1, 128], strides = [1, 1]} : vector<1x512xf32> to vector<1x128xf32>
      %mul3A_435 = arith.constant 5.000000e-01 : f32
      %mul3A_436 = vector.broadcast %mul3A_435 : f32 to vector<1x128xf32>
      %mul3A_437 = arith.mulf %mul3A_436, %slice3A_434 : vector<1x128xf32>
      %tanh3A_438 = math.tanh %mul3A_437 : vector<1x128xf32>
      %mul3A_439 = arith.constant 5.000000e-01 : f32
      %mul3A_440 = vector.broadcast %mul3A_439 : f32 to vector<1x128xf32>
      %mul3A_441 = arith.mulf %mul3A_440, %tanh3A_438 : vector<1x128xf32>
      %add3A_442 = arith.constant 5.000000e-01 : f32
      %add3A_443 = vector.broadcast %add3A_442 : f32 to vector<1x128xf32>
      %add3A_444 = arith.addf %add3A_443, %mul3A_441 : vector<1x128xf32>
      %mul3A_445 = arith.mulf %add3A_431, %add3A_393 : vector<1x128xf32>
      %mul3A_446 = arith.mulf %add3A_420, %tanh3A_433 : vector<1x128xf32>
      %add3A_447 = arith.addf %mul3A_445, %mul3A_446 : vector<1x128xf32>
      %tanh3A_448 = math.tanh %add3A_447 : vector<1x128xf32>
      %mul3A_449 = arith.mulf %add3A_444, %tanh3A_448 : vector<1x128xf32>
      %swap3A_450 = arith.index_cast %add3A_402 : i32 to index
      %swap3A_451 = arith.constant 0 : index
      %swap3A_452 = vector.load %arg14[%swap3A_450, %swap3A_451] : memref<1000x128xf32, #tpu.memory_space<vmem>>, vector<1x128xf32>
      tpu.vector_store %arg14[%swap3A_450, %swap3A_451], %mul3A_449 {strides = array<i32>} : memref<1000x128xf32, #tpu.memory_space<vmem>>, vector<1x128xf32>,
      %mul3A_453 = arith.constant 8 : i32
      %mul3A_454 = arith.muli %scan3A_74, %mul3A_453 : i32
      %add3A_455 = arith.constant 7 : i32
      %add3A_456 = arith.addi %mul3A_454, %add3A_455 : i32
      %get3A_457 = arith.index_cast %add3A_456 : i32 to index
      %get3A_458 = arith.constant 0 : index
      %get3A_459 = vector.load %arg13[%get3A_457, %get3A_458] : memref<1000x512xf32, #tpu.memory_space<vmem>>, vector<1x512xf32>
      %convert_element_type3A_460 = arith.truncf %mul3A_449 : vector<1x128xf32> to vector<1x128xbf16>
      %dot_general3A_461 = arith.constant dense<0.000000e+00> : vector<1x512xf32>
      %dot_general3A_462 = tpu.matmul %convert_element_type3A_460, %convert_element_type3A_40, %dot_general3A_461 {dimension_numbers = #tpu.dot_dimension_numbers<[1], [0], [0], [1], [0, 0, 1, 1], [], []>, transpose_lhs_hint = false} : vector<1x128xbf16>, vector<128x512xbf16>, vector<1x512xf32> -> vector<1x512xf32>
      %add3A_463 = arith.addf %get3A_459, %dot_general3A_462 : vector<1x512xf32>
      %slice3A_464 = vector.extract_strided_slice %add3A_463 {offsets = [0, 0], sizes = [1, 128], strides = [1, 1]} : vector<1x512xf32> to vector<1x128xf32>
      %mul3A_465 = arith.constant 5.000000e-01 : f32
      %mul3A_466 = vector.broadcast %mul3A_465 : f32 to vector<1x128xf32>
      %mul3A_467 = arith.mulf %mul3A_466, %slice3A_464 : vector<1x128xf32>
      %tanh3A_468 = math.tanh %mul3A_467 : vector<1x128xf32>
      %mul3A_469 = arith.constant 5.000000e-01 : f32
      %mul3A_470 = vector.broadcast %mul3A_469 : f32 to vector<1x128xf32>
      %mul3A_471 = arith.mulf %mul3A_470, %tanh3A_468 : vector<1x128xf32>
      %add3A_472 = arith.constant 5.000000e-01 : f32
      %add3A_473 = vector.broadcast %add3A_472 : f32 to vector<1x128xf32>
      %add3A_474 = arith.addf %add3A_473, %mul3A_471 : vector<1x128xf32>
      %slice3A_475 = vector.extract_strided_slice %add3A_463 {offsets = [0, 128], sizes = [1, 128], strides = [1, 1]} : vector<1x512xf32> to vector<1x128xf32>
      %mul3A_476 = arith.constant 5.000000e-01 : f32
      %mul3A_477 = vector.broadcast %mul3A_476 : f32 to vector<1x128xf32>
      %mul3A_478 = arith.mulf %mul3A_477, %slice3A_475 : vector<1x128xf32>
      %tanh3A_479 = math.tanh %mul3A_478 : vector<1x128xf32>
      %mul3A_480 = arith.constant 5.000000e-01 : f32
      %mul3A_481 = vector.broadcast %mul3A_480 : f32 to vector<1x128xf32>
      %mul3A_482 = arith.mulf %mul3A_481, %tanh3A_479 : vector<1x128xf32>
      %add3A_483 = arith.constant 5.000000e-01 : f32
      %add3A_484 = vector.broadcast %add3A_483 : f32 to vector<1x128xf32>
      %add3A_485 = arith.addf %add3A_484, %mul3A_482 : vector<1x128xf32>
      %slice3A_486 = vector.extract_strided_slice %add3A_463 {offsets = [0, 256], sizes = [1, 128], strides = [1, 1]} : vector<1x512xf32> to vector<1x128xf32>
      %tanh3A_487 = math.tanh %slice3A_486 : vector<1x128xf32>
      %slice3A_488 = vector.extract_strided_slice %add3A_463 {offsets = [0, 384], sizes = [1, 128], strides = [1, 1]} : vector<1x512xf32> to vector<1x128xf32>
      %mul3A_489 = arith.constant 5.000000e-01 : f32
      %mul3A_490 = vector.broadcast %mul3A_489 : f32 to vector<1x128xf32>
      %mul3A_491 = arith.mulf %mul3A_490, %slice3A_488 : vector<1x128xf32>
      %tanh3A_492 = math.tanh %mul3A_491 : vector<1x128xf32>
      %mul3A_493 = arith.constant 5.000000e-01 : f32
      %mul3A_494 = vector.broadcast %mul3A_493 : f32 to vector<1x128xf32>
      %mul3A_495 = arith.mulf %mul3A_494, %tanh3A_492 : vector<1x128xf32>
      %add3A_496 = arith.constant 5.000000e-01 : f32
      %add3A_497 = vector.broadcast %add3A_496 : f32 to vector<1x128xf32>
      %add3A_498 = arith.addf %add3A_497, %mul3A_495 : vector<1x128xf32>
      %mul3A_499 = arith.mulf %add3A_485, %add3A_447 : vector<1x128xf32>
      %mul3A_500 = arith.mulf %add3A_474, %tanh3A_487 : vector<1x128xf32>
      %add3A_501 = arith.addf %mul3A_499, %mul3A_500 : vector<1x128xf32>
      %tanh3A_502 = math.tanh %add3A_501 : vector<1x128xf32>
      %mul3A_503 = arith.mulf %add3A_498, %tanh3A_502 : vector<1x128xf32>
      %swap3A_504 = arith.index_cast %add3A_456 : i32 to index
      %swap3A_505 = arith.constant 0 : index
      %swap3A_506 = vector.load %arg14[%swap3A_504, %swap3A_505] : memref<1000x128xf32, #tpu.memory_space<vmem>>, vector<1x128xf32>
      tpu.vector_store %arg14[%swap3A_504, %swap3A_505], %mul3A_503 {strides = array<i32>} : memref<1000x128xf32, #tpu.memory_space<vmem>>, vector<1x128xf32>,
      scf.yield %mul3A_503, %add3A_501 : vector<1x128xf32>, vector<1x128xf32>
    }
    %scan3A_51 = arith.constant 125 : i32
    %swap3A_52 = arith.constant 0 : index
    %swap3A_53 = arith.constant 0 : index
    %swap3A_54 = vector.load %arg11[%swap3A_52, %swap3A_53] : memref<1x128xf32, #tpu.memory_space<vmem>>, vector<1x128xf32>
    tpu.vector_store %arg11[%swap3A_52, %swap3A_53], %scan3A_50#0 {strides = array<i32>} : memref<1x128xf32, #tpu.memory_space<vmem>>, vector<1x128xf32>,
    %swap3A_55 = arith.constant 0 : index
    %swap3A_56 = arith.constant 0 : index
    %swap3A_57 = vector.load %arg12[%swap3A_55, %swap3A_56] : memref<1x128xf32, #tpu.memory_space<vmem>>, vector<1x128xf32>
    tpu.vector_store %arg12[%swap3A_55, %swap3A_56], %scan3A_50#1 {strides = array<i32>} : memref<1x128xf32, #tpu.memory_space<vmem>>, vector<1x128xf32>,
    %get3A_58 = arith.constant 0 : index
    %get3A_59 = arith.constant 0 : index
    %get3A_60 = vector.load %arg14[%get3A_58, %get3A_59] : memref<1000x128xf32, #tpu.memory_space<vmem>>, vector<1000x128xf32>
    %get3A_61 = arith.constant 0 : index
    %get3A_62 = arith.constant 0 : index
    %get3A_63 = vector.load %arg8[%get3A_61, %get3A_62] : memref<128x128xf32, #tpu.memory_space<vmem>>, vector<128x128xf32>
    %dot_general3A_64 = arith.constant dense<0.000000e+00> : vector<1000x128xf32>
    %dot_general3A_65 = tpu.matmul %get3A_60, %get3A_63, %dot_general3A_64 {dimension_numbers = #tpu.dot_dimension_numbers<[1], [0], [0], [1], [0, 0, 1, 1], [], []>, transpose_lhs_hint = false} : vector<1000x128xf32>, vector<128x128xf32>, vector<1000x128xf32> -> vector<1000x128xf32>
    %get3A_66 = arith.constant 0 : index
    %get3A_67 = arith.constant 0 : index
    %get3A_68 = vector.load %arg9[%get3A_66, %get3A_67] : memref<1x128xf32, #tpu.memory_space<vmem>>, vector<1x128xf32>
    %add3A_69 = vector.broadcast %get3A_68 : vector<1x128xf32> to vector<1000x128xf32>
    %add3A_70 = arith.addf %dot_general3A_65, %add3A_69 : vector<1000x128xf32>
    %swap3A_71 = arith.constant 0 : index
    %swap3A_72 = arith.constant 0 : index
    %swap3A_73 = vector.load %arg10[%swap3A_71, %swap3A_72] : memref<1000x128xf32, #tpu.memory_space<vmem>>, vector<1000x128xf32>
    tpu.vector_store %arg10[%swap3A_71, %swap3A_72], %add3A_70 {strides = array<i32>} : memref<1000x128xf32, #tpu.memory_space<vmem>>, vector<1000x128xf32>,
    return
  }
  func.func @transform_0(%arg0: i32) -> (i32, i32, i32) {
    %c0_i32 = arith.constant 0 : i32
    %c0_i32_0 = arith.constant 0 : i32
    %c0_i32_1 = arith.constant 0 : i32
    return %c0_i32, %arg0, %c0_i32_0 : i32, i32, i32
  }
  func.func @transform_1(%arg0: i32) -> (i32, i32) {
    %c0_i32 = arith.constant 0 : i32
    %c0_i32_0 = arith.constant 0 : i32
    return %arg0, %c0_i32 : i32, i32
  }
  func.func @transform_2(%arg0: i32) -> (i32, i32) {
    %c0_i32 = arith.constant 0 : i32
    %c0_i32_0 = arith.constant 0 : i32
    return %arg0, %c0_i32 : i32, i32
  }
  func.func @transform_3(%arg0: i32) -> (i32, i32) {
    %c0_i32 = arith.constant 0 : i32
    %c0_i32_0 = arith.constant 0 : i32
    %c0_i32_1 = arith.constant 0 : i32
    return %c0_i32, %c0_i32_0 : i32, i32
  }
  func.func @transform_4(%arg0: i32) -> (i32, i32) {
    %c0_i32 = arith.constant 0 : i32
    %c0_i32_0 = arith.constant 0 : i32
    %c0_i32_1 = arith.constant 0 : i32
    return %c0_i32, %c0_i32_0 : i32, i32
  }
  func.func @transform_5(%arg0: i32) -> (i32, i32) {
    %c0_i32 = arith.constant 0 : i32
    %c0_i32_0 = arith.constant 0 : i32
    %c0_i32_1 = arith.constant 0 : i32
    return %c0_i32, %c0_i32_0 : i32, i32
  }
  func.func @transform_6(%arg0: i32) -> (i32, i32) {
    %c0_i32 = arith.constant 0 : i32
    %c0_i32_0 = arith.constant 0 : i32
    %c0_i32_1 = arith.constant 0 : i32
    return %c0_i32, %c0_i32_0 : i32, i32
  }
  func.func @transform_7(%arg0: i32) -> (i32, i32) {
    %c0_i32 = arith.constant 0 : i32
    %c0_i32_0 = arith.constant 0 : i32
    %c0_i32_1 = arith.constant 0 : i32
    return %c0_i32, %c0_i32_0 : i32, i32
  }
  func.func @transform_8(%arg0: i32) -> (i32, i32) {
    %c0_i32 = arith.constant 0 : i32
    %c0_i32_0 = arith.constant 0 : i32
    %c0_i32_1 = arith.constant 0 : i32
    return %c0_i32, %c0_i32_0 : i32, i32
  }
  func.func @transform_9(%arg0: i32) -> (i32, i32) {
    %c0_i32 = arith.constant 0 : i32
    %c0_i32_0 = arith.constant 0 : i32
    return %arg0, %c0_i32 : i32, i32
  }
}

</mosaic_0001>

<sc_bundles>
// kernel: kernel.12.cloned.1.call-start
scs
__scs_entry_jumppad:
0x0: {  	(pc) =	sbr.rel $0x88, $3  }
0x1: {  	(tag) =	ssettag $0x0;
	lr =	simm.s32 $0x1  }
0x2: {  	[smem:$0x3F95] =	sst lr;
	_ =	strace $0xD0000000  }
0x3: {  	_ = 	snop  }
0x4: {  	_ = 	snop  }
0x5: {  	_ = 	snop  }
0x6: {  	_ = 	snop  }
0x7: {  	_ = 	snop  }
__scs_overlays_trampoline_lowered:
0x8: {  	[smem:$0x3FA4] =	sst s0  }
0x9: {  	[smem:$0x3FA5] =	sst s1  }
0xa: {  	[smem:$0x3FA6] =	sst s2  }
0xb: {  	[smem:$0x3FA7] =	sst s3  }
0xc: {  	[smem:$0x3FA8] =	sst s4  }
0xd: {  	[smem:$0x3FA9] =	sst s5  }
0xe: {  	[smem:$0x3FAA] =	sst s6  }
0xf: {  	[smem:$0x3FAB] =	sst s7  }
0x10: {  	[smem:$0x3FAC] =	sst s8  }
0x11: {  	[smem:$0x3FAD] =	sst s9;
	s0 =	simm.s32 @!p0 $0x0  }
0x12: {  	s1 =	sld [smem:$0x3F93];
	s0 =	simm.s32 @p0 $0x1  }
0x13: {  	[smem:$0x3FAE] =	sst s0;
	s0 =	simm.s32 @!p1 $0x0  }
0x14: {  	s2 =	sld [smem:$0x3F92];
	s0 =	simm.s32 @p1 $0x1  }
0x15: {  	[smem:$0x3FAF] =	sst s0;
	s0 =	simm.s32 @!p2 $0x0  }
0x16: {  	s3 =	sld [smem:$0x3FDB];
	s0 =	simm.s32 @p2 $0x1  }
0x17: {  	s4 =	simm.s32 $0x1BF5;
	[smem:$0x3FB1] =	sst s0  }
0x18: {  	s0 =	sld [smem:$0x3F94];
	_ =	swait.ge [sflag:s4], $0x0  }
0x19: {  	s7 =	sld [smem:$0x3F95]  }
0x1a: {  	s8 =	sadd.s32 $0xFFFFE003, lr  }
0x1b: {  	s9 =	sadd.s32 $0xFFFFFEF7, lr;
	s5 =	simm.s32 $0xFFFFFFFF;
	p2 =	slt.u32 s8, $0xFFFFF086  }
0x1c: {  	p1 =	slt.u32 s9, $0xF7A;
	s5 =	simm.s32 @!p2 $0x0  }
0x1d: {  	s5 =	simm.s32 @p1 $0x1;
	p0 =	seq.s32 s7, s2  }
0x1e: {  	s7 =	smul.u32 @!p0 $0xF7A, s2;
	p2 =	seq.s32 @!p0 s5, $0x0  }
0x1f: {  	s9 =	smul.u32 $0xF7A, s1;
	s8 =	simm.s32 @!p0 $0x1BF5;
	p2 =	por !p2, p0  }
0x20: {  	[sflag:s8] =	ssyncset.s32 @!p0 $0xFFFFF086;
	s6 =	sadd.s32 @!p0 s3, s7;
	s7 =	simm.s32 @!p0 $0x108  }
0x21: {  	s3 =	sadd.s32 s3, s9;
	s6 =	sadd.s32 @!p0 $0x88, s6;
	s7 =	simm.s32 @p2 $0x1082  }
0x22: {  	[simem:s7], [sflag:s8] =	dma.local @!p0 [hbm:s6], $0xF7A  }
0x23: {  	s9 =	sor.u32 $0xD0000000, s2;
	s6 =	simm.s32 $0x108;
	_ =	swait.ge @!p0 [sflag:s8], $0x0  }
0x24: {  	s3 =	sadd.s32 $0x88, s3;
	s6 =	simm.s32 @!p1 $0x1082;
	[sflag:s4] =	ssyncset.s32 $0xFFFFF086  }
0x25: {  	[simem:s6], [sflag:s4] =	dma.local [hbm:s3], $0xF7A  }
0x26: {  	[smem:$0x3F95] =	sst s1;
	(tag) =	ssettag s2;
	_ =	strace s9  }
0x27: {  	s1 =	sld [smem:$0x3FA5]  }
0x28: {  	s2 =	sld [smem:$0x3FA6]  }
0x29: {  	s4 =	sld [smem:$0x3FA8]  }
0x2a: {  	p0 =	seq.s32 s5, $0x0;
	s5 =	sld [smem:$0x3FA9]  }
0x2b: {  	s6 =	sld [smem:$0x3FAA]  }
0x2c: {  	s7 =	sld [smem:$0x3FAB]  }
0x2d: {  	s3 =	simm.s32 $0x108;
	s8 =	sld [smem:$0x3FAC]  }
0x2e: {  	s3 =	simm.s32 @!p0 $0x1082;
	s9 =	sld [smem:$0x3FAD]  }
0x2f: {  	lr =	sadd.s32 s0, s3;
	s0 =	sld [smem:$0x3FA4]  }
0x30: {  	s3 =	sld [smem:$0x3FA7]  }
0x31: {  	[smem:$0x3FB0] =	sst s10  }
0x32: {  	s10 =	sld [smem:$0x3FAE];
	_ =	sdelay $0x3  }
0x33: {  	p0 =	seq.s32 s10, $0x1;
	s10 =	sld [smem:$0x3FB0];
	_ =	sdelay $0x3  }
0x34: {  	[smem:$0x3FB0] =	sst s10  }
0x35: {  	s10 =	sld [smem:$0x3FAF];
	_ =	sdelay $0x3  }
0x36: {  	p1 =	seq.s32 s10, $0x1;
	s10 =	sld [smem:$0x3FB0];
	_ =	sdelay $0x3  }
0x37: {  	[smem:$0x3FB0] =	sst s10  }
0x38: {  	s10 =	sld [smem:$0x3FB1]  }
0x39: {  	_ = 	snop;
	(pc) =	sbr.ind lr, $3  }
0x3a: {  	_ = 	snop  }
0x3b: {  	_ = 	snop  }
0x3c: {  	p2 =	seq.s32 s10, $0x1;
	s10 =	sld [smem:$0x3FB0]  }
0x3d: {  	_ =	shalt  }
0x3e: {  	_ =	shalt  }
0x3f: {  	_ =	shalt  }
0x40: {  	_ =	shalt  }
0x41: {  	_ =	shalt  }
0x42: {  	_ =	shalt  }
0x43: {  	_ =	shalt  }
0x44: {  	_ =	shalt  }
0x45: {  	_ =	shalt  }
0x46: {  	_ =	shalt  }
0x47: {  	_ =	shalt  }
0x48: {  	_ =	shalt  }
0x49: {  	_ =	shalt  }
0x4a: {  	_ =	shalt  }
0x4b: {  	_ =	shalt  }
0x4c: {  	_ =	shalt  }
0x4d: {  	_ =	shalt  }
0x4e: {  	_ =	shalt  }
0x4f: {  	_ =	shalt  }
0x50: {  	_ =	shalt  }
0x51: {  	_ =	shalt  }
0x52: {  	_ =	shalt  }
0x53: {  	_ =	shalt  }
0x54: {  	_ =	shalt  }
0x55: {  	_ =	shalt  }
0x56: {  	_ =	shalt  }
0x57: {  	_ =	shalt  }
0x58: {  	_ =	shalt  }
0x59: {  	_ =	shalt  }
0x5a: {  	_ =	shalt  }
0x5b: {  	_ =	shalt  }
0x5c: {  	_ =	shalt  }
0x5d: {  	_ =	shalt  }
0x5e: {  	_ =	shalt  }
0x5f: {  	_ =	shalt  }
0x60: {  	_ =	shalt  }
0x61: {  	_ =	shalt  }
0x62: {  	_ =	shalt  }
0x63: {  	_ =	shalt  }
0x64: {  	_ =	shalt  }
0x65: {  	_ =	shalt  }
0x66: {  	_ =	shalt  }
0x67: {  	_ =	shalt  }
0x68: {  	_ =	shalt  }
0x69: {  	_ =	shalt  }
0x6a: {  	_ =	shalt  }
0x6b: {  	_ =	shalt  }
0x6c: {  	_ =	shalt  }
0x6d: {  	_ =	shalt  }
0x6e: {  	_ =	shalt  }
0x6f: {  	_ =	shalt  }
0x70: {  	_ =	shalt  }
0x71: {  	_ =	shalt  }
0x72: {  	_ =	shalt  }
0x73: {  	_ =	shalt  }
0x74: {  	_ =	shalt  }
0x75: {  	_ =	shalt  }
0x76: {  	_ =	shalt  }
0x77: {  	_ =	shalt  }
0x78: {  	_ =	shalt  }
0x79: {  	_ =	shalt  }
0x7a: {  	_ =	shalt  }
0x7b: {  	_ =	shalt  }
0x7c: {  	_ =	shalt  }
0x7d: {  	_ =	shalt  }
0x7e: {  	_ =	shalt  }
0x7f: {  	_ =	shalt  }
0x80: {  	_ =	shalt  }
0x81: {  	_ =	shalt  }
0x82: {  	_ =	shalt  }
0x83: {  	_ =	shalt  }
0x84: {  	_ =	shalt  }
0x85: {  	_ =	shalt  }
0x86: {  	_ =	shalt  }
0x87: {  	_ =	shalt  }
.Lfunc_end0:
.L_simem_size_0:
called_computation.1_lowered:
.L_overlay_start_0:
0x88: {  	s2 =	sld [smem:$0x3FD9]  }
0x89: {  	s3 =	sld [smem:$0x3FFE];
	_ =	sdelay $0x1  }
0x8a: {  	s1 =	srdreg.scid  }
0x8b: {  	s0 =	sand.u32 $0x1, s1  }
0x8c: {  	s17 =	sshll.u32 s0, $0xA;
	s2 =	sadd.s32 s3, s2  }
0x8d: {  	s2 =	sadd.s32 s2, s17  }
0x8e: {  	[smem:$0x3FBC] =	sst s2  }
0x8f: {  	_ = 	snop  }
0x90: {  	s2 =	sld [smem:$0x3FD0];
	(tm) =	ssettm $0x1  }
0x91: {  	s18 =	sld [smem:$0x3FFB];
	_ =	sdelay $0x3  }
0x92: {  	_ =	strace s18  }
0x93: {  	s3 =	sld [smem:$0x3FFC];
	_ =	sdelay $0x3  }
0x94: {  	_ =	strace s3  }
0x95: {  	s3 =	sld [smem:$0x3FFD];
	_ =	sdelay $0x3  }
0x96: {  	_ =	strace s3  }
0x97: {  	_ =	strace $0x8FFFFFFF  }
0x98: {  	s19 =	sld [smem:$0x3FDB];
	_ =	sdelay $0x1  }
0x99: {  	s4 =	simm.s32 $_scs_section_size  }
0x9a: {  	s5 =	simm.s32 $_size__tile_overlayer_lowered;
	s6 =	simm.s32 $_tile_overlayer_lowered  }
0x9b: {  	s22 =	simm.s32 $0x1BFF;
	s21 =	sshll.u32 s6, $0x1;
	s3 =	sadd.s32 s4, s19  }
0x9c: {  	s7 =	simm.s32 $0x0;
	s20 =	sshll.u32 s5, $0x1;
	s5 =	sadd.s32 s21, s3  }
0x9d: {  	[timem:s7], [sflag:s22] =	dma.local [hbm:s5], s20  }
0x9e: {  	_ =	swait.ge [sflag:s22], s20  }
0x9f: {  	s4 =	ssub.s32 $0x0, s20;
	[sflag:s22] =	ssyncset.done $0x0  }
0xa0: {  	[sflag:s22] =	ssyncadd.s32 s4;
	_ =	sdelay $0x1  }
0xa1: {  	s23 =	simm.s32 $0x1B8B  }
0xa2: {  	_ =	swait.ge [sflag:s23], $0x1  }
0xa3: {  	[sflag:s23] =	ssyncset.done $0x0  }
0xa4: {  	s25 =	simm.s32 $0x1B8E;
	s24 =	sld [smem:$0x3FFE];
	[sflag:s23] =	ssyncadd.s32 $0xFFFFFFFF  }
0xa5: {  	s26 =	simm.s32 $execute0_lowered;
	[smem:$0x3FD2] =	sst s25  }
0xa6: {  	s5 =	sshll.u32 s26, $0x1;
	_ =	strace $0x80000049;
	[dreg:$0x1] =	wrdreg $0xFFFFFFFF  }
0xa7: {  	s28 =	simm.s32 $_size_execute0_lowered;
	s3 =	sadd.s32 s3, s5;
	[dreg:$0x0] =	wrdreg $0x0  }
0xa8: {  	s5 =	sshll.u32 s28, $0x1;
	[dreg:$0x2] =	wrdreg s3  }
0xa9: {  	[dreg:$0x3] =	wrdreg s5  }
0xaa: {  	[dreg:$0x4] =	wrdreg $0xC0  }
0xab: {  	_ =	task [dreg:s7], $0x5FFFF  }
0xac: {  	[dreg:$0x1] =	wrdreg $0xFFFFFFFF  }
0xad: {  	[dreg:$0x0] =	wrdreg $0x60  }
0xae: {  	[dreg:$0x2] =	wrdreg s2  }
0xaf: {  	[dreg:$0x3] =	wrdreg s24  }
0xb0: {  	[dreg:$0x4] =	wrdreg $0x2C000  }
0xb1: {  	[dreg:$0x5] =	wrdreg $0x9  }
0xb2: {  	_ =	task.clear_ibuf [dreg:s7], $0x6FFFF;
	_ =	strace $0x90000049  }
0xb3: {  	s29 =	simm.s32 $0x9;
	_ =	strace $0x8000004B  }
0xb4: {  	_ =	swait.ge [sflag:s29], $0x1  }
0xb5: {  	[sflag:s29] =	ssyncadd.s32 $0xFFFFFFFF  }
0xb6: {  	_ =	strace $0x9000004B  }
0xb7: {  	_ =	sfence  }
0xb8: {  	s30 =	sld [smem:$0x0];
	_ =	sdelay $0x2  }
0xb9: {  	s31 =	sshll.u32 s1, $0xD;
	s1 =	sshrl.u32 s1, $0x2  }
0xba: {  	s3 =	sand.u32 $0x4000, s31;
	s1 =	sadd.s32 s1, s30  }
0xbb: {  	s0 =	sor.u32 s3, s0;
	s1 =	sshll.u32 s1, $0x11  }
0xbc: {  	s0 =	sor.u32 s1, s0  }
0xbd: {  	s0 =	sadd.s32 $0x8F2B, s0  }
0xbe: {  	[sflag:s0] =	ssyncadd.remote.s32 $0x1  }
0xbf: {  	_ =	sfence.sel $0xFFFF  }
0xc0: {  	[dreg:$0x0] =	wrdreg $0xFFFFFFFF;
	(pc) =	sbr.abs _section_cstart, $3  }
0xc1: {  	[dreg:$0x1] =	wrdreg $0xFFFFFFFF  }
0xc2: {  	_ =	task.clear_ibuf [dreg:s7], $0x2FFFF;
	_ =	strace $0x9FFFFFFF  }
0xc3: {  	(tm) =	ssettm $0x7FFFFFFF  }
tec
execute0_lowered:
.L_overlay_start_1:
0x0: {  	(tag) =	ssettag $0x1  }
0x1: {  	s1 =	rddreg [dreg:$0x0]  }
0x2: {  	s0 =	rddreg [dreg:$0x1]  }
0x3: {  	s3 =	rddreg [dreg:$0x2]  }
0x4: {  	s2 =	srdreg.scid;
	s11 =	stileid.u32;
	s4 =	simm.s32 $0x0  }
0x5: {  	s28 =	simm.s32 $0x180;
	s30 =	simm.s32 $0x28;
	s31 =	simm.s32 $0x400  }
0x6: {  	s2 =	sand.u32 $0x1, s2;
	s7 =	smul.u32 $0x2780, s11;
	[smem:$0x7FF] =	sst s4  }
0x7: {  	s5 =	sadd.s32 $0x74800, s0;
	s6 =	sadd.s32 $0x3000, s0;
	s9 =	sadd.s32 $0x23000, s0  }
0x8: {  	s13 =	smul.u32 $0x4F000, s11;
	s10 =	sshll.u32 s11, $0xF;
	s17 =	sshll.u32 s11, $0x6  }
0x9: {  	s11 =	simm.s32 $0xA;
	s8 =	smul.u32 $0x27800, s2;
	_ =	strace $0x8000004A  }
0xa: {  	[dreg:$0x4] =	wrdreg s9;
	s12 =	ssub.s32 $0x2, s2;
	s2 =	sshll.u32 s2, $0x13  }
0xb: {  	s17 =	sor.u32 $0x1C0B, s17;
	s14 =	sshrl.u32 s12, $0x1;
	s15 =	sshrl.u32 s13, $0x2  }
0xc: {  	s13 =	simm.s32 $0x4;
	[dreg:$0x5] =	wrdreg s17;
	s7 =	sadd.s32 s7, s8  }
0xd: {  	s8 =	sor.u32 s10, s2;
	s16 =	sadd.s32 s15, s3;
	s2 =	simm.s32 $0x1800  }
0xe: {  	s15 =	simm.s32 $0x380;
	s0 =	sadd.s32 s7, s0;
	s10 =	sshrl.u32 s8, $0x3  }
0xf: {  	s7 =	ssub.s32 s12, s14;
	s14 =	simm.s32 $0x8;
	s18 =	sadd.s32 s5, s10  }
0x10: {  	s19 =	sor.u32 $0x10, s10;
	s20 =	sadd.s32 s6, s10;
	[dreg:$0x6] =	wrdreg s18  }
0x11: {  	s12 =	sor.u32 $0x20, s10;
	s0 =	sadd.s32 $0x25800, s0;
	[dreg:$0x7] =	wrdreg s20  }
0x12: {  	s10 =	sor.u32 $0x30, s10;
	s29 =	smax.u32 s7, $0x1;
	[dreg:$0xe] =	wrdreg s0  }
0x13: {  	s7 =	simm.s32 $0x5;
	s21 =	sadd.s32 s5, s19;
	[dreg:$0xf] =	wrdreg s29  }
0x14: {  	s22 =	sadd.s32 s6, s19;
	s23 =	sadd.s32 s5, s12;
	[dreg:$0x8] =	wrdreg s21  }
0x15: {  	s24 =	sadd.s32 s6, s12;
	s25 =	sadd.s32 s5, s10;
	[dreg:$0x9] =	wrdreg s22  }
0x16: {  	s26 =	sadd.s32 s6, s10;
	s18 =	sshrl.u32 s16, $0x3;
	[dreg:$0xa] =	wrdreg s23  }
.Ltmp0:
0x17: {  	s0 =	simm.s32 $0x2;
	[dreg:$0xb] =	wrdreg s24;
	(pc) =	sbr.rel .LBB2_1-.Ltmp0, $4  }
0x18: {  	s10 =	simm.s32 $0x3;
	s12 =	simm.s32 $0x6;
	[dreg:$0xc] =	wrdreg s25  }
0x19: {  	s16 =	simm.s32 $0x0;
	[dreg:$0xd] =	wrdreg s26;
	s21 =	simm.s32 $0xB  }
0x1a: {  	s22 =	simm.s32 $0x200;
	s23 =	simm.s32 $0x80;
	s24 =	simm.s32 $0x280  }
0x1b: {  	s25 =	simm.s32 $0x100;
	s26 =	simm.s32 $0x9;
	[dreg:$0x10] =	wrdreg s18  }
.LBB2_4:
0x1c: {  	[bflag:$0x0] =	sbarrier.arrive $0xFFFF  }
0x1d: {  	s17 =	rddreg [dreg:$0x5]  }
0x1e: {  	s9 =	rddreg [dreg:$0xe]  }
0x1f: {  	s18 =	rddreg [dreg:$0x10]  }
0x20: {  	[hbm:s9], [sflag:s17] =	dma.local [spmem:s18], $0x2780  }
0x21: {  	_ =	swait.ge [sflag:s21], $0x2780  }
0x22: {  	s16 =	sadd.s32 $0x1, s16;
	s29 =	rddreg [dreg:$0xf]  }
0x23: {  	p0 =	sne.s32 s16, s29  }
.Ltmp1:
0x24: {  	_ = 	snop;
	(pc) =	sbr.rel @!p0 .LBB2_5-.Ltmp1, $3  }
0x25: {  	_ =	sdelay $0x1  }
0x26: {  	[sflag:s21] =	ssyncset.done $0x0  }
0x27: {  	[sflag:s21] =	ssyncadd.s32 $0xFFFFD880  }
.LBB2_1:
0x28: {  	s9 =	rddreg [dreg:$0x4]  }
0x29: {  	[spmem:s18], [sflag:s17] =	dma.local [hbm:s9], $0x2780  }
0x2a: {  	_ =	swait.ge [sflag:s21], $0x2780  }
0x2b: {  	[sflag:s21] =	ssyncset.done $0x0  }
0x2c: {  	s17 =	rddreg [dreg:$0x6];
	[sflag:s21] =	ssyncadd.s32 $0xFFFFD880  }
0x2d: {  	[tilespmem:s4], [sflag:$0x1] =	stream.linear.gather [hbm4b:s17+s4], $0x80, $0x38;
	[tilespmem:$0x16800] =	vst v63  }
0x2e: {  	s18 =	rddreg [dreg:$0x7]  }
0x2f: {  	[tilespmem:s22], [sflag:$0x5] =	stream.linear.gather [hbm4b:s18+s4], $0x80, $0x38;
	[tilespmem:$0x16800] =	vst v63  }
0x30: {  	s19 =	rddreg [dreg:$0x8]  }
0x31: {  	[tilespmem:s23], [sflag:$0x2] =	stream.linear.gather [hbm4b:s19+s4], $0x80, $0x38;
	[tilespmem:$0x16800] =	vst v63  }
0x32: {  	s20 =	rddreg [dreg:$0x9]  }
0x33: {  	[tilespmem:s24], [sflag:$0x6] =	stream.linear.gather [hbm4b:s20+s4], $0x80, $0x38;
	[tilespmem:$0x16800] =	vst v63  }
0x34: {  	s29 =	rddreg [dreg:$0xa]  }
0x35: {  	[tilespmem:s25], [sflag:$0x3] =	stream.linear.gather [hbm4b:s29+s4], $0x80, $0x38;
	[tilespmem:$0x16800] =	vst v63  }
0x36: {  	s17 =	rddreg [dreg:$0xb];
	s18 =	simm.s32 $0x300  }
0x37: {  	[tilespmem:s18], [sflag:$0x7] =	stream.linear.gather [hbm4b:s17+s4], $0x80, $0x38;
	[tilespmem:$0x16800] =	vst v63  }
0x38: {  	s19 =	rddreg [dreg:$0xc]  }
0x39: {  	[tilespmem:s28], [sflag:$0x4] =	stream.linear.gather [hbm4b:s19+s4], $0x80, $0x38;
	[tilespmem:$0x16800] =	vst v63  }
0x3a: {  	s20 =	rddreg [dreg:$0xd]  }
0x3b: {  	[tilespmem:s15], [sflag:$0x8] =	stream.linear.gather [hbm4b:s20+s4], $0x80, $0x38;
	[tilespmem:$0x16800] =	vst v63  }
0x3c: {  	s29 =	simm.s32 $0x1;
	[bflag:$0x0] =	sbarrier.arrive $0xFFFF  }
0x3d: {  	_ =	swait.ge [sflag:s29], $0x80  }
0x3e: {  	[sflag:s29] =	ssyncset.done $0x0  }
0x3f: {  	[sflag:s29] =	ssyncadd.s32 $0xFFFFFF80  }
0x40: {  	[tilespmem:s31], [sflag:$0x9] =	stream.indirect.gather [hbm4b:s1+s30], $0x80, s4, s30, $0xb8;
	[tilespmem:$0x16800] =	vst v63  }
0x41: {  	_ =	swait.ge [sflag:s0], $0x80  }
0x42: {  	[sflag:s0] =	ssyncset.done $0x0  }
0x43: {  	s17 =	simm.s32 $0x380;
	[sflag:s0] =	ssyncadd.s32 $0xFFFFFF80  }
0x44: {  	[tilespmem:s2], [sflag:$0xA] =	stream.indirect.gather [hbm4b:s1+s30], $0x80, s23, s30, $0xb8;
	[tilespmem:$0x16800] =	vst v63  }
.LBB2_2:
0x45: {  	_ =	swait.ge [sflag:s26], $0x1400  }
0x46: {  	[sflag:s26] =	ssyncset.done $0x0  }
0x47: {  	[sflag:s26] =	ssyncadd.s32 $0xFFFFEC00  }
0x48: {  	_ =	swait.ge [sflag:s7], $0x80  }
0x49: {  	[sflag:s7] =	ssyncset.done $0x0  }
0x4a: {  	[sflag:s7] =	ssyncadd.s32 $0xFFFFFF80  }
0x4b: {  	[spmem:s3] =	stream.indirect.scatter.add.f32 [tilespmem:s31], [sflag:$0xB], $0x80, s22, s30, $0xb8;
	[tilespmem:$0x16800] =	vst v63  }
0x4c: {  	p0 =	seq.s32 s17, $0x7F80;
	_ =	swait.ge [sflag:s21], $0x1400  }
0x4d: {  	s18 =	sadd.s32 @!p0 $0xFFFFFE80, s17;
	[sflag:s21] =	ssyncset.done $0x0  }
0x4e: {  	s19 =	sand.u32 @!p0 $0xFC00, s18;
	[sflag:s21] =	ssyncadd.s32 $0xFFFFEC00  }
0x4f: {  	s18 =	sand.u32 @!p0 $0x200, s18;
	s19 =	sadd.s32 @!p0 s8, s19;
	_ =	swait.ge [sflag:s10], $0x80  }
0x50: {  	s18 =	sor.u32 @!p0 s18, s19;
	[sflag:s10] =	ssyncset.done $0x0  }
0x51: {  	s19 =	sshrl.u32 @!p0 s18, $0x3;
	[sflag:s10] =	ssyncadd.s32 $0xFFFFFF80  }
0x52: {  	[tilespmem:s31], [sflag:$0x9] =	stream.indirect.gather [hbm4b:s1+s30], $0x80, s25, s30, $0xb8;
	[tilespmem:$0x16800] =	vst v63  }
0x53: {  	s18 =	simm.s32 @!p0 $0x0;
	s29 =	sadd.s32 @!p0 s5, s19  }
0x54: {  	[tilespmem:s18], [sflag:$0x1] =	stream.linear.gather @!p0 [hbm4b:s29+s18], $0x80, $0x38;
	[tilespmem:$0x16800] =	vst v63  }
0x55: {  	s19 =	sadd.s32 @!p0 s6, s19;
	s29 =	simm.s32 @!p0 $0x200  }
0x56: {  	[tilespmem:s29], [sflag:$0x5] =	stream.linear.gather @!p0 [hbm4b:s19+s18], $0x80, $0x38;
	[tilespmem:$0x16800] =	vst v63  }
0x57: {  	_ =	swait.ge [sflag:s11], $0x1400  }
0x58: {  	[sflag:s11] =	ssyncset.done $0x0  }
0x59: {  	[sflag:s11] =	ssyncadd.s32 $0xFFFFEC00  }
0x5a: {  	_ =	swait.ge [sflag:s12], $0x80  }
0x5b: {  	[sflag:s12] =	ssyncset.done $0x0  }
0x5c: {  	[sflag:s12] =	ssyncadd.s32 $0xFFFFFF80  }
0x5d: {  	[spmem:s3] =	stream.indirect.scatter.add.f32 [tilespmem:s2], [sflag:$0xB], $0x80, s24, s30, $0xb8;
	[tilespmem:$0x16800] =	vst v63  }
0x5e: {  	_ =	swait.ge [sflag:s21], $0x1400  }
0x5f: {  	[sflag:s21] =	ssyncset.done $0x0  }
0x60: {  	[sflag:s21] =	ssyncadd.s32 $0xFFFFEC00  }
0x61: {  	_ =	swait.ge [sflag:s13], $0x80  }
0x62: {  	[sflag:s13] =	ssyncset.done $0x0  }
0x63: {  	s19 =	simm.s32 @p0 $0x9;
	[sflag:s13] =	ssyncadd.s32 $0xFFFFFF80  }
0x64: {  	[tilespmem:s2], [sflag:$0xA] =	stream.indirect.gather [hbm4b:s1+s30], $0x80, s28, s30, $0xb8;
	[tilespmem:$0x16800] =	vst v63  }
0x65: {  	_ =	swait.ge @p0 [sflag:s19], $0x1400  }
0x66: {  	[sflag:s19] =	ssyncset.done @p0 $0x0  }
0x67: {  	[sflag:s19] =	ssyncadd.s32 @p0 $0xFFFFEC00;
	s19 =	simm.s32 @p0 $0x7  }
0x68: {  	_ =	swait.ge @p0 [sflag:s19], $0x80  }
0x69: {  	s9 =	simm.s32 @p0 $0x400;
	[sflag:s19] =	ssyncset.done @p0 $0x0  }
0x6a: {  	s29 =	simm.s32 @p0 $0x300;
	[sflag:s19] =	ssyncadd.s32 @p0 $0xFFFFFF80;
	s19 =	simm.s32 @p0 $0x28  }
0x6b: {  	[spmem:s3] =	stream.indirect.scatter.add.f32 @p0 [tilespmem:s9], [sflag:$0xB], $0x80, s29, s19, $0xb8;
	[tilespmem:$0x16800] =	vst v63  }
0x6c: {  	s9 =	sadd.s32 @!p0 $0xFFFFFF00, s17  }
0x6d: {  	s19 =	sand.u32 @!p0 $0xFC00, s9  }
0x6e: {  	s29 =	simm.s32 @p0 $0xB;
	s9 =	sand.u32 @!p0 $0x280, s9;
	s19 =	sadd.s32 @!p0 s8, s19  }
0x6f: {  	_ =	swait.ge @p0 [sflag:s29], $0x1400;
	s9 =	sor.u32 @!p0 s9, s19  }
0x70: {  	[sflag:s29] =	ssyncset.done @p0 $0x0;
	s9 =	sshrl.u32 @!p0 s9, $0x3  }
0x71: {  	[sflag:s29] =	ssyncadd.s32 @p0 $0xFFFFEC00;
	s29 =	simm.s32 @!p0 $0x80;
	s19 =	sadd.s32 @!p0 s5, s9  }
0x72: {  	[tilespmem:s29], [sflag:$0x2] =	stream.linear.gather @!p0 [hbm4b:s19+s18], $0x80, $0x38;
	[tilespmem:$0x16800] =	vst v63  }
0x73: {  	s9 =	sadd.s32 @!p0 s6, s9;
	s19 =	simm.s32 @!p0 $0x280  }
0x74: {  	[tilespmem:s19], [sflag:$0x6] =	stream.linear.gather @!p0 [hbm4b:s9+s18], $0x80, $0x38;
	[tilespmem:$0x16800] =	vst v63  }
0x75: {  	s9 =	simm.s32 @!p0 $0x9  }
0x76: {  	_ =	swait.ge @!p0 [sflag:s9], $0x1400  }
0x77: {  	[sflag:s9] =	ssyncset.done @!p0 $0x0  }
0x78: {  	[sflag:s9] =	ssyncadd.s32 @!p0 $0xFFFFEC00;
	s9 =	simm.s32 @!p0 $0x7  }
0x79: {  	_ =	swait.ge @!p0 [sflag:s9], $0x80  }
0x7a: {  	s20 =	simm.s32 @!p0 $0xB;
	s29 =	simm.s32 @!p0 $0x400;
	[sflag:s9] =	ssyncset.done @!p0 $0x0  }
0x7b: {  	s19 =	simm.s32 @!p0 $0x300;
	[sflag:s9] =	ssyncadd.s32 @!p0 $0xFFFFFF80;
	s9 =	simm.s32 @!p0 $0x28  }
0x7c: {  	[spmem:s3] =	stream.indirect.scatter.add.f32 @!p0 [tilespmem:s29], [sflag:$0xB], $0x80, s19, s9, $0xb8;
	[tilespmem:$0x16800] =	vst v63  }
0x7d: {  	_ =	swait.ge @!p0 [sflag:s20], $0x1400  }
0x7e: {  	[sflag:s20] =	ssyncset.done @!p0 $0x0  }
0x7f: {  	[sflag:s20] =	ssyncadd.s32 @!p0 $0xFFFFEC00;
	s20 =	simm.s32 @!p0 $0x1  }
0x80: {  	_ =	swait.ge @!p0 [sflag:s20], $0x80  }
0x81: {  	[sflag:s20] =	ssyncset.done @!p0 $0x0  }
0x82: {  	[sflag:s20] =	ssyncadd.s32 @!p0 $0xFFFFFF80  }
0x83: {  	[tilespmem:s29], [sflag:$0x9] =	stream.indirect.gather @!p0 [hbm4b:s1+s9], $0x80, s18, s9, $0xb8;
	[tilespmem:$0x16800] =	vst v63  }
0x84: {  	s9 =	sadd.s32 @!p0 $0xFFFFFF80, s17  }
0x85: {  	s20 =	sand.u32 @!p0 $0xFC00, s9  }
0x86: {  	s9 =	sand.u32 @!p0 $0x300, s9;
	s20 =	sadd.s32 @!p0 s8, s20  }
0x87: {  	s9 =	sor.u32 @!p0 s9, s20  }
0x88: {  	s9 =	sshrl.u32 @!p0 s9, $0x3  }
0x89: {  	s29 =	simm.s32 @!p0 $0x100;
	s20 =	sadd.s32 @!p0 s5, s9  }
0x8a: {  	[tilespmem:s29], [sflag:$0x3] =	stream.linear.gather @!p0 [hbm4b:s20+s18], $0x80, $0x38;
	[tilespmem:$0x16800] =	vst v63  }
0x8b: {  	s9 =	sadd.s32 @!p0 s6, s9  }
0x8c: {  	[tilespmem:s19], [sflag:$0x7] =	stream.linear.gather @!p0 [hbm4b:s9+s18], $0x80, $0x38;
	[tilespmem:$0x16800] =	vst v63  }
0x8d: {  	_ =	swait.ge [sflag:s11], $0x1400  }
0x8e: {  	[sflag:s11] =	ssyncset.done $0x0  }
0x8f: {  	[sflag:s11] =	ssyncadd.s32 $0xFFFFEC00  }
0x90: {  	_ =	swait.ge [sflag:s14], $0x80  }
0x91: {  	[sflag:s14] =	ssyncset.done $0x0  }
.Ltmp2:
0x92: {  	[sflag:s14] =	ssyncadd.s32 $0xFFFFFF80;
	(pc) =	sbr.rel @p0 .LBB2_4-.Ltmp2, $4  }
0x93: {  	[spmem:s3] =	stream.indirect.scatter.add.f32 [tilespmem:s2], [sflag:$0xB], $0x80, s15, s30, $0xb8;
	[tilespmem:$0x16800] =	vst v63  }
0x94: {  	_ =	swait.ge [sflag:s21], $0x1400  }
0x95: {  	[sflag:s21] =	ssyncset.done $0x0  }
0x96: {  	[sflag:s21] =	ssyncadd.s32 $0xFFFFEC00  }
0x97: {  	_ =	swait.ge [sflag:s0], $0x80;
	s9 =	sand.u32 $0xFC00, s17  }
0x98: {  	s18 =	sand.u32 $0x380, s17;
	[sflag:s0] =	ssyncset.done $0x0;
	s9 =	sadd.s32 s8, s9  }
0x99: {  	[sflag:s0] =	ssyncadd.s32 $0xFFFFFF80;
	s9 =	sor.u32 s18, s9  }
0x9a: {  	[tilespmem:s2], [sflag:$0xA] =	stream.indirect.gather [hbm4b:s1+s30], $0x80, s23, s30, $0xb8;
	[tilespmem:$0x16800] =	vst v63  }
.Ltmp3:
0x9b: {  	s9 =	sshrl.u32 s9, $0x3;
	(pc) =	sbr.rel .LBB2_2-.Ltmp3, $4  }
0x9c: {  	s29 =	sadd.s32 s5, s9  }
0x9d: {  	[tilespmem:s28], [sflag:$0x4] =	stream.linear.gather [hbm4b:s29+s4], $0x80, $0x38;
	[tilespmem:$0x16800] =	vst v63  }
0x9e: {  	s17 =	sadd.s32 $0x200, s17;
	s9 =	sadd.s32 s6, s9  }
0x9f: {  	[tilespmem:s15], [sflag:$0x8] =	stream.linear.gather [hbm4b:s9+s4], $0x80, $0x38;
	[tilespmem:$0x16800] =	vst v63  }
.LBB2_5:
0xa0: {  	_ =	sfence.sel $0x180000  }
0xa1: {  	[bflag:$0x0] =	sbarrier.arrive $0xFFFF  }
0xa2: {  	_ =	strace $0x9000004A  }
0xa3: {  	s0 =	stileid.u32;
	[bflag:$0x2] =	sbarrier.arrive $0xFFFF  }
0xa4: {  	p0 =	sne.s32 s0, $0x0;
	s0 =	rddreg [dreg:$0x3]  }
0xa5: {  	s0 =	sadd.s32 @!p0 $0x100000, s0  }
0xa6: {  	[sflag:s0] =	ssyncadd.tile.s32 @!p0 $0x1;
	_ =	shalt  }
.Lfunc_end2:
_tile_overlayer_lowered:
.L_overlay_start_2:
0xa7: {  	(tag) =	ssettag $0x2  }
0xa8: {  	s0 =	rddreg [dreg:$0x0];
	s2 =	stileid.u32  }
0xa9: {  	s1 =	rddreg [dreg:$0x1];
	p0 =	sne.s32 s2, $0x0  }
0xaa: {  	s3 =	rddreg [dreg:$0x2];
	[bflag:$0x3] =	sbarrier.arrive $0xFFFF;
	s2 =	simm.s32 @!p0 $0x1C0B  }
0xab: {  	[timem:s3], [sflag:s2] =	dma.local @!p0 [hbm:s0], s1  }
0xac: {  	s0 =	simm.s32 @!p0 $0xB  }
0xad: {  	_ =	swait.ge @!p0 [sflag:s0], s1  }
0xae: {  	s1 =	ssub.s32 @!p0 $0x0, s1;
	[sflag:s0] =	ssyncset.done @!p0 $0x0  }
0xaf: {  	[sflag:s0] =	ssyncadd.s32 @!p0 s1  }
0xb0: {  	[bflag:$0x3] =	sbarrier.arrive $0xFFFF  }
0xb1: {  	_ =	shalt  }

// kernel: kernel.15.cloned.1.call-start
scs
__scs_entry_jumppad:
0x0: {  	(pc) =	sbr.rel $0x88, $3  }
0x1: {  	(tag) =	ssettag $0x0;
	lr =	simm.s32 $0x1  }
0x2: {  	[smem:$0x3F95] =	sst lr;
	_ =	strace $0xD0000000  }
0x3: {  	_ = 	snop  }
0x4: {  	_ = 	snop  }
0x5: {  	_ = 	snop  }
0x6: {  	_ = 	snop  }
0x7: {  	_ = 	snop  }
__scs_overlays_trampoline_lowered:
0x8: {  	[smem:$0x3FA4] =	sst s0  }
0x9: {  	[smem:$0x3FA5] =	sst s1  }
0xa: {  	[smem:$0x3FA6] =	sst s2  }
0xb: {  	[smem:$0x3FA7] =	sst s3  }
0xc: {  	[smem:$0x3FA8] =	sst s4  }
0xd: {  	[smem:$0x3FA9] =	sst s5  }
0xe: {  	[smem:$0x3FAA] =	sst s6  }
0xf: {  	[smem:$0x3FAB] =	sst s7  }
0x10: {  	[smem:$0x3FAC] =	sst s8  }
0x11: {  	[smem:$0x3FAD] =	sst s9;
	s0 =	simm.s32 @!p0 $0x0  }
0x12: {  	s1 =	sld [smem:$0x3F93];
	s0 =	simm.s32 @p0 $0x1  }
0x13: {  	[smem:$0x3FAE] =	sst s0;
	s0 =	simm.s32 @!p1 $0x0  }
0x14: {  	s2 =	sld [smem:$0x3F92];
	s0 =	simm.s32 @p1 $0x1  }
0x15: {  	[smem:$0x3FAF] =	sst s0;
	s0 =	simm.s32 @!p2 $0x0  }
0x16: {  	s3 =	sld [smem:$0x3FDB];
	s0 =	simm.s32 @p2 $0x1  }
0x17: {  	s4 =	simm.s32 $0x1BF5;
	[smem:$0x3FB1] =	sst s0  }
0x18: {  	s0 =	sld [smem:$0x3F94];
	_ =	swait.ge [sflag:s4], $0x0  }
0x19: {  	s7 =	sld [smem:$0x3F95]  }
0x1a: {  	s8 =	sadd.s32 $0xFFFFE003, lr  }
0x1b: {  	s9 =	sadd.s32 $0xFFFFFEF7, lr;
	s5 =	simm.s32 $0xFFFFFFFF;
	p2 =	slt.u32 s8, $0xFFFFF086  }
0x1c: {  	p1 =	slt.u32 s9, $0xF7A;
	s5 =	simm.s32 @!p2 $0x0  }
0x1d: {  	s5 =	simm.s32 @p1 $0x1;
	p0 =	seq.s32 s7, s2  }
0x1e: {  	s7 =	smul.u32 @!p0 $0xF7A, s2;
	p2 =	seq.s32 @!p0 s5, $0x0  }
0x1f: {  	s9 =	smul.u32 $0xF7A, s1;
	s8 =	simm.s32 @!p0 $0x1BF5;
	p2 =	por !p2, p0  }
0x20: {  	[sflag:s8] =	ssyncset.s32 @!p0 $0xFFFFF086;
	s6 =	sadd.s32 @!p0 s3, s7;
	s7 =	simm.s32 @!p0 $0x108  }
0x21: {  	s3 =	sadd.s32 s3, s9;
	s6 =	sadd.s32 @!p0 $0x88, s6;
	s7 =	simm.s32 @p2 $0x1082  }
0x22: {  	[simem:s7], [sflag:s8] =	dma.local @!p0 [hbm:s6], $0xF7A  }
0x23: {  	s9 =	sor.u32 $0xD0000000, s2;
	s6 =	simm.s32 $0x108;
	_ =	swait.ge @!p0 [sflag:s8], $0x0  }
0x24: {  	s3 =	sadd.s32 $0x88, s3;
	s6 =	simm.s32 @!p1 $0x1082;
	[sflag:s4] =	ssyncset.s32 $0xFFFFF086  }
0x25: {  	[simem:s6], [sflag:s4] =	dma.local [hbm:s3], $0xF7A  }
0x26: {  	[smem:$0x3F95] =	sst s1;
	(tag) =	ssettag s2;
	_ =	strace s9  }
0x27: {  	s1 =	sld [smem:$0x3FA5]  }
0x28: {  	s2 =	sld [smem:$0x3FA6]  }
0x29: {  	s4 =	sld [smem:$0x3FA8]  }
0x2a: {  	p0 =	seq.s32 s5, $0x0;
	s5 =	sld [smem:$0x3FA9]  }
0x2b: {  	s6 =	sld [smem:$0x3FAA]  }
0x2c: {  	s7 =	sld [smem:$0x3FAB]  }
0x2d: {  	s3 =	simm.s32 $0x108;
	s8 =	sld [smem:$0x3FAC]  }
0x2e: {  	s3 =	simm.s32 @!p0 $0x1082;
	s9 =	sld [smem:$0x3FAD]  }
0x2f: {  	lr =	sadd.s32 s0, s3;
	s0 =	sld [smem:$0x3FA4]  }
0x30: {  	s3 =	sld [smem:$0x3FA7]  }
0x31: {  	[smem:$0x3FB0] =	sst s10  }
0x32: {  	s10 =	sld [smem:$0x3FAE];
	_ =	sdelay $0x3  }
0x33: {  	p0 =	seq.s32 s10, $0x1;
	s10 =	sld [smem:$0x3FB0];
	_ =	sdelay $0x3  }
0x34: {  	[smem:$0x3FB0] =	sst s10  }
0x35: {  	s10 =	sld [smem:$0x3FAF];
	_ =	sdelay $0x3  }
0x36: {  	p1 =	seq.s32 s10, $0x1;
	s10 =	sld [smem:$0x3FB0];
	_ =	sdelay $0x3  }
0x37: {  	[smem:$0x3FB0] =	sst s10  }
0x38: {  	s10 =	sld [smem:$0x3FB1]  }
0x39: {  	_ = 	snop;
	(pc) =	sbr.ind lr, $3  }
0x3a: {  	_ = 	snop  }
0x3b: {  	_ = 	snop  }
0x3c: {  	p2 =	seq.s32 s10, $0x1;
	s10 =	sld [smem:$0x3FB0]  }
0x3d: {  	_ =	shalt  }
0x3e: {  	_ =	shalt  }
0x3f: {  	_ =	shalt  }
0x40: {  	_ =	shalt  }
0x41: {  	_ =	shalt  }
0x42: {  	_ =	shalt  }
0x43: {  	_ =	shalt  }
0x44: {  	_ =	shalt  }
0x45: {  	_ =	shalt  }
0x46: {  	_ =	shalt  }
0x47: {  	_ =	shalt  }
0x48: {  	_ =	shalt  }
0x49: {  	_ =	shalt  }
0x4a: {  	_ =	shalt  }
0x4b: {  	_ =	shalt  }
0x4c: {  	_ =	shalt  }
0x4d: {  	_ =	shalt  }
0x4e: {  	_ =	shalt  }
0x4f: {  	_ =	shalt  }
0x50: {  	_ =	shalt  }
0x51: {  	_ =	shalt  }
0x52: {  	_ =	shalt  }
0x53: {  	_ =	shalt  }
0x54: {  	_ =	shalt  }
0x55: {  	_ =	shalt  }
0x56: {  	_ =	shalt  }
0x57: {  	_ =	shalt  }
0x58: {  	_ =	shalt  }
0x59: {  	_ =	shalt  }
0x5a: {  	_ =	shalt  }
0x5b: {  	_ =	shalt  }
0x5c: {  	_ =	shalt  }
0x5d: {  	_ =	shalt  }
0x5e: {  	_ =	shalt  }
0x5f: {  	_ =	shalt  }
0x60: {  	_ =	shalt  }
0x61: {  	_ =	shalt  }
0x62: {  	_ =	shalt  }
0x63: {  	_ =	shalt  }
0x64: {  	_ =	shalt  }
0x65: {  	_ =	shalt  }
0x66: {  	_ =	shalt  }
0x67: {  	_ =	shalt  }
0x68: {  	_ =	shalt  }
0x69: {  	_ =	shalt  }
0x6a: {  	_ =	shalt  }
0x6b: {  	_ =	shalt  }
0x6c: {  	_ =	shalt  }
0x6d: {  	_ =	shalt  }
0x6e: {  	_ =	shalt  }
0x6f: {  	_ =	shalt  }
0x70: {  	_ =	shalt  }
0x71: {  	_ =	shalt  }
0x72: {  	_ =	shalt  }
0x73: {  	_ =	shalt  }
0x74: {  	_ =	shalt  }
0x75: {  	_ =	shalt  }
0x76: {  	_ =	shalt  }
0x77: {  	_ =	shalt  }
0x78: {  	_ =	shalt  }
0x79: {  	_ =	shalt  }
0x7a: {  	_ =	shalt  }
0x7b: {  	_ =	shalt  }
0x7c: {  	_ =	shalt  }
0x7d: {  	_ =	shalt  }
0x7e: {  	_ =	shalt  }
0x7f: {  	_ =	shalt  }
0x80: {  	_ =	shalt  }
0x81: {  	_ =	shalt  }
0x82: {  	_ =	shalt  }
0x83: {  	_ =	shalt  }
0x84: {  	_ =	shalt  }
0x85: {  	_ =	shalt  }
0x86: {  	_ =	shalt  }
0x87: {  	_ =	shalt  }
.Lfunc_end0:
.L_simem_size_0:
called_computation.2_lowered:
.L_overlay_start_0:
0x88: {  	s2 =	sld [smem:$0x3FD9]  }
0x89: {  	s3 =	sld [smem:$0x3FFE];
	_ =	sdelay $0x1  }
0x8a: {  	s1 =	srdreg.scid  }
0x8b: {  	s0 =	sand.u32 $0x1, s1  }
0x8c: {  	s17 =	sshll.u32 s0, $0xA;
	s2 =	sadd.s32 s3, s2  }
0x8d: {  	s2 =	sadd.s32 s2, s17  }
0x8e: {  	[smem:$0x3FBC] =	sst s2  }
0x8f: {  	_ = 	snop  }
0x90: {  	s2 =	sld [smem:$0x3FD0];
	(tm) =	ssettm $0x1  }
0x91: {  	s18 =	sld [smem:$0x3FFB];
	_ =	sdelay $0x3  }
0x92: {  	_ =	strace s18  }
0x93: {  	s3 =	sld [smem:$0x3FFC];
	_ =	sdelay $0x3  }
0x94: {  	_ =	strace s3  }
0x95: {  	s3 =	sld [smem:$0x3FFD];
	_ =	sdelay $0x3  }
0x96: {  	_ =	strace s3  }
0x97: {  	_ =	strace $0x8FFFFFFF  }
0x98: {  	s19 =	sld [smem:$0x3FDB];
	_ =	sdelay $0x1  }
0x99: {  	s4 =	simm.s32 $_scs_section_size  }
0x9a: {  	s5 =	simm.s32 $_size__tile_overlayer_lowered;
	s6 =	simm.s32 $_tile_overlayer_lowered  }
0x9b: {  	s22 =	simm.s32 $0x1BFF;
	s21 =	sshll.u32 s6, $0x1;
	s3 =	sadd.s32 s4, s19  }
0x9c: {  	s7 =	simm.s32 $0x0;
	s20 =	sshll.u32 s5, $0x1;
	s5 =	sadd.s32 s21, s3  }
0x9d: {  	[timem:s7], [sflag:s22] =	dma.local [hbm:s5], s20  }
0x9e: {  	_ =	swait.ge [sflag:s22], s20  }
0x9f: {  	s4 =	ssub.s32 $0x0, s20;
	[sflag:s22] =	ssyncset.done $0x0  }
0xa0: {  	[sflag:s22] =	ssyncadd.s32 s4;
	_ =	sdelay $0x1  }
0xa1: {  	s23 =	simm.s32 $0x1B8B  }
0xa2: {  	_ =	swait.ge [sflag:s23], $0x1  }
0xa3: {  	[sflag:s23] =	ssyncset.done $0x0  }
0xa4: {  	s25 =	simm.s32 $0x1B8E;
	s24 =	sld [smem:$0x3FFE];
	[sflag:s23] =	ssyncadd.s32 $0xFFFFFFFF  }
0xa5: {  	s26 =	simm.s32 $execute0_lowered;
	[smem:$0x3FD2] =	sst s25  }
0xa6: {  	s5 =	sshll.u32 s26, $0x1;
	_ =	strace $0x8000004C;
	[dreg:$0x1] =	wrdreg $0xFFFFFFFF  }
0xa7: {  	s28 =	simm.s32 $_size_execute0_lowered;
	s3 =	sadd.s32 s3, s5;
	[dreg:$0x0] =	wrdreg $0x0  }
0xa8: {  	s5 =	sshll.u32 s28, $0x1;
	[dreg:$0x2] =	wrdreg s3  }
0xa9: {  	[dreg:$0x3] =	wrdreg s5  }
0xaa: {  	[dreg:$0x4] =	wrdreg $0xC0  }
0xab: {  	_ =	task [dreg:s7], $0x5FFFF  }
0xac: {  	[dreg:$0x1] =	wrdreg $0xFFFFFFFF  }
0xad: {  	[dreg:$0x0] =	wrdreg $0x60  }
0xae: {  	[dreg:$0x2] =	wrdreg s2  }
0xaf: {  	[dreg:$0x3] =	wrdreg s24  }
0xb0: {  	[dreg:$0x4] =	wrdreg $0x2C000  }
0xb1: {  	[dreg:$0x5] =	wrdreg $0x9  }
0xb2: {  	_ =	task.clear_ibuf [dreg:s7], $0x6FFFF;
	_ =	strace $0x9000004C  }
0xb3: {  	s29 =	simm.s32 $0x9;
	_ =	strace $0x8000004E  }
0xb4: {  	_ =	swait.ge [sflag:s29], $0x1  }
0xb5: {  	[sflag:s29] =	ssyncadd.s32 $0xFFFFFFFF  }
0xb6: {  	_ =	strace $0x9000004E  }
0xb7: {  	_ =	sfence  }
0xb8: {  	s30 =	sld [smem:$0x0];
	_ =	sdelay $0x2  }
0xb9: {  	s31 =	sshll.u32 s1, $0xD;
	s1 =	sshrl.u32 s1, $0x2  }
0xba: {  	s3 =	sand.u32 $0x4000, s31;
	s1 =	sadd.s32 s1, s30  }
0xbb: {  	s0 =	sor.u32 s3, s0;
	s1 =	sshll.u32 s1, $0x11  }
0xbc: {  	s0 =	sor.u32 s1, s0  }
0xbd: {  	s0 =	sadd.s32 $0x8F2B, s0  }
0xbe: {  	[sflag:s0] =	ssyncadd.remote.s32 $0x1  }
0xbf: {  	_ =	sfence.sel $0xFFFF  }
0xc0: {  	[dreg:$0x0] =	wrdreg $0xFFFFFFFF;
	(pc) =	sbr.abs _section_cstart, $3  }
0xc1: {  	[dreg:$0x1] =	wrdreg $0xFFFFFFFF  }
0xc2: {  	_ =	task.clear_ibuf [dreg:s7], $0x2FFFF;
	_ =	strace $0x9FFFFFFF  }
0xc3: {  	(tm) =	ssettm $0x7FFFFFFF  }
tec
execute0_lowered:
.L_overlay_start_1:
0x0: {  	(tag) =	ssettag $0x1  }
0x1: {  	s1 =	rddreg [dreg:$0x0]  }
0x2: {  	s0 =	rddreg [dreg:$0x1]  }
0x3: {  	s3 =	rddreg [dreg:$0x2]  }
0x4: {  	s2 =	srdreg.scid;
	s11 =	stileid.u32;
	s4 =	simm.s32 $0x0  }
0x5: {  	s28 =	simm.s32 $0x180;
	s30 =	simm.s32 $0x28;
	s31 =	simm.s32 $0x400  }
0x6: {  	s2 =	sand.u32 $0x1, s2;
	s7 =	smul.u32 $0x2780, s11;
	[smem:$0x7FF] =	sst s4  }
0x7: {  	s5 =	sadd.s32 $0x74800, s0;
	s6 =	sadd.s32 $0x3000, s0;
	s9 =	sadd.s32 $0x23000, s0  }
0x8: {  	s13 =	smul.u32 $0x4F000, s11;
	s10 =	sshll.u32 s11, $0xF;
	s17 =	sshll.u32 s11, $0x6  }
0x9: {  	s11 =	simm.s32 $0xA;
	s8 =	smul.u32 $0x27800, s2;
	_ =	strace $0x8000004D  }
0xa: {  	[dreg:$0x4] =	wrdreg s9;
	s12 =	ssub.s32 $0x2, s2;
	s2 =	sshll.u32 s2, $0x13  }
0xb: {  	s17 =	sor.u32 $0x1C0B, s17;
	s14 =	sshrl.u32 s12, $0x1;
	s15 =	sshrl.u32 s13, $0x2  }
0xc: {  	s13 =	simm.s32 $0x4;
	[dreg:$0x5] =	wrdreg s17;
	s7 =	sadd.s32 s7, s8  }
0xd: {  	s8 =	sor.u32 s10, s2;
	s16 =	sadd.s32 s15, s3;
	s2 =	simm.s32 $0x1800  }
0xe: {  	s15 =	simm.s32 $0x380;
	s0 =	sadd.s32 s7, s0;
	s10 =	sshrl.u32 s8, $0x3  }
0xf: {  	s7 =	ssub.s32 s12, s14;
	s14 =	simm.s32 $0x8;
	s18 =	sadd.s32 s5, s10  }
0x10: {  	s19 =	sor.u32 $0x10, s10;
	s20 =	sadd.s32 s6, s10;
	[dreg:$0x6] =	wrdreg s18  }
0x11: {  	s12 =	sor.u32 $0x20, s10;
	s0 =	sadd.s32 $0x25800, s0;
	[dreg:$0x7] =	wrdreg s20  }
0x12: {  	s10 =	sor.u32 $0x30, s10;
	s29 =	smax.u32 s7, $0x1;
	[dreg:$0xe] =	wrdreg s0  }
0x13: {  	s7 =	simm.s32 $0x5;
	s21 =	sadd.s32 s5, s19;
	[dreg:$0xf] =	wrdreg s29  }
0x14: {  	s22 =	sadd.s32 s6, s19;
	s23 =	sadd.s32 s5, s12;
	[dreg:$0x8] =	wrdreg s21  }
0x15: {  	s24 =	sadd.s32 s6, s12;
	s25 =	sadd.s32 s5, s10;
	[dreg:$0x9] =	wrdreg s22  }
0x16: {  	s26 =	sadd.s32 s6, s10;
	s18 =	sshrl.u32 s16, $0x3;
	[dreg:$0xa] =	wrdreg s23  }
.Ltmp0:
0x17: {  	s0 =	simm.s32 $0x2;
	[dreg:$0xb] =	wrdreg s24;
	(pc) =	sbr.rel .LBB2_1-.Ltmp0, $4  }
0x18: {  	s10 =	simm.s32 $0x3;
	s12 =	simm.s32 $0x6;
	[dreg:$0xc] =	wrdreg s25  }
0x19: {  	s16 =	simm.s32 $0x0;
	[dreg:$0xd] =	wrdreg s26;
	s21 =	simm.s32 $0xB  }
0x1a: {  	s22 =	simm.s32 $0x200;
	s23 =	simm.s32 $0x80;
	s24 =	simm.s32 $0x280  }
0x1b: {  	s25 =	simm.s32 $0x100;
	s26 =	simm.s32 $0x9;
	[dreg:$0x10] =	wrdreg s18  }
.LBB2_4:
0x1c: {  	[bflag:$0x0] =	sbarrier.arrive $0xFFFF  }
0x1d: {  	s17 =	rddreg [dreg:$0x5]  }
0x1e: {  	s9 =	rddreg [dreg:$0xe]  }
0x1f: {  	s18 =	rddreg [dreg:$0x10]  }
0x20: {  	[hbm:s9], [sflag:s17] =	dma.local [spmem:s18], $0x2780  }
0x21: {  	_ =	swait.ge [sflag:s21], $0x2780  }
0x22: {  	s16 =	sadd.s32 $0x1, s16;
	s29 =	rddreg [dreg:$0xf]  }
0x23: {  	p0 =	sne.s32 s16, s29  }
.Ltmp1:
0x24: {  	_ = 	snop;
	(pc) =	sbr.rel @!p0 .LBB2_5-.Ltmp1, $3  }
0x25: {  	_ =	sdelay $0x1  }
0x26: {  	[sflag:s21] =	ssyncset.done $0x0  }
0x27: {  	[sflag:s21] =	ssyncadd.s32 $0xFFFFD880  }
.LBB2_1:
0x28: {  	s9 =	rddreg [dreg:$0x4]  }
0x29: {  	[spmem:s18], [sflag:s17] =	dma.local [hbm:s9], $0x2780  }
0x2a: {  	_ =	swait.ge [sflag:s21], $0x2780  }
0x2b: {  	[sflag:s21] =	ssyncset.done $0x0  }
0x2c: {  	s17 =	rddreg [dreg:$0x6];
	[sflag:s21] =	ssyncadd.s32 $0xFFFFD880  }
0x2d: {  	[tilespmem:s4], [sflag:$0x1] =	stream.linear.gather [hbm4b:s17+s4], $0x80, $0x38;
	[tilespmem:$0x16800] =	vst v63  }
0x2e: {  	s18 =	rddreg [dreg:$0x7]  }
0x2f: {  	[tilespmem:s22], [sflag:$0x5] =	stream.linear.gather [hbm4b:s18+s4], $0x80, $0x38;
	[tilespmem:$0x16800] =	vst v63  }
0x30: {  	s19 =	rddreg [dreg:$0x8]  }
0x31: {  	[tilespmem:s23], [sflag:$0x2] =	stream.linear.gather [hbm4b:s19+s4], $0x80, $0x38;
	[tilespmem:$0x16800] =	vst v63  }
0x32: {  	s20 =	rddreg [dreg:$0x9]  }
0x33: {  	[tilespmem:s24], [sflag:$0x6] =	stream.linear.gather [hbm4b:s20+s4], $0x80, $0x38;
	[tilespmem:$0x16800] =	vst v63  }
0x34: {  	s29 =	rddreg [dreg:$0xa]  }
0x35: {  	[tilespmem:s25], [sflag:$0x3] =	stream.linear.gather [hbm4b:s29+s4], $0x80, $0x38;
	[tilespmem:$0x16800] =	vst v63  }
0x36: {  	s17 =	rddreg [dreg:$0xb];
	s18 =	simm.s32 $0x300  }
0x37: {  	[tilespmem:s18], [sflag:$0x7] =	stream.linear.gather [hbm4b:s17+s4], $0x80, $0x38;
	[tilespmem:$0x16800] =	vst v63  }
0x38: {  	s19 =	rddreg [dreg:$0xc]  }
0x39: {  	[tilespmem:s28], [sflag:$0x4] =	stream.linear.gather [hbm4b:s19+s4], $0x80, $0x38;
	[tilespmem:$0x16800] =	vst v63  }
0x3a: {  	s20 =	rddreg [dreg:$0xd]  }
0x3b: {  	[tilespmem:s15], [sflag:$0x8] =	stream.linear.gather [hbm4b:s20+s4], $0x80, $0x38;
	[tilespmem:$0x16800] =	vst v63  }
0x3c: {  	s29 =	simm.s32 $0x1;
	[bflag:$0x0] =	sbarrier.arrive $0xFFFF  }
0x3d: {  	_ =	swait.ge [sflag:s29], $0x80  }
0x3e: {  	[sflag:s29] =	ssyncset.done $0x0  }
0x3f: {  	[sflag:s29] =	ssyncadd.s32 $0xFFFFFF80  }
0x40: {  	[tilespmem:s31], [sflag:$0x9] =	stream.indirect.gather [hbm4b:s1+s30], $0x80, s4, s30, $0xb8;
	[tilespmem:$0x16800] =	vst v63  }
0x41: {  	_ =	swait.ge [sflag:s0], $0x80  }
0x42: {  	[sflag:s0] =	ssyncset.done $0x0  }
0x43: {  	s17 =	simm.s32 $0x380;
	[sflag:s0] =	ssyncadd.s32 $0xFFFFFF80  }
0x44: {  	[tilespmem:s2], [sflag:$0xA] =	stream.indirect.gather [hbm4b:s1+s30], $0x80, s23, s30, $0xb8;
	[tilespmem:$0x16800] =	vst v63  }
.LBB2_2:
0x45: {  	_ =	swait.ge [sflag:s26], $0x1400  }
0x46: {  	[sflag:s26] =	ssyncset.done $0x0  }
0x47: {  	[sflag:s26] =	ssyncadd.s32 $0xFFFFEC00  }
0x48: {  	_ =	swait.ge [sflag:s7], $0x80  }
0x49: {  	[sflag:s7] =	ssyncset.done $0x0  }
0x4a: {  	[sflag:s7] =	ssyncadd.s32 $0xFFFFFF80  }
0x4b: {  	[spmem:s3] =	stream.indirect.scatter.add.f32 [tilespmem:s31], [sflag:$0xB], $0x80, s22, s30, $0xb8;
	[tilespmem:$0x16800] =	vst v63  }
0x4c: {  	p0 =	seq.s32 s17, $0x7F80;
	_ =	swait.ge [sflag:s21], $0x1400  }
0x4d: {  	s18 =	sadd.s32 @!p0 $0xFFFFFE80, s17;
	[sflag:s21] =	ssyncset.done $0x0  }
0x4e: {  	s19 =	sand.u32 @!p0 $0xFC00, s18;
	[sflag:s21] =	ssyncadd.s32 $0xFFFFEC00  }
0x4f: {  	s18 =	sand.u32 @!p0 $0x200, s18;
	s19 =	sadd.s32 @!p0 s8, s19;
	_ =	swait.ge [sflag:s10], $0x80  }
0x50: {  	s18 =	sor.u32 @!p0 s18, s19;
	[sflag:s10] =	ssyncset.done $0x0  }
0x51: {  	s19 =	sshrl.u32 @!p0 s18, $0x3;
	[sflag:s10] =	ssyncadd.s32 $0xFFFFFF80  }
0x52: {  	[tilespmem:s31], [sflag:$0x9] =	stream.indirect.gather [hbm4b:s1+s30], $0x80, s25, s30, $0xb8;
	[tilespmem:$0x16800] =	vst v63  }
0x53: {  	s18 =	simm.s32 @!p0 $0x0;
	s29 =	sadd.s32 @!p0 s5, s19  }
0x54: {  	[tilespmem:s18], [sflag:$0x1] =	stream.linear.gather @!p0 [hbm4b:s29+s18], $0x80, $0x38;
	[tilespmem:$0x16800] =	vst v63  }
0x55: {  	s19 =	sadd.s32 @!p0 s6, s19;
	s29 =	simm.s32 @!p0 $0x200  }
0x56: {  	[tilespmem:s29], [sflag:$0x5] =	stream.linear.gather @!p0 [hbm4b:s19+s18], $0x80, $0x38;
	[tilespmem:$0x16800] =	vst v63  }
0x57: {  	_ =	swait.ge [sflag:s11], $0x1400  }
0x58: {  	[sflag:s11] =	ssyncset.done $0x0  }
0x59: {  	[sflag:s11] =	ssyncadd.s32 $0xFFFFEC00  }
0x5a: {  	_ =	swait.ge [sflag:s12], $0x80  }
0x5b: {  	[sflag:s12] =	ssyncset.done $0x0  }
0x5c: {  	[sflag:s12] =	ssyncadd.s32 $0xFFFFFF80  }
0x5d: {  	[spmem:s3] =	stream.indirect.scatter.add.f32 [tilespmem:s2], [sflag:$0xB], $0x80, s24, s30, $0xb8;
	[tilespmem:$0x16800] =	vst v63  }
0x5e: {  	_ =	swait.ge [sflag:s21], $0x1400  }
0x5f: {  	[sflag:s21] =	ssyncset.done $0x0  }
0x60: {  	[sflag:s21] =	ssyncadd.s32 $0xFFFFEC00  }
0x61: {  	_ =	swait.ge [sflag:s13], $0x80  }
0x62: {  	[sflag:s13] =	ssyncset.done $0x0  }
0x63: {  	s19 =	simm.s32 @p0 $0x9;
	[sflag:s13] =	ssyncadd.s32 $0xFFFFFF80  }
0x64: {  	[tilespmem:s2], [sflag:$0xA] =	stream.indirect.gather [hbm4b:s1+s30], $0x80, s28, s30, $0xb8;
	[tilespmem:$0x16800] =	vst v63  }
0x65: {  	_ =	swait.ge @p0 [sflag:s19], $0x1400  }
0x66: {  	[sflag:s19] =	ssyncset.done @p0 $0x0  }
0x67: {  	[sflag:s19] =	ssyncadd.s32 @p0 $0xFFFFEC00;
	s19 =	simm.s32 @p0 $0x7  }
0x68: {  	_ =	swait.ge @p0 [sflag:s19], $0x80  }
0x69: {  	s9 =	simm.s32 @p0 $0x400;
	[sflag:s19] =	ssyncset.done @p0 $0x0  }
0x6a: {  	s29 =	simm.s32 @p0 $0x300;
	[sflag:s19] =	ssyncadd.s32 @p0 $0xFFFFFF80;
	s19 =	simm.s32 @p0 $0x28  }
0x6b: {  	[spmem:s3] =	stream.indirect.scatter.add.f32 @p0 [tilespmem:s9], [sflag:$0xB], $0x80, s29, s19, $0xb8;
	[tilespmem:$0x16800] =	vst v63  }
0x6c: {  	s9 =	sadd.s32 @!p0 $0xFFFFFF00, s17  }
0x6d: {  	s19 =	sand.u32 @!p0 $0xFC00, s9  }
0x6e: {  	s29 =	simm.s32 @p0 $0xB;
	s9 =	sand.u32 @!p0 $0x280, s9;
	s19 =	sadd.s32 @!p0 s8, s19  }
0x6f: {  	_ =	swait.ge @p0 [sflag:s29], $0x1400;
	s9 =	sor.u32 @!p0 s9, s19  }
0x70: {  	[sflag:s29] =	ssyncset.done @p0 $0x0;
	s9 =	sshrl.u32 @!p0 s9, $0x3  }
0x71: {  	[sflag:s29] =	ssyncadd.s32 @p0 $0xFFFFEC00;
	s29 =	simm.s32 @!p0 $0x80;
	s19 =	sadd.s32 @!p0 s5, s9  }
0x72: {  	[tilespmem:s29], [sflag:$0x2] =	stream.linear.gather @!p0 [hbm4b:s19+s18], $0x80, $0x38;
	[tilespmem:$0x16800] =	vst v63  }
0x73: {  	s9 =	sadd.s32 @!p0 s6, s9;
	s19 =	simm.s32 @!p0 $0x280  }
0x74: {  	[tilespmem:s19], [sflag:$0x6] =	stream.linear.gather @!p0 [hbm4b:s9+s18], $0x80, $0x38;
	[tilespmem:$0x16800] =	vst v63  }
0x75: {  	s9 =	simm.s32 @!p0 $0x9  }
0x76: {  	_ =	swait.ge @!p0 [sflag:s9], $0x1400  }
0x77: {  	[sflag:s9] =	ssyncset.done @!p0 $0x0  }
0x78: {  	[sflag:s9] =	ssyncadd.s32 @!p0 $0xFFFFEC00;
	s9 =	simm.s32 @!p0 $0x7  }
0x79: {  	_ =	swait.ge @!p0 [sflag:s9], $0x80  }
0x7a: {  	s20 =	simm.s32 @!p0 $0xB;
	s29 =	simm.s32 @!p0 $0x400;
	[sflag:s9] =	ssyncset.done @!p0 $0x0  }
0x7b: {  	s19 =	simm.s32 @!p0 $0x300;
	[sflag:s9] =	ssyncadd.s32 @!p0 $0xFFFFFF80;
	s9 =	simm.s32 @!p0 $0x28  }
0x7c: {  	[spmem:s3] =	stream.indirect.scatter.add.f32 @!p0 [tilespmem:s29], [sflag:$0xB], $0x80, s19, s9, $0xb8;
	[tilespmem:$0x16800] =	vst v63  }
0x7d: {  	_ =	swait.ge @!p0 [sflag:s20], $0x1400  }
0x7e: {  	[sflag:s20] =	ssyncset.done @!p0 $0x0  }
0x7f: {  	[sflag:s20] =	ssyncadd.s32 @!p0 $0xFFFFEC00;
	s20 =	simm.s32 @!p0 $0x1  }
0x80: {  	_ =	swait.ge @!p0 [sflag:s20], $0x80  }
0x81: {  	[sflag:s20] =	ssyncset.done @!p0 $0x0  }
0x82: {  	[sflag:s20] =	ssyncadd.s32 @!p0 $0xFFFFFF80  }
0x83: {  	[tilespmem:s29], [sflag:$0x9] =	stream.indirect.gather @!p0 [hbm4b:s1+s9], $0x80, s18, s9, $0xb8;
	[tilespmem:$0x16800] =	vst v63  }
0x84: {  	s9 =	sadd.s32 @!p0 $0xFFFFFF80, s17  }
0x85: {  	s20 =	sand.u32 @!p0 $0xFC00, s9  }
0x86: {  	s9 =	sand.u32 @!p0 $0x300, s9;
	s20 =	sadd.s32 @!p0 s8, s20  }
0x87: {  	s9 =	sor.u32 @!p0 s9, s20  }
0x88: {  	s9 =	sshrl.u32 @!p0 s9, $0x3  }
0x89: {  	s29 =	simm.s32 @!p0 $0x100;
	s20 =	sadd.s32 @!p0 s5, s9  }
0x8a: {  	[tilespmem:s29], [sflag:$0x3] =	stream.linear.gather @!p0 [hbm4b:s20+s18], $0x80, $0x38;
	[tilespmem:$0x16800] =	vst v63  }
0x8b: {  	s9 =	sadd.s32 @!p0 s6, s9  }
0x8c: {  	[tilespmem:s19], [sflag:$0x7] =	stream.linear.gather @!p0 [hbm4b:s9+s18], $0x80, $0x38;
	[tilespmem:$0x16800] =	vst v63  }
0x8d: {  	_ =	swait.ge [sflag:s11], $0x1400  }
0x8e: {  	[sflag:s11] =	ssyncset.done $0x0  }
0x8f: {  	[sflag:s11] =	ssyncadd.s32 $0xFFFFEC00  }
0x90: {  	_ =	swait.ge [sflag:s14], $0x80  }
0x91: {  	[sflag:s14] =	ssyncset.done $0x0  }
.Ltmp2:
0x92: {  	[sflag:s14] =	ssyncadd.s32 $0xFFFFFF80;
	(pc) =	sbr.rel @p0 .LBB2_4-.Ltmp2, $4  }
0x93: {  	[spmem:s3] =	stream.indirect.scatter.add.f32 [tilespmem:s2], [sflag:$0xB], $0x80, s15, s30, $0xb8;
	[tilespmem:$0x16800] =	vst v63  }
0x94: {  	_ =	swait.ge [sflag:s21], $0x1400  }
0x95: {  	[sflag:s21] =	ssyncset.done $0x0  }
0x96: {  	[sflag:s21] =	ssyncadd.s32 $0xFFFFEC00  }
0x97: {  	_ =	swait.ge [sflag:s0], $0x80;
	s9 =	sand.u32 $0xFC00, s17  }
0x98: {  	s18 =	sand.u32 $0x380, s17;
	[sflag:s0] =	ssyncset.done $0x0;
	s9 =	sadd.s32 s8, s9  }
0x99: {  	[sflag:s0] =	ssyncadd.s32 $0xFFFFFF80;
	s9 =	sor.u32 s18, s9  }
0x9a: {  	[tilespmem:s2], [sflag:$0xA] =	stream.indirect.gather [hbm4b:s1+s30], $0x80, s23, s30, $0xb8;
	[tilespmem:$0x16800] =	vst v63  }
.Ltmp3:
0x9b: {  	s9 =	sshrl.u32 s9, $0x3;
	(pc) =	sbr.rel .LBB2_2-.Ltmp3, $4  }
0x9c: {  	s29 =	sadd.s32 s5, s9  }
0x9d: {  	[tilespmem:s28], [sflag:$0x4] =	stream.linear.gather [hbm4b:s29+s4], $0x80, $0x38;
	[tilespmem:$0x16800] =	vst v63  }
0x9e: {  	s17 =	sadd.s32 $0x200, s17;
	s9 =	sadd.s32 s6, s9  }
0x9f: {  	[tilespmem:s15], [sflag:$0x8] =	stream.linear.gather [hbm4b:s9+s4], $0x80, $0x38;
	[tilespmem:$0x16800] =	vst v63  }
.LBB2_5:
0xa0: {  	_ =	sfence.sel $0x180000  }
0xa1: {  	[bflag:$0x0] =	sbarrier.arrive $0xFFFF  }
0xa2: {  	_ =	strace $0x9000004D  }
0xa3: {  	s0 =	stileid.u32;
	[bflag:$0x2] =	sbarrier.arrive $0xFFFF  }
0xa4: {  	p0 =	sne.s32 s0, $0x0;
	s0 =	rddreg [dreg:$0x3]  }
0xa5: {  	s0 =	sadd.s32 @!p0 $0x100000, s0  }
0xa6: {  	[sflag:s0] =	ssyncadd.tile.s32 @!p0 $0x1;
	_ =	shalt  }
.Lfunc_end2:
_tile_overlayer_lowered:
.L_overlay_start_2:
0xa7: {  	(tag) =	ssettag $0x2  }
0xa8: {  	s0 =	rddreg [dreg:$0x0];
	s2 =	stileid.u32  }
0xa9: {  	s1 =	rddreg [dreg:$0x1];
	p0 =	sne.s32 s2, $0x0  }
0xaa: {  	s3 =	rddreg [dreg:$0x2];
	[bflag:$0x3] =	sbarrier.arrive $0xFFFF;
	s2 =	simm.s32 @!p0 $0x1C0B  }
0xab: {  	[timem:s3], [sflag:s2] =	dma.local @!p0 [hbm:s0], s1  }
0xac: {  	s0 =	simm.s32 @!p0 $0xB  }
0xad: {  	_ =	swait.ge @!p0 [sflag:s0], s1  }
0xae: {  	s1 =	ssub.s32 @!p0 $0x0, s1;
	[sflag:s0] =	ssyncset.done @!p0 $0x0  }
0xaf: {  	[sflag:s0] =	ssyncadd.s32 @!p0 s1  }
0xb0: {  	[bflag:$0x3] =	sbarrier.arrive $0xFFFF  }
0xb1: {  	_ =	shalt  }

// kernel: kernel.9.cloned.1.call-start
scs
__scs_entry_jumppad:
0x0: {  	(pc) =	sbr.rel $0x88, $3  }
0x1: {  	(tag) =	ssettag $0x0;
	lr =	simm.s32 $0x1  }
0x2: {  	[smem:$0x3F95] =	sst lr;
	_ =	strace $0xD0000000  }
0x3: {  	_ = 	snop  }
0x4: {  	_ = 	snop  }
0x5: {  	_ = 	snop  }
0x6: {  	_ = 	snop  }
0x7: {  	_ = 	snop  }
__scs_overlays_trampoline_lowered:
0x8: {  	[smem:$0x3FA4] =	sst s0  }
0x9: {  	[smem:$0x3FA5] =	sst s1  }
0xa: {  	[smem:$0x3FA6] =	sst s2  }
0xb: {  	[smem:$0x3FA7] =	sst s3  }
0xc: {  	[smem:$0x3FA8] =	sst s4  }
0xd: {  	[smem:$0x3FA9] =	sst s5  }
0xe: {  	[smem:$0x3FAA] =	sst s6  }
0xf: {  	[smem:$0x3FAB] =	sst s7  }
0x10: {  	[smem:$0x3FAC] =	sst s8  }
0x11: {  	[smem:$0x3FAD] =	sst s9;
	s0 =	simm.s32 @!p0 $0x0  }
0x12: {  	s1 =	sld [smem:$0x3F93];
	s0 =	simm.s32 @p0 $0x1  }
0x13: {  	[smem:$0x3FAE] =	sst s0;
	s0 =	simm.s32 @!p1 $0x0  }
0x14: {  	s2 =	sld [smem:$0x3F92];
	s0 =	simm.s32 @p1 $0x1  }
0x15: {  	[smem:$0x3FAF] =	sst s0;
	s0 =	simm.s32 @!p2 $0x0  }
0x16: {  	s3 =	sld [smem:$0x3FDB];
	s0 =	simm.s32 @p2 $0x1  }
0x17: {  	s4 =	simm.s32 $0x1BF5;
	[smem:$0x3FB1] =	sst s0  }
0x18: {  	s0 =	sld [smem:$0x3F94];
	_ =	swait.ge [sflag:s4], $0x0  }
0x19: {  	s7 =	sld [smem:$0x3F95]  }
0x1a: {  	s8 =	sadd.s32 $0xFFFFE003, lr  }
0x1b: {  	s9 =	sadd.s32 $0xFFFFFEF7, lr;
	s5 =	simm.s32 $0xFFFFFFFF;
	p2 =	slt.u32 s8, $0xFFFFF086  }
0x1c: {  	p1 =	slt.u32 s9, $0xF7A;
	s5 =	simm.s32 @!p2 $0x0  }
0x1d: {  	s5 =	simm.s32 @p1 $0x1;
	p0 =	seq.s32 s7, s2  }
0x1e: {  	s7 =	smul.u32 @!p0 $0xF7A, s2;
	p2 =	seq.s32 @!p0 s5, $0x0  }
0x1f: {  	s9 =	smul.u32 $0xF7A, s1;
	s8 =	simm.s32 @!p0 $0x1BF5;
	p2 =	por !p2, p0  }
0x20: {  	[sflag:s8] =	ssyncset.s32 @!p0 $0xFFFFF086;
	s6 =	sadd.s32 @!p0 s3, s7;
	s7 =	simm.s32 @!p0 $0x108  }
0x21: {  	s3 =	sadd.s32 s3, s9;
	s6 =	sadd.s32 @!p0 $0x88, s6;
	s7 =	simm.s32 @p2 $0x1082  }
0x22: {  	[simem:s7], [sflag:s8] =	dma.local @!p0 [hbm:s6], $0xF7A  }
0x23: {  	s9 =	sor.u32 $0xD0000000, s2;
	s6 =	simm.s32 $0x108;
	_ =	swait.ge @!p0 [sflag:s8], $0x0  }
0x24: {  	s3 =	sadd.s32 $0x88, s3;
	s6 =	simm.s32 @!p1 $0x1082;
	[sflag:s4] =	ssyncset.s32 $0xFFFFF086  }
0x25: {  	[simem:s6], [sflag:s4] =	dma.local [hbm:s3], $0xF7A  }
0x26: {  	[smem:$0x3F95] =	sst s1;
	(tag) =	ssettag s2;
	_ =	strace s9  }
0x27: {  	s1 =	sld [smem:$0x3FA5]  }
0x28: {  	s2 =	sld [smem:$0x3FA6]  }
0x29: {  	s4 =	sld [smem:$0x3FA8]  }
0x2a: {  	p0 =	seq.s32 s5, $0x0;
	s5 =	sld [smem:$0x3FA9]  }
0x2b: {  	s6 =	sld [smem:$0x3FAA]  }
0x2c: {  	s7 =	sld [smem:$0x3FAB]  }
0x2d: {  	s3 =	simm.s32 $0x108;
	s8 =	sld [smem:$0x3FAC]  }
0x2e: {  	s3 =	simm.s32 @!p0 $0x1082;
	s9 =	sld [smem:$0x3FAD]  }
0x2f: {  	lr =	sadd.s32 s0, s3;
	s0 =	sld [smem:$0x3FA4]  }
0x30: {  	s3 =	sld [smem:$0x3FA7]  }
0x31: {  	[smem:$0x3FB0] =	sst s10  }
0x32: {  	s10 =	sld [smem:$0x3FAE];
	_ =	sdelay $0x3  }
0x33: {  	p0 =	seq.s32 s10, $0x1;
	s10 =	sld [smem:$0x3FB0];
	_ =	sdelay $0x3  }
0x34: {  	[smem:$0x3FB0] =	sst s10  }
0x35: {  	s10 =	sld [smem:$0x3FAF];
	_ =	sdelay $0x3  }
0x36: {  	p1 =	seq.s32 s10, $0x1;
	s10 =	sld [smem:$0x3FB0];
	_ =	sdelay $0x3  }
0x37: {  	[smem:$0x3FB0] =	sst s10  }
0x38: {  	s10 =	sld [smem:$0x3FB1]  }
0x39: {  	_ = 	snop;
	(pc) =	sbr.ind lr, $3  }
0x3a: {  	_ = 	snop  }
0x3b: {  	_ = 	snop  }
0x3c: {  	p2 =	seq.s32 s10, $0x1;
	s10 =	sld [smem:$0x3FB0]  }
0x3d: {  	_ =	shalt  }
0x3e: {  	_ =	shalt  }
0x3f: {  	_ =	shalt  }
0x40: {  	_ =	shalt  }
0x41: {  	_ =	shalt  }
0x42: {  	_ =	shalt  }
0x43: {  	_ =	shalt  }
0x44: {  	_ =	shalt  }
0x45: {  	_ =	shalt  }
0x46: {  	_ =	shalt  }
0x47: {  	_ =	shalt  }
0x48: {  	_ =	shalt  }
0x49: {  	_ =	shalt  }
0x4a: {  	_ =	shalt  }
0x4b: {  	_ =	shalt  }
0x4c: {  	_ =	shalt  }
0x4d: {  	_ =	shalt  }
0x4e: {  	_ =	shalt  }
0x4f: {  	_ =	shalt  }
0x50: {  	_ =	shalt  }
0x51: {  	_ =	shalt  }
0x52: {  	_ =	shalt  }
0x53: {  	_ =	shalt  }
0x54: {  	_ =	shalt  }
0x55: {  	_ =	shalt  }
0x56: {  	_ =	shalt  }
0x57: {  	_ =	shalt  }
0x58: {  	_ =	shalt  }
0x59: {  	_ =	shalt  }
0x5a: {  	_ =	shalt  }
0x5b: {  	_ =	shalt  }
0x5c: {  	_ =	shalt  }
0x5d: {  	_ =	shalt  }
0x5e: {  	_ =	shalt  }
0x5f: {  	_ =	shalt  }
0x60: {  	_ =	shalt  }
0x61: {  	_ =	shalt  }
0x62: {  	_ =	shalt  }
0x63: {  	_ =	shalt  }
0x64: {  	_ =	shalt  }
0x65: {  	_ =	shalt  }
0x66: {  	_ =	shalt  }
0x67: {  	_ =	shalt  }
0x68: {  	_ =	shalt  }
0x69: {  	_ =	shalt  }
0x6a: {  	_ =	shalt  }
0x6b: {  	_ =	shalt  }
0x6c: {  	_ =	shalt  }
0x6d: {  	_ =	shalt  }
0x6e: {  	_ =	shalt  }
0x6f: {  	_ =	shalt  }
0x70: {  	_ =	shalt  }
0x71: {  	_ =	shalt  }
0x72: {  	_ =	shalt  }
0x73: {  	_ =	shalt  }
0x74: {  	_ =	shalt  }
0x75: {  	_ =	shalt  }
0x76: {  	_ =	shalt  }
0x77: {  	_ =	shalt  }
0x78: {  	_ =	shalt  }
0x79: {  	_ =	shalt  }
0x7a: {  	_ =	shalt  }
0x7b: {  	_ =	shalt  }
0x7c: {  	_ =	shalt  }
0x7d: {  	_ =	shalt  }
0x7e: {  	_ =	shalt  }
0x7f: {  	_ =	shalt  }
0x80: {  	_ =	shalt  }
0x81: {  	_ =	shalt  }
0x82: {  	_ =	shalt  }
0x83: {  	_ =	shalt  }
0x84: {  	_ =	shalt  }
0x85: {  	_ =	shalt  }
0x86: {  	_ =	shalt  }
0x87: {  	_ =	shalt  }
.Lfunc_end0:
.L_simem_size_0:
called_computation_lowered:
.L_overlay_start_0:
0x88: {  	s2 =	sld [smem:$0x3FD9]  }
0x89: {  	s3 =	sld [smem:$0x3FFE];
	_ =	sdelay $0x1  }
0x8a: {  	s1 =	srdreg.scid  }
0x8b: {  	s0 =	sand.u32 $0x1, s1  }
0x8c: {  	s17 =	sshll.u32 s0, $0xA;
	s2 =	sadd.s32 s3, s2  }
0x8d: {  	s2 =	sadd.s32 s2, s17  }
0x8e: {  	[smem:$0x3FBC] =	sst s2  }
0x8f: {  	_ = 	snop  }
0x90: {  	s2 =	sld [smem:$0x3FD0];
	(tm) =	ssettm $0x1  }
0x91: {  	s18 =	sld [smem:$0x3FFB];
	_ =	sdelay $0x3  }
0x92: {  	_ =	strace s18  }
0x93: {  	s3 =	sld [smem:$0x3FFC];
	_ =	sdelay $0x3  }
0x94: {  	_ =	strace s3  }
0x95: {  	s3 =	sld [smem:$0x3FFD];
	_ =	sdelay $0x3  }
0x96: {  	_ =	strace s3  }
0x97: {  	_ =	strace $0x8FFFFFFF  }
0x98: {  	s19 =	sld [smem:$0x3FDB];
	_ =	sdelay $0x1  }
0x99: {  	s4 =	simm.s32 $_scs_section_size  }
0x9a: {  	s5 =	simm.s32 $_size__tile_overlayer_lowered;
	s6 =	simm.s32 $_tile_overlayer_lowered  }
0x9b: {  	s22 =	simm.s32 $0x1BFF;
	s21 =	sshll.u32 s6, $0x1;
	s3 =	sadd.s32 s4, s19  }
0x9c: {  	s7 =	simm.s32 $0x0;
	s20 =	sshll.u32 s5, $0x1;
	s5 =	sadd.s32 s21, s3  }
0x9d: {  	[timem:s7], [sflag:s22] =	dma.local [hbm:s5], s20  }
0x9e: {  	_ =	swait.ge [sflag:s22], s20  }
0x9f: {  	s4 =	ssub.s32 $0x0, s20;
	[sflag:s22] =	ssyncset.done $0x0  }
0xa0: {  	[sflag:s22] =	ssyncadd.s32 s4;
	_ =	sdelay $0x1  }
0xa1: {  	s23 =	simm.s32 $0x1B8B  }
0xa2: {  	_ =	swait.ge [sflag:s23], $0x1  }
0xa3: {  	[sflag:s23] =	ssyncset.done $0x0  }
0xa4: {  	s25 =	simm.s32 $0x1B8E;
	s24 =	sld [smem:$0x3FFE];
	[sflag:s23] =	ssyncadd.s32 $0xFFFFFFFF  }
0xa5: {  	s26 =	simm.s32 $execute0_lowered;
	[smem:$0x3FD2] =	sst s25  }
0xa6: {  	s5 =	sshll.u32 s26, $0x1;
	_ =	strace $0x80000046;
	[dreg:$0x1] =	wrdreg $0xFFFFFFFF  }
0xa7: {  	s28 =	simm.s32 $_size_execute0_lowered;
	s3 =	sadd.s32 s3, s5;
	[dreg:$0x0] =	wrdreg $0x0  }
0xa8: {  	s5 =	sshll.u32 s28, $0x1;
	[dreg:$0x2] =	wrdreg s3  }
0xa9: {  	[dreg:$0x3] =	wrdreg s5  }
0xaa: {  	[dreg:$0x4] =	wrdreg $0xC0  }
0xab: {  	_ =	task [dreg:s7], $0x5FFFF  }
0xac: {  	[dreg:$0x1] =	wrdreg $0xFFFFFFFF  }
0xad: {  	[dreg:$0x0] =	wrdreg $0x60  }
0xae: {  	[dreg:$0x2] =	wrdreg s24  }
0xaf: {  	[dreg:$0x3] =	wrdreg s2  }
0xb0: {  	[dreg:$0x4] =	wrdreg $0x16000  }
0xb1: {  	[dreg:$0x5] =	wrdreg $0x9  }
0xb2: {  	_ =	task.clear_ibuf [dreg:s7], $0x6FFFF;
	_ =	strace $0x90000046  }
0xb3: {  	s29 =	simm.s32 $0x9;
	_ =	strace $0x80000048  }
0xb4: {  	_ =	swait.ge [sflag:s29], $0x1  }
0xb5: {  	[sflag:s29] =	ssyncadd.s32 $0xFFFFFFFF  }
0xb6: {  	_ =	strace $0x90000048  }
0xb7: {  	_ =	sfence  }
0xb8: {  	s30 =	sld [smem:$0x0];
	_ =	sdelay $0x2  }
0xb9: {  	s31 =	sshll.u32 s1, $0xD;
	s1 =	sshrl.u32 s1, $0x2  }
0xba: {  	s3 =	sand.u32 $0x4000, s31;
	s1 =	sadd.s32 s1, s30  }
0xbb: {  	s0 =	sor.u32 s3, s0;
	s1 =	sshll.u32 s1, $0x11  }
0xbc: {  	s0 =	sor.u32 s1, s0  }
0xbd: {  	s0 =	sadd.s32 $0x8F2B, s0  }
0xbe: {  	[sflag:s0] =	ssyncadd.remote.s32 $0x1  }
0xbf: {  	_ =	sfence.sel $0xFFFF  }
0xc0: {  	[dreg:$0x0] =	wrdreg $0xFFFFFFFF;
	(pc) =	sbr.abs _section_cstart, $3  }
0xc1: {  	[dreg:$0x1] =	wrdreg $0xFFFFFFFF  }
0xc2: {  	_ =	task.clear_ibuf [dreg:s7], $0x2FFFF;
	_ =	strace $0x9FFFFFFF  }
0xc3: {  	(tm) =	ssettm $0x7FFFFFFF  }
tec
execute0_lowered:
.L_overlay_start_1:
0x0: {  	(tag) =	ssettag $0x1  }
0x1: {  	s7 =	rddreg [dreg:$0x0]  }
0x2: {  	s2 =	rddreg [dreg:$0x1]  }
0x3: {  	s3 =	rddreg [dreg:$0x2]  }
0x4: {  	s5 =	srdreg.scid;
	s1 =	stileid.u32;
	s4 =	simm.s32 $0x0  }
0x5: {  	s15 =	simm.s32 $0x5;
	s18 =	simm.s32 $0x80;
	s19 =	simm.s32 $0x100  }
0x6: {  	s20 =	simm.s32 $0x180;
	s21 =	simm.s32 $0x1;
	s22 =	simm.s32 $0x28  }
0x7: {  	s23 =	simm.s32 $0x3;
	s24 =	simm.s32 $0x4;
	s25 =	simm.s32 $0x0  }
0x8: {  	s8 =	sand.u32 $0x1, s5;
	s9 =	smul.u32 $0x2780, s1;
	[smem:$0x7FF] =	sst s4  }
0x9: {  	s5 =	sadd.s32 $0x3000, s7;
	s6 =	sadd.s32 $0x23000, s7;
	s30 =	smul.u32 $0x4F000, s1  }
0xa: {  	s12 =	sshll.u32 s1, $0xF;
	s16 =	sshll.u32 s1, $0x6;
	s10 =	smul.u32 $0x27800, s8  }
0xb: {  	_ =	strace $0x80000047;
	s11 =	sshll.u32 s8, $0x13;
	s8 =	ssub.s32 $0x2, s8  }
0xc: {  	s16 =	sor.u32 $0x1C05, s16;
	s31 =	sshrl.u32 s8, $0x1;
	s9 =	sadd.s32 s9, s10  }
.Ltmp0:
0xd: {  	s10 =	sshrl.u32 s30, $0x2;
	s14 =	ssub.s32 s8, s31;
	(pc) =	sbr.rel .LBB2_1-.Ltmp0, $4  }
0xe: {  	s13 =	sadd.s32 s9, s7;
	s7 =	sor.u32 s12, s11;
	s17 =	sadd.s32 s10, s3  }
0xf: {  	s11 =	sshrl.u32 s7, $0x3;
	s12 =	sadd.s32 $0x25800, s13;
	s13 =	smax.u32 s14, $0x1  }
0x10: {  	s14 =	simm.s32 $0x200;
	s17 =	sshrl.u32 s17, $0x3;
	s8 =	sadd.s32 s5, s11  }
0x11: {  	s9 =	sadd.s32 $0x10, s8;
	s10 =	sadd.s32 $0x20, s8;
	s11 =	sadd.s32 $0x30, s8  }
.LBB2_4:
0x12: {  	_ =	swait.ge [sflag:s24], $0x80  }
0x13: {  	[sflag:s24] =	ssyncset.done $0x0  }
0x14: {  	[sflag:s24] =	ssyncadd.s32 $0xFFFFFF80  }
0x15: {  	[spmem:s3] =	stream.indirect.scatter.add.f32 [tilespmem:s14], [sflag:$0x5], $0x80, s20, s22, $0xb8;
	[tilespmem:$0x15200] =	vst v63  }
0x16: {  	_ =	swait.ge [sflag:s15], $0x1400  }
0x17: {  	s25 =	sadd.s32 $0x1, s25;
	[sflag:s15] =	ssyncset.done $0x0  }
0x18: {  	p0 =	sne.s32 s25, s13;
	[sflag:s15] =	ssyncadd.s32 $0xFFFFEC00  }
.Ltmp1:
0x19: {  	[bflag:$0x0] =	sbarrier.arrive $0xFFFF;
	(pc) =	sbr.rel @!p0 .LBB2_5-.Ltmp1, $4  }
0x1a: {  	[hbm:s12], [sflag:s16] =	dma.local [spmem:s17], $0x2780  }
0x1b: {  	_ =	swait.ge [sflag:s15], $0x2780  }
0x1c: {  	[sflag:s15] =	ssyncset.done $0x0  }
0x1d: {  	[sflag:s15] =	ssyncadd.s32 $0xFFFFD880  }
.LBB2_1:
0x1e: {  	[tilespmem:s14], [sflag:$0x5] =	stream.linear.gather [hbm4b:s2+s4], $0x1400, $0x38;
	[tilespmem:$0x15200] =	vst v63  }
0x1f: {  	_ =	swait.ge [sflag:s15], $0x1400  }
0x20: {  	[sflag:s15] =	ssyncset.done $0x0  }
0x21: {  	[sflag:s15] =	ssyncadd.s32 $0xFFFFEC00  }
0x22: {  	[spmem:s17], [sflag:s16] =	dma.local [hbm:s6], $0x2780  }
0x23: {  	_ =	swait.ge [sflag:s15], $0x2780  }
0x24: {  	[sflag:s15] =	ssyncset.done $0x0  }
0x25: {  	[sflag:s15] =	ssyncadd.s32 $0xFFFFD880  }
0x26: {  	[tilespmem:s4], [sflag:$0x1] =	stream.linear.gather [hbm4b:s8+s4], $0x80, $0x38;
	[tilespmem:$0x15200] =	vst v63  }
0x27: {  	_ = 	snop  }
0x28: {  	[tilespmem:s18], [sflag:$0x2] =	stream.linear.gather [hbm4b:s9+s4], $0x80, $0x38;
	[tilespmem:$0x15200] =	vst v63  }
0x29: {  	_ = 	snop  }
0x2a: {  	[tilespmem:s19], [sflag:$0x3] =	stream.linear.gather [hbm4b:s10+s4], $0x80, $0x38;
	[tilespmem:$0x15200] =	vst v63  }
0x2b: {  	_ = 	snop  }
0x2c: {  	[tilespmem:s20], [sflag:$0x4] =	stream.linear.gather [hbm4b:s11+s4], $0x80, $0x38;
	[tilespmem:$0x15200] =	vst v63  }
0x2d: {  	s26 =	simm.s32 $0x380;
	[bflag:$0x0] =	sbarrier.arrive $0xFFFF  }
.LBB2_2:
0x2e: {  	_ =	swait.ge [sflag:s21], $0x80  }
0x2f: {  	[sflag:s21] =	ssyncset.done $0x0  }
0x30: {  	[sflag:s21] =	ssyncadd.s32 $0xFFFFFF80  }
0x31: {  	[spmem:s3] =	stream.indirect.scatter.add.f32 [tilespmem:s14], [sflag:$0x5], $0x80, s4, s22, $0xb8;
	[tilespmem:$0x15200] =	vst v63  }
0x32: {  	_ =	swait.ge [sflag:s15], $0x1400  }
0x33: {  	p0 =	seq.s32 s26, $0x7F80;
	[sflag:s15] =	ssyncset.done $0x0  }
0x34: {  	s28 =	simm.s32 @p0 $0x2;
	[sflag:s15] =	ssyncadd.s32 $0xFFFFEC00  }
0x35: {  	_ =	swait.ge @p0 [sflag:s28], $0x80  }
0x36: {  	s29 =	simm.s32 @p0 $0x80;
	[sflag:s28] =	ssyncset.done @p0 $0x0  }
0x37: {  	s30 =	simm.s32 @p0 $0x200;
	[sflag:s28] =	ssyncadd.s32 @p0 $0xFFFFFF80;
	s28 =	simm.s32 @p0 $0x28  }
0x38: {  	[spmem:s3] =	stream.indirect.scatter.add.f32 @p0 [tilespmem:s30], [sflag:$0x5], $0x80, s29, s28, $0xb8;
	[tilespmem:$0x15200] =	vst v63  }
0x39: {  	s28 =	sadd.s32 @!p0 $0xFFFFFE80, s26  }
0x3a: {  	s29 =	sand.u32 @!p0 $0xFC00, s28  }
0x3b: {  	s30 =	simm.s32 @p0 $0x5;
	s28 =	sand.u32 @!p0 $0x200, s28;
	s29 =	sadd.s32 @!p0 s7, s29  }
0x3c: {  	_ =	swait.ge @p0 [sflag:s30], $0x1400;
	s28 =	sor.u32 @!p0 s28, s29  }
0x3d: {  	[sflag:s30] =	ssyncset.done @p0 $0x0;
	s28 =	sshrl.u32 @!p0 s28, $0x3  }
0x3e: {  	[sflag:s30] =	ssyncadd.s32 @p0 $0xFFFFEC00;
	s29 =	simm.s32 @!p0 $0x0;
	s28 =	sadd.s32 @!p0 s5, s28  }
0x3f: {  	[tilespmem:s29], [sflag:$0x1] =	stream.linear.gather @!p0 [hbm4b:s28+s29], $0x80, $0x38;
	[tilespmem:$0x15200] =	vst v63  }
0x40: {  	s28 =	simm.s32 @!p0 $0x2  }
0x41: {  	_ =	swait.ge @!p0 [sflag:s28], $0x80  }
0x42: {  	s31 =	simm.s32 @!p0 $0x200;
	[sflag:s28] =	ssyncset.done @!p0 $0x0  }
0x43: {  	s30 =	simm.s32 @!p0 $0x80;
	[sflag:s28] =	ssyncadd.s32 @!p0 $0xFFFFFF80;
	s28 =	simm.s32 @!p0 $0x28  }
0x44: {  	[spmem:s3] =	stream.indirect.scatter.add.f32 @!p0 [tilespmem:s31], [sflag:$0x5], $0x80, s30, s28, $0xb8;
	[tilespmem:$0x15200] =	vst v63  }
0x45: {  	s28 =	sadd.s32 @!p0 $0xFFFFFF00, s26  }
0x46: {  	s31 =	sand.u32 @!p0 $0xFC00, s28  }
0x47: {  	s0 =	simm.s32 @!p0 $0x5;
	s28 =	sand.u32 @!p0 $0x280, s28;
	s31 =	sadd.s32 @!p0 s7, s31  }
0x48: {  	_ =	swait.ge @!p0 [sflag:s0], $0x1400;
	s28 =	sor.u32 @!p0 s28, s31  }
0x49: {  	[sflag:s0] =	ssyncset.done @!p0 $0x0;
	s28 =	sshrl.u32 @!p0 s28, $0x3  }
0x4a: {  	[sflag:s0] =	ssyncadd.s32 @!p0 $0xFFFFEC00;
	s0 =	sadd.s32 @!p0 s5, s28  }
0x4b: {  	[tilespmem:s30], [sflag:$0x2] =	stream.linear.gather @!p0 [hbm4b:s0+s29], $0x80, $0x38;
	[tilespmem:$0x15200] =	vst v63  }
0x4c: {  	_ =	swait.ge [sflag:s23], $0x80  }
0x4d: {  	[sflag:s23] =	ssyncset.done $0x0  }
.Ltmp2:
0x4e: {  	[sflag:s23] =	ssyncadd.s32 $0xFFFFFF80;
	(pc) =	sbr.rel @p0 .LBB2_4-.Ltmp2, $4  }
0x4f: {  	[spmem:s3] =	stream.indirect.scatter.add.f32 [tilespmem:s14], [sflag:$0x5], $0x80, s19, s22, $0xb8;
	[tilespmem:$0x15200] =	vst v63  }
0x50: {  	_ =	swait.ge [sflag:s15], $0x1400  }
0x51: {  	[sflag:s15] =	ssyncset.done $0x0  }
0x52: {  	[sflag:s15] =	ssyncadd.s32 $0xFFFFEC00  }
0x53: {  	s0 =	sadd.s32 $0xFFFFFF80, s26  }
0x54: {  	s28 =	sand.u32 $0xFC00, s0  }
0x55: {  	s0 =	sand.u32 $0x300, s0;
	s28 =	sadd.s32 s7, s28  }
0x56: {  	s0 =	sor.u32 s0, s28  }
0x57: {  	s0 =	sshrl.u32 s0, $0x3  }
0x58: {  	s0 =	sadd.s32 s5, s0  }
0x59: {  	[tilespmem:s19], [sflag:$0x3] =	stream.linear.gather [hbm4b:s0+s4], $0x80, $0x38;
	[tilespmem:$0x15200] =	vst v63  }
0x5a: {  	_ =	swait.ge [sflag:s24], $0x80  }
0x5b: {  	[sflag:s24] =	ssyncset.done $0x0  }
0x5c: {  	s30 =	sand.u32 $0xFC00, s26;
	[sflag:s24] =	ssyncadd.s32 $0xFFFFFF80  }
0x5d: {  	[spmem:s3] =	stream.indirect.scatter.add.f32 [tilespmem:s14], [sflag:$0x5], $0x80, s20, s22, $0xb8;
	[tilespmem:$0x15200] =	vst v63  }
.Ltmp3:
0x5e: {  	s31 =	sand.u32 $0x380, s26;
	s0 =	sadd.s32 s7, s30;
	(pc) =	sbr.rel .LBB2_2-.Ltmp3, $4  }
0x5f: {  	s0 =	sor.u32 s31, s0;
	_ =	swait.ge [sflag:s15], $0x1400  }
0x60: {  	s0 =	sshrl.u32 s0, $0x3;
	[sflag:s15] =	ssyncset.done $0x0  }
0x61: {  	s26 =	sadd.s32 $0x200, s26;
	s0 =	sadd.s32 s5, s0;
	[sflag:s15] =	ssyncadd.s32 $0xFFFFEC00  }
0x62: {  	[tilespmem:s20], [sflag:$0x4] =	stream.linear.gather [hbm4b:s0+s4], $0x80, $0x38;
	[tilespmem:$0x15200] =	vst v63  }
.LBB2_5:
0x63: {  	_ =	sfence.sel $0x180000  }
0x64: {  	[bflag:$0x0] =	sbarrier.arrive $0xFFFF  }
0x65: {  	_ =	strace $0x90000047  }
0x66: {  	[bflag:$0x2] =	sbarrier.arrive $0xFFFF  }
0x67: {  	p0 =	sne.s32 s1, $0x0;
	s0 =	rddreg [dreg:$0x3]  }
0x68: {  	s0 =	sadd.s32 @!p0 $0x100000, s0  }
0x69: {  	[sflag:s0] =	ssyncadd.tile.s32 @!p0 $0x1;
	_ =	shalt  }
.Lfunc_end2:
_tile_overlayer_lowered:
.L_overlay_start_2:
0x6a: {  	(tag) =	ssettag $0x2  }
0x6b: {  	s0 =	rddreg [dreg:$0x0];
	s2 =	stileid.u32  }
0x6c: {  	s1 =	rddreg [dreg:$0x1];
	p0 =	sne.s32 s2, $0x0  }
0x6d: {  	s3 =	rddreg [dreg:$0x2];
	[bflag:$0x3] =	sbarrier.arrive $0xFFFF;
	s2 =	simm.s32 @!p0 $0x1C05  }
0x6e: {  	[timem:s3], [sflag:s2] =	dma.local @!p0 [hbm:s0], s1  }
0x6f: {  	s0 =	simm.s32 @!p0 $0x5  }
0x70: {  	_ =	swait.ge @!p0 [sflag:s0], s1  }
0x71: {  	s1 =	ssub.s32 @!p0 $0x0, s1;
	[sflag:s0] =	ssyncset.done @!p0 $0x0  }
0x72: {  	[sflag:s0] =	ssyncadd.s32 @!p0 s1  }
0x73: {  	[bflag:$0x3] =	sbarrier.arrive $0xFFFF  }
0x74: {  	_ =	shalt  }

</sc_bundles>
